<compile_context>
chip_gen: v7x
topology: tpu7x:2x2x1
jax: 0.10.2.dev20260603
libtpu: 0.0.44.dev20260713+nightly
codegen_flags: <defaults>
</compile_context>

<pallas_src>
import jax
import jax.numpy as jnp
from jax import lax
from jax.experimental import pallas as pl
from jax.experimental.pallas import tpu as pltpu
from jax.experimental.pallas import tpu_sc as plsc

N_USERS = 2048
N_ITEMS = 8192
D = 512
K = 32
N = N_USERS + N_ITEMS
E = 163840

QW = 128
NQ = D // QW
NS = 16
EPT = E // NS
BATCH_E = 128
SCHUNK = 2048
NSC = EPT // SCHUNK
NBS = SCHUNK // BATCH_E
NPAIR = NBS // 2
ROWS_PT = N // NS

_GDN = lax.GatherDimensionNumbers(
    offset_dims=(), collapsed_slice_dims=(0,), start_index_map=(0,))


def _splat_lane(vec16, e):
    idx = jnp.full((16,), e, dtype=jnp.int32)
    return lax.gather(vec16, idx[:, None], _GDN, (1,),
                      mode=lax.GatherScatterMode.PROMISE_IN_BOUNDS)


def _scale_rows(gbuf, val_v, b):
    for g in range(BATCH_E // 16):
        vvv = val_v[pl.ds(b * BATCH_E + g * 16, 16)]

        def body(e, _):
            vv = _splat_lane(vvv, e)
            row = g * 16 + e
            for r in range(QW // 16):
                sl = pl.ds(r * 16, 16)
                gbuf[row, sl] = gbuf[row, sl] * vv
            return 0
        lax.fori_loop(0, 16, body, 0)


def _spmm_body(p_hbm, row2_hbm, col_hbm, val_hbm, out_hbm,
               acc_sh, row2_v, colq_v, val_v, gbuf0, gbuf1,
               sem0, sem1):
    c = lax.axis_index("c")
    s = lax.axis_index("s")

    for p in range(2):
        def zb(i, _):
            for r in range(QW // 16):
                gbuf0[i, pl.ds(r * 16, 16)] = jnp.zeros((16,), jnp.float32)
            return 0
        lax.fori_loop(0, BATCH_E, zb, 0, unroll=4)
        for z in range(ROWS_PT // BATCH_E):
            pltpu.sync_copy(
                gbuf0, acc_sh.at[pl.ds(s * ROWS_PT + z * BATCH_E, BATCH_E)])
        plsc.subcore_barrier()

        off = (2 * p) * N + c * N

        def schunk(sc, _):
            pltpu.sync_copy(
                row2_hbm.at[pl.ds(s * (EPT // BATCH_E) + sc * NBS, NBS)],
                row2_v)
            pltpu.sync_copy(
                col_hbm.at[pl.ds(s * (EPT // BATCH_E) + sc * NBS, NBS)],
                colq_v)
            pltpu.sync_copy(
                val_hbm.at[pl.ds(s * EPT + sc * SCHUNK, SCHUNK)], val_v)

            def addoff(i, _):
                for r in range(QW // 16):
                    sl = pl.ds(r * 16, 16)
                    colq_v[i, sl] = colq_v[i, sl] + off
                return 0
            lax.fori_loop(0, NBS, addoff, 0, unroll=2)

            pltpu.async_copy(p_hbm.at[colq_v.at[0]], gbuf0, sem0)

            def pair(i, _):
                b0 = 2 * i
                d1 = pltpu.async_copy(
                    p_hbm.at[colq_v.at[b0 + 1]], gbuf1, sem1)
                pltpu.make_async_copy(
                    p_hbm.at[colq_v.at[b0]], gbuf0, sem0).wait()
                _scale_rows(gbuf0, val_v, b0)
                pltpu.sync_copy(gbuf0, acc_sh.at[row2_v.at[b0]], add=True)

                @pl.when(i < NPAIR - 1)
                def _():
                    pltpu.async_copy(
                        p_hbm.at[colq_v.at[b0 + 2]], gbuf0, sem0)

                d1.wait()
                _scale_rows(gbuf1, val_v, b0 + 1)
                pltpu.sync_copy(gbuf1, acc_sh.at[row2_v.at[b0 + 1]], add=True)
                return 0

            lax.fori_loop(0, NPAIR, pair, 0)
            return 0

        lax.fori_loop(0, NSC, schunk, 0)
        plsc.subcore_barrier()

        q = 2 * p + c
        pltpu.sync_copy(
            acc_sh.at[pl.ds(s * ROWS_PT, ROWS_PT)],
            out_hbm.at[pl.ds(q * N + s * ROWS_PT, ROWS_PT)])
        plsc.subcore_barrier()


def _spmm(p_q, row2, col2, val):
    mesh = plsc.VectorSubcoreMesh(core_axis_name="c", subcore_axis_name="s")
    return pl.kernel(
        _spmm_body,
        out_type=jax.ShapeDtypeStruct((NQ * N, QW), jnp.float32),
        mesh=mesh,
        scratch_types=[
            pltpu.VMEM_SHARED((N, QW), jnp.float32),
            pltpu.VMEM((NBS, BATCH_E), jnp.int32),
            pltpu.VMEM((NBS, BATCH_E), jnp.int32),
            pltpu.VMEM((SCHUNK,), jnp.float32),
            pltpu.VMEM((BATCH_E, QW), jnp.float32),
            pltpu.VMEM((BATCH_E, QW), jnp.float32),
            pltpu.SemaphoreType.DMA,
            pltpu.SemaphoreType.DMA,
        ],
    )(p_q, row2, col2, val)



_RB = 256
_NRB = N // _RB


def _lin_kernel(x_ref, w_ref, b_ref, o_ref, *, relu):
    x = jnp.concatenate([x_ref[q] for q in range(NQ)], axis=1)
    y = lax.dot_general(x, w_ref[...], (((1,), (1,)), ((), ())),
                        preferred_element_type=jnp.float32)
    y = y + b_ref[...]
    if relu:
        y = jnp.maximum(y, 0.0)
    o_ref[...] = y


def _linear(x3, w, bias, relu):
    import functools
    return pl.pallas_call(
        functools.partial(_lin_kernel, relu=relu),
        grid=(_NRB,),
        in_specs=[
            pl.BlockSpec((NQ, _RB, QW), lambda i: (0, i, 0)),
            pl.BlockSpec((D, D), lambda i: (0, 0)),
            pl.BlockSpec((1, D), lambda i: (0, 0)),
        ],
        out_specs=pl.BlockSpec((_RB, D), lambda i: (i, 0)),
        out_shape=jax.ShapeDtypeStruct((N, D), jnp.float32),
    )(x3, w, bias)


def _norm_kernel(x_ref, o_ref):
    x = x_ref[...]
    nrm = jnp.sqrt(jnp.sum(x * x, axis=1, keepdims=True))
    o_ref[...] = x / (nrm + 1e-8)


def _normalize(h):
    return pl.pallas_call(
        _norm_kernel,
        grid=(_NRB,),
        in_specs=[pl.BlockSpec((_RB, D), lambda i: (i, 0))],
        out_specs=pl.BlockSpec((_RB, D), lambda i: (i, 0)),
        out_shape=jax.ShapeDtypeStruct((N, D), jnp.float32),
    )(h)


_UB = 256
_IB = 2048


def _sim_kernel(u_ref, it_ref, o_ref):
    o_ref[...] = lax.dot_general(
        u_ref[...], it_ref[...], (((1,), (1,)), ((), ())),
        preferred_element_type=jnp.float32)


def _sim(u, it):
    return pl.pallas_call(
        _sim_kernel,
        grid=(N_USERS // _UB, N_ITEMS // _IB),
        in_specs=[
            pl.BlockSpec((_UB, D), lambda i, j: (i, 0)),
            pl.BlockSpec((_IB, D), lambda i, j: (j, 0)),
        ],
        out_specs=pl.BlockSpec((_UB, _IB), lambda i, j: (i, j)),
        out_shape=jax.ShapeDtypeStruct((N_USERS, N_ITEMS), jnp.float32),
    )(u, it)


_TB = 64


def _topk_kernel(s_ref, v_ref, i_ref):
    sim = s_ref[...]
    iota = lax.broadcasted_iota(jnp.int32, (_TB, N_ITEMS), 1)
    vcols = []
    icols = []
    for _ in range(K):
        m = jnp.max(sim, axis=1)
        cand = jnp.where(sim == m[:, None], iota, jnp.int32(N_ITEMS))
        sel = jnp.min(cand, axis=1)
        vcols.append(m[:, None])
        icols.append(sel[:, None])
        sim = jnp.where(iota == sel[:, None], jnp.float32(-3.0e38), sim)
    v_ref[...] = jnp.concatenate(vcols, axis=1)
    i_ref[...] = jnp.concatenate(icols, axis=1)


def _topk(simm):
    return pl.pallas_call(
        _topk_kernel,
        grid=(N_USERS // _TB,),
        in_specs=[pl.BlockSpec((_TB, N_ITEMS), lambda i: (i, 0))],
        out_specs=[
            pl.BlockSpec((_TB, K), lambda i: (i, 0)),
            pl.BlockSpec((_TB, K), lambda i: (i, 0)),
        ],
        out_shape=[
            jax.ShapeDtypeStruct((N_USERS, K), jnp.float32),
            jax.ShapeDtypeStruct((N_USERS, K), jnp.int32),
        ],
    )(simm)


def _quarterize(x):
    n = x.shape[0]
    return x.reshape(n, NQ, QW).transpose(1, 0, 2).reshape(NQ * n, QW)


def kernel(adj_indices, adj_values, user_features, item_features, W0, b0, W1, b1):
    row = adj_indices[0]
    col = adj_indices[1]

    features = jnp.concatenate([user_features, item_features], axis=0)

    agg1 = jax.ops.segment_sum(
        adj_values[:, None] * features[col], row, num_segments=N)
    h1 = _linear(_quarterize(agg1).reshape(NQ, N, QW), W0,
                 b0.reshape(1, D), relu=True)
    agg2 = jax.ops.segment_sum(
        adj_values[:, None] * h1[col], row, num_segments=N)
    h2 = _linear(_quarterize(agg2).reshape(NQ, N, QW), W1,
                 b1.reshape(1, D), relu=False)

    user_emb = h2[:N_USERS]
    item_emb = h2[N_USERS:]
    u = user_emb / (jnp.linalg.norm(user_emb, axis=1, keepdims=True) + 1e-8)
    it = item_emb / (jnp.linalg.norm(item_emb, axis=1, keepdims=True) + 1e-8)
    simm = _sim(u, it)
    vals, idx = _topk(simm)

    rows = jnp.repeat(jnp.arange(N_USERS, dtype=jnp.int32), K)
    cols = idx.reshape(-1) + N_USERS
    weights = vals.reshape(-1)
    row_sym = jnp.concatenate([rows, cols])
    col_sym = jnp.concatenate([cols, rows])
    w_sym = jnp.concatenate([weights, weights])
    return row_sym, col_sym, w_sym

# --- scband reference (transcript-rebuilt; emitter-appended) ---
"""Pipeline reference for scband-user-item-graph2-41343355191814 (READ-ONLY COPY).

The authoritative reference and input builder live on the scoring server;
editing this copy changes nothing except your own understanding.
"""

import jax, jax.numpy as jnp
import numpy as np

N_USERS = 2048
N_ITEMS = 8192
D = 512
K = 32
BATCH = 1024
E = 163840
N = N_USERS + N_ITEMS


def setup_inputs(seed: int = 0):
    key = jax.random.key(seed)
    ks = jax.random.split(key, 8)
    adj_indices = jax.random.randint(ks[0], (2, E), 0, N, dtype=jnp.int32)
    adj_values = jax.random.uniform(ks[1], (E,), dtype=jnp.float32)
    user_features = jax.random.normal(ks[2], (N_USERS, D), dtype=jnp.float32) * 0.1
    item_features = jax.random.normal(ks[3], (N_ITEMS, D), dtype=jnp.float32) * 0.1
    W0 = jax.random.normal(ks[4], (D, D), dtype=jnp.float32) * (1.0 / np.sqrt(D))
    b0 = jnp.zeros((D,), dtype=jnp.float32)
    W1 = jax.random.normal(ks[5], (D, D), dtype=jnp.float32) * (1.0 / np.sqrt(D))
    b1 = jnp.zeros((D,), dtype=jnp.float32)
    return {
        'adj_indices': adj_indices,
        'adj_values': adj_values,
        'user_features': user_features,
        'item_features': item_features,
        'W0': W0, 'b0': b0, 'W1': W1, 'b1': b1,
    }


def _knn_dynamic(user_emb, item_emb, k, batch_size):
    # cosine metric
    u = user_emb / (jnp.linalg.norm(user_emb, axis=1, keepdims=True) + 1e-8)
    it = item_emb / (jnp.linalg.norm(item_emb, axis=1, keepdims=True) + 1e-8)
    rows_l, cols_l, w_l = [], [], []
    for start in range(0, u.shape[0], batch_size):
        ub = u[start:start + batch_size]
        sim = ub @ it.T  # [B, n_items]
        vals, idx = jax.lax.top_k(sim, k)
        b = ub.shape[0]
        rows_l.append(jnp.repeat(jnp.arange(start, start + b, dtype=jnp.int32), k))
        cols_l.append(idx.reshape(-1).astype(jnp.int32))
        w_l.append(vals.reshape(-1))
    rows = jnp.concatenate(rows_l)
    cols = jnp.concatenate(cols_l) + N_USERS  # offset item ids past users
    weights = jnp.concatenate(w_l)
    return rows, cols, weights


def reference(adj_indices, adj_values, user_features, item_features, W0, b0, W1, b1):
    features = jnp.concatenate([user_features, item_features], axis=0)
    row = adj_indices[0]
    col = adj_indices[1]
    # GCN layer 0: sparse mm (adj @ x) then linear, relu
    h = features
    agg = jax.ops.segment_sum(adj_values[:, None] * h[col], row, num_segments=N)
    h = agg @ W0.T + b0
    h = jax.nn.relu(h)
    # GCN layer 1 (last layer: no activation)
    agg = jax.ops.segment_sum(adj_values[:, None] * h[col], row, num_segments=N)
    h = agg @ W1.T + b1
    user_embeddings = h[:N_USERS]
    item_embeddings = h[N_USERS:]
    rows, cols, weights = _knn_dynamic(user_embeddings, item_embeddings, K, BATCH)
    # symmetrize (the torch code then converts to a scipy COO with all-ones weights;
    # we return the COO triplet before host conversion)
    row_sym = jnp.concatenate([rows, cols])
    col_sym = jnp.concatenate([cols, rows])
    w_sym = jnp.concatenate([weights, weights])
    return row_sym, col_sym, w_sym

if __name__ == "__main__":
    import jax
    _d = setup_inputs()
    print(jax.jit(kernel)(*tuple(_d.values())))

</pallas_src>

<mosaic_0001>
module attributes {stable_mosaic.version = 14 : i64} {
  func.func @_lin_kernel(%arg0: i32, %arg1: memref<4x256x128xf32, #tpu.memory_space<vmem>>, %arg2: memref<512x512xf32, #tpu.memory_space<vmem>>, %arg3: memref<1x512xf32, #tpu.memory_space<vmem>>, %arg4: memref<256x512xf32, #tpu.memory_space<vmem>>) attributes {dimension_semantics = [#tpu.dimension_semantics<arbitrary>], iteration_bounds = array<i64: 40>, scalar_prefetch = 0 : i64, scratch_operands = 0 : i64, tpu.core_type = #tpu.core_type<tc>, window_params = [{transform_indices = @transform_0, window_bounds = array<i64: 4, 256, 128>}, {pipeline_mode = #tpu.pipeline_mode<synchronous>, transform_indices = @transform_1, window_bounds = array<i64: 512, 512>}, {pipeline_mode = #tpu.pipeline_mode<synchronous>, transform_indices = @transform_2, window_bounds = array<i64: 1, 512>}, {transform_indices = @transform_3, window_bounds = array<i64: 256, 512>}]} {
    %get3A = arith.constant 0 : index
    %get3A_0 = arith.constant 0 : index
    %get3A_1 = arith.constant 0 : index
    %get3A_2 = vector.load %arg1[%get3A, %get3A_0, %get3A_1] : memref<4x256x128xf32, #tpu.memory_space<vmem>>, vector<1x256x128xf32>
    %get3A_3 = vector.shape_cast %get3A_2 : vector<1x256x128xf32> to vector<256x128xf32>
    %get3A_4 = arith.constant 1 : index
    %get3A_5 = arith.constant 0 : index
    %get3A_6 = arith.constant 0 : index
    %get3A_7 = vector.load %arg1[%get3A_4, %get3A_5, %get3A_6] : memref<4x256x128xf32, #tpu.memory_space<vmem>>, vector<1x256x128xf32>
    %get3A_8 = vector.shape_cast %get3A_7 : vector<1x256x128xf32> to vector<256x128xf32>
    %get3A_9 = arith.constant 2 : index
    %get3A_10 = arith.constant 0 : index
    %get3A_11 = arith.constant 0 : index
    %get3A_12 = vector.load %arg1[%get3A_9, %get3A_10, %get3A_11] : memref<4x256x128xf32, #tpu.memory_space<vmem>>, vector<1x256x128xf32>
    %get3A_13 = vector.shape_cast %get3A_12 : vector<1x256x128xf32> to vector<256x128xf32>
    %get3A_14 = arith.constant 3 : index
    %get3A_15 = arith.constant 0 : index
    %get3A_16 = arith.constant 0 : index
    %get3A_17 = vector.load %arg1[%get3A_14, %get3A_15, %get3A_16] : memref<4x256x128xf32, #tpu.memory_space<vmem>>, vector<1x256x128xf32>
    %get3A_18 = vector.shape_cast %get3A_17 : vector<1x256x128xf32> to vector<256x128xf32>
    %concatenate3A = tpu.concatenate %get3A_3, %get3A_8, %get3A_13, %get3A_18 in 1 : vector<256x128xf32>, vector<256x128xf32>, vector<256x128xf32>, vector<256x128xf32> -> vector<256x512xf32>
    %get3A_19 = arith.constant 0 : index
    %get3A_20 = arith.constant 0 : index
    %get3A_21 = vector.load %arg2[%get3A_19, %get3A_20] : memref<512x512xf32, #tpu.memory_space<vmem>>, vector<512x512xf32>
    %dot_general3A = arith.constant dense<0.000000e+00> : vector<256x512xf32>
    %dot_general3A_22 = tpu.matmul %concatenate3A, %get3A_21, %dot_general3A {dimension_numbers = #tpu.dot_dimension_numbers<[1], [1], [0], [0], [0, 0, 1, 0], [], []>, transpose_lhs_hint = false} : vector<256x512xf32>, vector<512x512xf32>, vector<256x512xf32> -> vector<256x512xf32>
    %get3A_23 = arith.constant 0 : index
    %get3A_24 = arith.constant 0 : index
    %get3A_25 = vector.load %arg3[%get3A_23, %get3A_24] : memref<1x512xf32, #tpu.memory_space<vmem>>, vector<1x512xf32>
    %add3A = vector.broadcast %get3A_25 : vector<1x512xf32> to vector<256x512xf32>
    %add3A_26 = arith.addf %dot_general3A_22, %add3A : vector<256x512xf32>
    %max3A = arith.constant 0.000000e+00 : f32
    %max3A_27 = vector.broadcast %max3A : f32 to vector<256x512xf32>
    %max3A_28 = arith.maximumf %add3A_26, %max3A_27 : vector<256x512xf32>
    %swap3A = arith.constant 0 : index
    %swap3A_29 = arith.constant 0 : index
    %swap3A_30 = vector.load %arg4[%swap3A, %swap3A_29] : memref<256x512xf32, #tpu.memory_space<vmem>>, vector<256x512xf32>
    tpu.vector_store %arg4[%swap3A, %swap3A_29], %max3A_28 {strides = array<i32>} : memref<256x512xf32, #tpu.memory_space<vmem>>, vector<256x512xf32>,
    return
  }
  func.func @transform_0(%arg0: i32) -> (i32, i32, i32) {
    %c0_i32 = arith.constant 0 : i32
    %c0_i32_0 = arith.constant 0 : i32
    %c0_i32_1 = arith.constant 0 : i32
    return %c0_i32, %arg0, %c0_i32_0 : i32, i32, i32
  }
  func.func @transform_1(%arg0: i32) -> (i32, i32) {
    %c0_i32 = arith.constant 0 : i32
    %c0_i32_0 = arith.constant 0 : i32
    %c0_i32_1 = arith.constant 0 : i32
    return %c0_i32, %c0_i32_0 : i32, i32
  }
  func.func @transform_2(%arg0: i32) -> (i32, i32) {
    %c0_i32 = arith.constant 0 : i32
    %c0_i32_0 = arith.constant 0 : i32
    %c0_i32_1 = arith.constant 0 : i32
    return %c0_i32, %c0_i32_0 : i32, i32
  }
  func.func @transform_3(%arg0: i32) -> (i32, i32) {
    %c0_i32 = arith.constant 0 : i32
    %c0_i32_0 = arith.constant 0 : i32
    return %arg0, %c0_i32 : i32, i32
  }
}

module attributes {stable_mosaic.version = 14 : i64} {
  func.func @_lin_kernel(%arg0: i32, %arg1: memref<4x256x128xf32, #tpu.memory_space<vmem>>, %arg2: memref<512x512xf32, #tpu.memory_space<vmem>>, %arg3: memref<1x512xf32, #tpu.memory_space<vmem>>, %arg4: memref<256x512xf32, #tpu.memory_space<vmem>>) attributes {dimension_semantics = [#tpu.dimension_semantics<arbitrary>], iteration_bounds = array<i64: 40>, scalar_prefetch = 0 : i64, scratch_operands = 0 : i64, tpu.core_type = #tpu.core_type<tc>, window_params = [{transform_indices = @transform_0, window_bounds = array<i64: 4, 256, 128>}, {pipeline_mode = #tpu.pipeline_mode<synchronous>, transform_indices = @transform_1, window_bounds = array<i64: 512, 512>}, {pipeline_mode = #tpu.pipeline_mode<synchronous>, transform_indices = @transform_2, window_bounds = array<i64: 1, 512>}, {transform_indices = @transform_3, window_bounds = array<i64: 256, 512>}]} {
    %get3A = arith.constant 0 : index
    %get3A_0 = arith.constant 0 : index
    %get3A_1 = arith.constant 0 : index
    %get3A_2 = vector.load %arg1[%get3A, %get3A_0, %get3A_1] : memref<4x256x128xf32, #tpu.memory_space<vmem>>, vector<1x256x128xf32>
    %get3A_3 = vector.shape_cast %get3A_2 : vector<1x256x128xf32> to vector<256x128xf32>
    %get3A_4 = arith.constant 1 : index
    %get3A_5 = arith.constant 0 : index
    %get3A_6 = arith.constant 0 : index
    %get3A_7 = vector.load %arg1[%get3A_4, %get3A_5, %get3A_6] : memref<4x256x128xf32, #tpu.memory_space<vmem>>, vector<1x256x128xf32>
    %get3A_8 = vector.shape_cast %get3A_7 : vector<1x256x128xf32> to vector<256x128xf32>
    %get3A_9 = arith.constant 2 : index
    %get3A_10 = arith.constant 0 : index
    %get3A_11 = arith.constant 0 : index
    %get3A_12 = vector.load %arg1[%get3A_9, %get3A_10, %get3A_11] : memref<4x256x128xf32, #tpu.memory_space<vmem>>, vector<1x256x128xf32>
    %get3A_13 = vector.shape_cast %get3A_12 : vector<1x256x128xf32> to vector<256x128xf32>
    %get3A_14 = arith.constant 3 : index
    %get3A_15 = arith.constant 0 : index
    %get3A_16 = arith.constant 0 : index
    %get3A_17 = vector.load %arg1[%get3A_14, %get3A_15, %get3A_16] : memref<4x256x128xf32, #tpu.memory_space<vmem>>, vector<1x256x128xf32>
    %get3A_18 = vector.shape_cast %get3A_17 : vector<1x256x128xf32> to vector<256x128xf32>
    %concatenate3A = tpu.concatenate %get3A_3, %get3A_8, %get3A_13, %get3A_18 in 1 : vector<256x128xf32>, vector<256x128xf32>, vector<256x128xf32>, vector<256x128xf32> -> vector<256x512xf32>
    %get3A_19 = arith.constant 0 : index
    %get3A_20 = arith.constant 0 : index
    %get3A_21 = vector.load %arg2[%get3A_19, %get3A_20] : memref<512x512xf32, #tpu.memory_space<vmem>>, vector<512x512xf32>
    %dot_general3A = arith.constant dense<0.000000e+00> : vector<256x512xf32>
    %dot_general3A_22 = tpu.matmul %concatenate3A, %get3A_21, %dot_general3A {dimension_numbers = #tpu.dot_dimension_numbers<[1], [1], [0], [0], [0, 0, 1, 0], [], []>, transpose_lhs_hint = false} : vector<256x512xf32>, vector<512x512xf32>, vector<256x512xf32> -> vector<256x512xf32>
    %get3A_23 = arith.constant 0 : index
    %get3A_24 = arith.constant 0 : index
    %get3A_25 = vector.load %arg3[%get3A_23, %get3A_24] : memref<1x512xf32, #tpu.memory_space<vmem>>, vector<1x512xf32>
    %add3A = vector.broadcast %get3A_25 : vector<1x512xf32> to vector<256x512xf32>
    %add3A_26 = arith.addf %dot_general3A_22, %add3A : vector<256x512xf32>
    %swap3A = arith.constant 0 : index
    %swap3A_27 = arith.constant 0 : index
    %swap3A_28 = vector.load %arg4[%swap3A, %swap3A_27] : memref<256x512xf32, #tpu.memory_space<vmem>>, vector<256x512xf32>
    tpu.vector_store %arg4[%swap3A, %swap3A_27], %add3A_26 {strides = array<i32>} : memref<256x512xf32, #tpu.memory_space<vmem>>, vector<256x512xf32>,
    return
  }
  func.func @transform_0(%arg0: i32) -> (i32, i32, i32) {
    %c0_i32 = arith.constant 0 : i32
    %c0_i32_0 = arith.constant 0 : i32
    %c0_i32_1 = arith.constant 0 : i32
    return %c0_i32, %arg0, %c0_i32_0 : i32, i32, i32
  }
  func.func @transform_1(%arg0: i32) -> (i32, i32) {
    %c0_i32 = arith.constant 0 : i32
    %c0_i32_0 = arith.constant 0 : i32
    %c0_i32_1 = arith.constant 0 : i32
    return %c0_i32, %c0_i32_0 : i32, i32
  }
  func.func @transform_2(%arg0: i32) -> (i32, i32) {
    %c0_i32 = arith.constant 0 : i32
    %c0_i32_0 = arith.constant 0 : i32
    %c0_i32_1 = arith.constant 0 : i32
    return %c0_i32, %c0_i32_0 : i32, i32
  }
  func.func @transform_3(%arg0: i32) -> (i32, i32) {
    %c0_i32 = arith.constant 0 : i32
    %c0_i32_0 = arith.constant 0 : i32
    return %arg0, %c0_i32 : i32, i32
  }
}

module attributes {stable_mosaic.version = 14 : i64} {
  func.func @_sim_kernel(%arg0: i32, %arg1: i32, %arg2: memref<256x512xf32, #tpu.memory_space<vmem>>, %arg3: memref<2048x512xf32, #tpu.memory_space<vmem>>, %arg4: memref<256x2048xf32, #tpu.memory_space<vmem>>) attributes {dimension_semantics = [#tpu.dimension_semantics<arbitrary>, #tpu.dimension_semantics<arbitrary>], iteration_bounds = array<i64: 8, 4>, scalar_prefetch = 0 : i64, scratch_operands = 0 : i64, tpu.core_type = #tpu.core_type<tc>, window_params = [{transform_indices = @transform_0, window_bounds = array<i64: 256, 512>}, {transform_indices = @transform_1, window_bounds = array<i64: 2048, 512>}, {transform_indices = @transform_2, window_bounds = array<i64: 256, 2048>}]} {
    %get3A = arith.constant 0 : index
    %get3A_0 = arith.constant 0 : index
    %get3A_1 = vector.load %arg2[%get3A, %get3A_0] : memref<256x512xf32, #tpu.memory_space<vmem>>, vector<256x512xf32>
    %get3A_2 = arith.constant 0 : index
    %get3A_3 = arith.constant 0 : index
    %get3A_4 = vector.load %arg3[%get3A_2, %get3A_3] : memref<2048x512xf32, #tpu.memory_space<vmem>>, vector<2048x512xf32>
    %dot_general3A = arith.constant dense<0.000000e+00> : vector<256x2048xf32>
    %dot_general3A_5 = tpu.matmul %get3A_1, %get3A_4, %dot_general3A {dimension_numbers = #tpu.dot_dimension_numbers<[1], [1], [0], [0], [0, 0, 1, 0], [], []>, transpose_lhs_hint = false} : vector<256x512xf32>, vector<2048x512xf32>, vector<256x2048xf32> -> vector<256x2048xf32>
    %swap3A = arith.constant 0 : index
    %swap3A_6 = arith.constant 0 : index
    %swap3A_7 = vector.load %arg4[%swap3A, %swap3A_6] : memref<256x2048xf32, #tpu.memory_space<vmem>>, vector<256x2048xf32>
    tpu.vector_store %arg4[%swap3A, %swap3A_6], %dot_general3A_5 {strides = array<i32>} : memref<256x2048xf32, #tpu.memory_space<vmem>>, vector<256x2048xf32>,
    return
  }
  func.func @transform_0(%arg0: i32, %arg1: i32) -> (i32, i32) {
    %c0_i32 = arith.constant 0 : i32
    %c0_i32_0 = arith.constant 0 : i32
    return %arg0, %c0_i32 : i32, i32
  }
  func.func @transform_1(%arg0: i32, %arg1: i32) -> (i32, i32) {
    %c0_i32 = arith.constant 0 : i32
    %c0_i32_0 = arith.constant 0 : i32
    return %arg1, %c0_i32 : i32, i32
  }
  func.func @transform_2(%arg0: i32, %arg1: i32) -> (i32, i32) {
    %c0_i32 = arith.constant 0 : i32
    return %arg0, %arg1 : i32, i32
  }
}

module attributes {stable_mosaic.version = 14 : i64} {
  func.func @_topk_kernel(%arg0: i32, %arg1: memref<64x8192xf32, #tpu.memory_space<vmem>>, %arg2: memref<64x32xf32, #tpu.memory_space<vmem>>, %arg3: memref<64x32xi32, #tpu.memory_space<vmem>>) attributes {dimension_semantics = [#tpu.dimension_semantics<arbitrary>], iteration_bounds = array<i64: 32>, scalar_prefetch = 0 : i64, scratch_operands = 0 : i64, tpu.core_type = #tpu.core_type<tc>, window_params = [{transform_indices = @transform_0, window_bounds = array<i64: 64, 8192>}, {transform_indices = @transform_1, window_bounds = array<i64: 64, 32>}, {transform_indices = @transform_2, window_bounds = array<i64: 64, 32>}]} {
    %get3A = arith.constant 0 : index
    %get3A_0 = arith.constant 0 : index
    %get3A_1 = vector.load %arg1[%get3A, %get3A_0] : memref<64x8192xf32, #tpu.memory_space<vmem>>, vector<64x8192xf32>
    %iota3A = tpu.iota {dimensions = array<i32: 1>} : vector<64x8192xi32>
    %reduce_max3A = arith.constant dense<0xFF800000> : vector<64xf32>
    %reduce_max3A_2 = vector.multi_reduction <maximumf>, %get3A_1, %reduce_max3A [1] : vector<64x8192xf32> to vector<64xf32>
    %broadcast_in_dim3A = vector.shape_cast %reduce_max3A_2 : vector<64xf32> to vector<64x1xf32>
    %eq3A = vector.broadcast %broadcast_in_dim3A : vector<64x1xf32> to vector<64x8192xf32>
    %eq3A_3 = arith.cmpf oeq, %get3A_1, %eq3A : vector<64x8192xf32>
    %jit3A = arith.constant 8192 : i32
    %broadcast_in_dim3A_4 = vector.broadcast %jit3A : i32 to vector<64x8192xi32>
    %select_n3A = arith.select %eq3A_3, %iota3A, %broadcast_in_dim3A_4 : vector<64x8192xi1>, vector<64x8192xi32>
    %reduce_min3A = arith.constant dense<2147483647> : vector<64xi32>
    %reduce_min3A_5 = vector.multi_reduction <minsi>, %select_n3A, %reduce_min3A [1] : vector<64x8192xi32> to vector<64xi32>
    %broadcast_in_dim3A_6 = vector.shape_cast %reduce_max3A_2 : vector<64xf32> to vector<64x1xf32>
    %broadcast_in_dim3A_7 = vector.shape_cast %reduce_min3A_5 : vector<64xi32> to vector<64x1xi32>
    %broadcast_in_dim3A_8 = vector.shape_cast %reduce_min3A_5 : vector<64xi32> to vector<64x1xi32>
    %eq3A_9 = vector.broadcast %broadcast_in_dim3A_8 : vector<64x1xi32> to vector<64x8192xi32>
    %eq3A_10 = arith.cmpi eq, %iota3A, %eq3A_9 : vector<64x8192xi32>
    %jit3A_11 = arith.constant -3.000000e+38 : f32
    %broadcast_in_dim3A_12 = vector.broadcast %jit3A_11 : f32 to vector<64x8192xf32>
    %select_n3A_13 = arith.select %eq3A_10, %broadcast_in_dim3A_12, %get3A_1 : vector<64x8192xi1>, vector<64x8192xf32>
    %reduce_max3A_14 = arith.constant dense<0xFF800000> : vector<64xf32>
    %reduce_max3A_15 = vector.multi_reduction <maximumf>, %select_n3A_13, %reduce_max3A_14 [1] : vector<64x8192xf32> to vector<64xf32>
    %broadcast_in_dim3A_16 = vector.shape_cast %reduce_max3A_15 : vector<64xf32> to vector<64x1xf32>
    %eq3A_17 = vector.broadcast %broadcast_in_dim3A_16 : vector<64x1xf32> to vector<64x8192xf32>
    %eq3A_18 = arith.cmpf oeq, %select_n3A_13, %eq3A_17 : vector<64x8192xf32>
    %jit3A_19 = arith.constant 8192 : i32
    %broadcast_in_dim3A_20 = vector.broadcast %jit3A_19 : i32 to vector<64x8192xi32>
    %select_n3A_21 = arith.select %eq3A_18, %iota3A, %broadcast_in_dim3A_20 : vector<64x8192xi1>, vector<64x8192xi32>
    %reduce_min3A_22 = arith.constant dense<2147483647> : vector<64xi32>
    %reduce_min3A_23 = vector.multi_reduction <minsi>, %select_n3A_21, %reduce_min3A_22 [1] : vector<64x8192xi32> to vector<64xi32>
    %broadcast_in_dim3A_24 = vector.shape_cast %reduce_max3A_15 : vector<64xf32> to vector<64x1xf32>
    %broadcast_in_dim3A_25 = vector.shape_cast %reduce_min3A_23 : vector<64xi32> to vector<64x1xi32>
    %broadcast_in_dim3A_26 = vector.shape_cast %reduce_min3A_23 : vector<64xi32> to vector<64x1xi32>
    %eq3A_27 = vector.broadcast %broadcast_in_dim3A_26 : vector<64x1xi32> to vector<64x8192xi32>
    %eq3A_28 = arith.cmpi eq, %iota3A, %eq3A_27 : vector<64x8192xi32>
    %jit3A_29 = arith.constant -3.000000e+38 : f32
    %broadcast_in_dim3A_30 = vector.broadcast %jit3A_29 : f32 to vector<64x8192xf32>
    %select_n3A_31 = arith.select %eq3A_28, %broadcast_in_dim3A_30, %select_n3A_13 : vector<64x8192xi1>, vector<64x8192xf32>
    %reduce_max3A_32 = arith.constant dense<0xFF800000> : vector<64xf32>
    %reduce_max3A_33 = vector.multi_reduction <maximumf>, %select_n3A_31, %reduce_max3A_32 [1] : vector<64x8192xf32> to vector<64xf32>
    %broadcast_in_dim3A_34 = vector.shape_cast %reduce_max3A_33 : vector<64xf32> to vector<64x1xf32>
    %eq3A_35 = vector.broadcast %broadcast_in_dim3A_34 : vector<64x1xf32> to vector<64x8192xf32>
    %eq3A_36 = arith.cmpf oeq, %select_n3A_31, %eq3A_35 : vector<64x8192xf32>
    %jit3A_37 = arith.constant 8192 : i32
    %broadcast_in_dim3A_38 = vector.broadcast %jit3A_37 : i32 to vector<64x8192xi32>
    %select_n3A_39 = arith.select %eq3A_36, %iota3A, %broadcast_in_dim3A_38 : vector<64x8192xi1>, vector<64x8192xi32>
    %reduce_min3A_40 = arith.constant dense<2147483647> : vector<64xi32>
    %reduce_min3A_41 = vector.multi_reduction <minsi>, %select_n3A_39, %reduce_min3A_40 [1] : vector<64x8192xi32> to vector<64xi32>
    %broadcast_in_dim3A_42 = vector.shape_cast %reduce_max3A_33 : vector<64xf32> to vector<64x1xf32>
    %broadcast_in_dim3A_43 = vector.shape_cast %reduce_min3A_41 : vector<64xi32> to vector<64x1xi32>
    %broadcast_in_dim3A_44 = vector.shape_cast %reduce_min3A_41 : vector<64xi32> to vector<64x1xi32>
    %eq3A_45 = vector.broadcast %broadcast_in_dim3A_44 : vector<64x1xi32> to vector<64x8192xi32>
    %eq3A_46 = arith.cmpi eq, %iota3A, %eq3A_45 : vector<64x8192xi32>
    %jit3A_47 = arith.constant -3.000000e+38 : f32
    %broadcast_in_dim3A_48 = vector.broadcast %jit3A_47 : f32 to vector<64x8192xf32>
    %select_n3A_49 = arith.select %eq3A_46, %broadcast_in_dim3A_48, %select_n3A_31 : vector<64x8192xi1>, vector<64x8192xf32>
    %reduce_max3A_50 = arith.constant dense<0xFF800000> : vector<64xf32>
    %reduce_max3A_51 = vector.multi_reduction <maximumf>, %select_n3A_49, %reduce_max3A_50 [1] : vector<64x8192xf32> to vector<64xf32>
    %broadcast_in_dim3A_52 = vector.shape_cast %reduce_max3A_51 : vector<64xf32> to vector<64x1xf32>
    %eq3A_53 = vector.broadcast %broadcast_in_dim3A_52 : vector<64x1xf32> to vector<64x8192xf32>
    %eq3A_54 = arith.cmpf oeq, %select_n3A_49, %eq3A_53 : vector<64x8192xf32>
    %jit3A_55 = arith.constant 8192 : i32
    %broadcast_in_dim3A_56 = vector.broadcast %jit3A_55 : i32 to vector<64x8192xi32>
    %select_n3A_57 = arith.select %eq3A_54, %iota3A, %broadcast_in_dim3A_56 : vector<64x8192xi1>, vector<64x8192xi32>
    %reduce_min3A_58 = arith.constant dense<2147483647> : vector<64xi32>
    %reduce_min3A_59 = vector.multi_reduction <minsi>, %select_n3A_57, %reduce_min3A_58 [1] : vector<64x8192xi32> to vector<64xi32>
    %broadcast_in_dim3A_60 = vector.shape_cast %reduce_max3A_51 : vector<64xf32> to vector<64x1xf32>
    %broadcast_in_dim3A_61 = vector.shape_cast %reduce_min3A_59 : vector<64xi32> to vector<64x1xi32>
    %broadcast_in_dim3A_62 = vector.shape_cast %reduce_min3A_59 : vector<64xi32> to vector<64x1xi32>
    %eq3A_63 = vector.broadcast %broadcast_in_dim3A_62 : vector<64x1xi32> to vector<64x8192xi32>
    %eq3A_64 = arith.cmpi eq, %iota3A, %eq3A_63 : vector<64x8192xi32>
    %jit3A_65 = arith.constant -3.000000e+38 : f32
    %broadcast_in_dim3A_66 = vector.broadcast %jit3A_65 : f32 to vector<64x8192xf32>
    %select_n3A_67 = arith.select %eq3A_64, %broadcast_in_dim3A_66, %select_n3A_49 : vector<64x8192xi1>, vector<64x8192xf32>
    %reduce_max3A_68 = arith.constant dense<0xFF800000> : vector<64xf32>
    %reduce_max3A_69 = vector.multi_reduction <maximumf>, %select_n3A_67, %reduce_max3A_68 [1] : vector<64x8192xf32> to vector<64xf32>
    %broadcast_in_dim3A_70 = vector.shape_cast %reduce_max3A_69 : vector<64xf32> to vector<64x1xf32>
    %eq3A_71 = vector.broadcast %broadcast_in_dim3A_70 : vector<64x1xf32> to vector<64x8192xf32>
    %eq3A_72 = arith.cmpf oeq, %select_n3A_67, %eq3A_71 : vector<64x8192xf32>
    %jit3A_73 = arith.constant 8192 : i32
    %broadcast_in_dim3A_74 = vector.broadcast %jit3A_73 : i32 to vector<64x8192xi32>
    %select_n3A_75 = arith.select %eq3A_72, %iota3A, %broadcast_in_dim3A_74 : vector<64x8192xi1>, vector<64x8192xi32>
    %reduce_min3A_76 = arith.constant dense<2147483647> : vector<64xi32>
    %reduce_min3A_77 = vector.multi_reduction <minsi>, %select_n3A_75, %reduce_min3A_76 [1] : vector<64x8192xi32> to vector<64xi32>
    %broadcast_in_dim3A_78 = vector.shape_cast %reduce_max3A_69 : vector<64xf32> to vector<64x1xf32>
    %broadcast_in_dim3A_79 = vector.shape_cast %reduce_min3A_77 : vector<64xi32> to vector<64x1xi32>
    %broadcast_in_dim3A_80 = vector.shape_cast %reduce_min3A_77 : vector<64xi32> to vector<64x1xi32>
    %eq3A_81 = vector.broadcast %broadcast_in_dim3A_80 : vector<64x1xi32> to vector<64x8192xi32>
    %eq3A_82 = arith.cmpi eq, %iota3A, %eq3A_81 : vector<64x8192xi32>
    %jit3A_83 = arith.constant -3.000000e+38 : f32
    %broadcast_in_dim3A_84 = vector.broadcast %jit3A_83 : f32 to vector<64x8192xf32>
    %select_n3A_85 = arith.select %eq3A_82, %broadcast_in_dim3A_84, %select_n3A_67 : vector<64x8192xi1>, vector<64x8192xf32>
    %reduce_max3A_86 = arith.constant dense<0xFF800000> : vector<64xf32>
    %reduce_max3A_87 = vector.multi_reduction <maximumf>, %select_n3A_85, %reduce_max3A_86 [1] : vector<64x8192xf32> to vector<64xf32>
    %broadcast_in_dim3A_88 = vector.shape_cast %reduce_max3A_87 : vector<64xf32> to vector<64x1xf32>
    %eq3A_89 = vector.broadcast %broadcast_in_dim3A_88 : vector<64x1xf32> to vector<64x8192xf32>
    %eq3A_90 = arith.cmpf oeq, %select_n3A_85, %eq3A_89 : vector<64x8192xf32>
    %jit3A_91 = arith.constant 8192 : i32
    %broadcast_in_dim3A_92 = vector.broadcast %jit3A_91 : i32 to vector<64x8192xi32>
    %select_n3A_93 = arith.select %eq3A_90, %iota3A, %broadcast_in_dim3A_92 : vector<64x8192xi1>, vector<64x8192xi32>
    %reduce_min3A_94 = arith.constant dense<2147483647> : vector<64xi32>
    %reduce_min3A_95 = vector.multi_reduction <minsi>, %select_n3A_93, %reduce_min3A_94 [1] : vector<64x8192xi32> to vector<64xi32>
    %broadcast_in_dim3A_96 = vector.shape_cast %reduce_max3A_87 : vector<64xf32> to vector<64x1xf32>
    %broadcast_in_dim3A_97 = vector.shape_cast %reduce_min3A_95 : vector<64xi32> to vector<64x1xi32>
    %broadcast_in_dim3A_98 = vector.shape_cast %reduce_min3A_95 : vector<64xi32> to vector<64x1xi32>
    %eq3A_99 = vector.broadcast %broadcast_in_dim3A_98 : vector<64x1xi32> to vector<64x8192xi32>
    %eq3A_100 = arith.cmpi eq, %iota3A, %eq3A_99 : vector<64x8192xi32>
    %jit3A_101 = arith.constant -3.000000e+38 : f32
    %broadcast_in_dim3A_102 = vector.broadcast %jit3A_101 : f32 to vector<64x8192xf32>
    %select_n3A_103 = arith.select %eq3A_100, %broadcast_in_dim3A_102, %select_n3A_85 : vector<64x8192xi1>, vector<64x8192xf32>
    %reduce_max3A_104 = arith.constant dense<0xFF800000> : vector<64xf32>
    %reduce_max3A_105 = vector.multi_reduction <maximumf>, %select_n3A_103, %reduce_max3A_104 [1] : vector<64x8192xf32> to vector<64xf32>
    %broadcast_in_dim3A_106 = vector.shape_cast %reduce_max3A_105 : vector<64xf32> to vector<64x1xf32>
    %eq3A_107 = vector.broadcast %broadcast_in_dim3A_106 : vector<64x1xf32> to vector<64x8192xf32>
    %eq3A_108 = arith.cmpf oeq, %select_n3A_103, %eq3A_107 : vector<64x8192xf32>
    %jit3A_109 = arith.constant 8192 : i32
    %broadcast_in_dim3A_110 = vector.broadcast %jit3A_109 : i32 to vector<64x8192xi32>
    %select_n3A_111 = arith.select %eq3A_108, %iota3A, %broadcast_in_dim3A_110 : vector<64x8192xi1>, vector<64x8192xi32>
    %reduce_min3A_112 = arith.constant dense<2147483647> : vector<64xi32>
    %reduce_min3A_113 = vector.multi_reduction <minsi>, %select_n3A_111, %reduce_min3A_112 [1] : vector<64x8192xi32> to vector<64xi32>
    %broadcast_in_dim3A_114 = vector.shape_cast %reduce_max3A_105 : vector<64xf32> to vector<64x1xf32>
    %broadcast_in_dim3A_115 = vector.shape_cast %reduce_min3A_113 : vector<64xi32> to vector<64x1xi32>
    %broadcast_in_dim3A_116 = vector.shape_cast %reduce_min3A_113 : vector<64xi32> to vector<64x1xi32>
    %eq3A_117 = vector.broadcast %broadcast_in_dim3A_116 : vector<64x1xi32> to vector<64x8192xi32>
    %eq3A_118 = arith.cmpi eq, %iota3A, %eq3A_117 : vector<64x8192xi32>
    %jit3A_119 = arith.constant -3.000000e+38 : f32
    %broadcast_in_dim3A_120 = vector.broadcast %jit3A_119 : f32 to vector<64x8192xf32>
    %select_n3A_121 = arith.select %eq3A_118, %broadcast_in_dim3A_120, %select_n3A_103 : vector<64x8192xi1>, vector<64x8192xf32>
    %reduce_max3A_122 = arith.constant dense<0xFF800000> : vector<64xf32>
    %reduce_max3A_123 = vector.multi_reduction <maximumf>, %select_n3A_121, %reduce_max3A_122 [1] : vector<64x8192xf32> to vector<64xf32>
    %broadcast_in_dim3A_124 = vector.shape_cast %reduce_max3A_123 : vector<64xf32> to vector<64x1xf32>
    %eq3A_125 = vector.broadcast %broadcast_in_dim3A_124 : vector<64x1xf32> to vector<64x8192xf32>
    %eq3A_126 = arith.cmpf oeq, %select_n3A_121, %eq3A_125 : vector<64x8192xf32>
    %jit3A_127 = arith.constant 8192 : i32
    %broadcast_in_dim3A_128 = vector.broadcast %jit3A_127 : i32 to vector<64x8192xi32>
    %select_n3A_129 = arith.select %eq3A_126, %iota3A, %broadcast_in_dim3A_128 : vector<64x8192xi1>, vector<64x8192xi32>
    %reduce_min3A_130 = arith.constant dense<2147483647> : vector<64xi32>
    %reduce_min3A_131 = vector.multi_reduction <minsi>, %select_n3A_129, %reduce_min3A_130 [1] : vector<64x8192xi32> to vector<64xi32>
    %broadcast_in_dim3A_132 = vector.shape_cast %reduce_max3A_123 : vector<64xf32> to vector<64x1xf32>
    %broadcast_in_dim3A_133 = vector.shape_cast %reduce_min3A_131 : vector<64xi32> to vector<64x1xi32>
    %broadcast_in_dim3A_134 = vector.shape_cast %reduce_min3A_131 : vector<64xi32> to vector<64x1xi32>
    %eq3A_135 = vector.broadcast %broadcast_in_dim3A_134 : vector<64x1xi32> to vector<64x8192xi32>
    %eq3A_136 = arith.cmpi eq, %iota3A, %eq3A_135 : vector<64x8192xi32>
    %jit3A_137 = arith.constant -3.000000e+38 : f32
    %broadcast_in_dim3A_138 = vector.broadcast %jit3A_137 : f32 to vector<64x8192xf32>
    %select_n3A_139 = arith.select %eq3A_136, %broadcast_in_dim3A_138, %select_n3A_121 : vector<64x8192xi1>, vector<64x8192xf32>
    %reduce_max3A_140 = arith.constant dense<0xFF800000> : vector<64xf32>
    %reduce_max3A_141 = vector.multi_reduction <maximumf>, %select_n3A_139, %reduce_max3A_140 [1] : vector<64x8192xf32> to vector<64xf32>
    %broadcast_in_dim3A_142 = vector.shape_cast %reduce_max3A_141 : vector<64xf32> to vector<64x1xf32>
    %eq3A_143 = vector.broadcast %broadcast_in_dim3A_142 : vector<64x1xf32> to vector<64x8192xf32>
    %eq3A_144 = arith.cmpf oeq, %select_n3A_139, %eq3A_143 : vector<64x8192xf32>
    %jit3A_145 = arith.constant 8192 : i32
    %broadcast_in_dim3A_146 = vector.broadcast %jit3A_145 : i32 to vector<64x8192xi32>
    %select_n3A_147 = arith.select %eq3A_144, %iota3A, %broadcast_in_dim3A_146 : vector<64x8192xi1>, vector<64x8192xi32>
    %reduce_min3A_148 = arith.constant dense<2147483647> : vector<64xi32>
    %reduce_min3A_149 = vector.multi_reduction <minsi>, %select_n3A_147, %reduce_min3A_148 [1] : vector<64x8192xi32> to vector<64xi32>
    %broadcast_in_dim3A_150 = vector.shape_cast %reduce_max3A_141 : vector<64xf32> to vector<64x1xf32>
    %broadcast_in_dim3A_151 = vector.shape_cast %reduce_min3A_149 : vector<64xi32> to vector<64x1xi32>
    %broadcast_in_dim3A_152 = vector.shape_cast %reduce_min3A_149 : vector<64xi32> to vector<64x1xi32>
    %eq3A_153 = vector.broadcast %broadcast_in_dim3A_152 : vector<64x1xi32> to vector<64x8192xi32>
    %eq3A_154 = arith.cmpi eq, %iota3A, %eq3A_153 : vector<64x8192xi32>
    %jit3A_155 = arith.constant -3.000000e+38 : f32
    %broadcast_in_dim3A_156 = vector.broadcast %jit3A_155 : f32 to vector<64x8192xf32>
    %select_n3A_157 = arith.select %eq3A_154, %broadcast_in_dim3A_156, %select_n3A_139 : vector<64x8192xi1>, vector<64x8192xf32>
    %reduce_max3A_158 = arith.constant dense<0xFF800000> : vector<64xf32>
    %reduce_max3A_159 = vector.multi_reduction <maximumf>, %select_n3A_157, %reduce_max3A_158 [1] : vector<64x8192xf32> to vector<64xf32>
    %broadcast_in_dim3A_160 = vector.shape_cast %reduce_max3A_159 : vector<64xf32> to vector<64x1xf32>
    %eq3A_161 = vector.broadcast %broadcast_in_dim3A_160 : vector<64x1xf32> to vector<64x8192xf32>
    %eq3A_162 = arith.cmpf oeq, %select_n3A_157, %eq3A_161 : vector<64x8192xf32>
    %jit3A_163 = arith.constant 8192 : i32
    %broadcast_in_dim3A_164 = vector.broadcast %jit3A_163 : i32 to vector<64x8192xi32>
    %select_n3A_165 = arith.select %eq3A_162, %iota3A, %broadcast_in_dim3A_164 : vector<64x8192xi1>, vector<64x8192xi32>
    %reduce_min3A_166 = arith.constant dense<2147483647> : vector<64xi32>
    %reduce_min3A_167 = vector.multi_reduction <minsi>, %select_n3A_165, %reduce_min3A_166 [1] : vector<64x8192xi32> to vector<64xi32>
    %broadcast_in_dim3A_168 = vector.shape_cast %reduce_max3A_159 : vector<64xf32> to vector<64x1xf32>
    %broadcast_in_dim3A_169 = vector.shape_cast %reduce_min3A_167 : vector<64xi32> to vector<64x1xi32>
    %broadcast_in_dim3A_170 = vector.shape_cast %reduce_min3A_167 : vector<64xi32> to vector<64x1xi32>
    %eq3A_171 = vector.broadcast %broadcast_in_dim3A_170 : vector<64x1xi32> to vector<64x8192xi32>
    %eq3A_172 = arith.cmpi eq, %iota3A, %eq3A_171 : vector<64x8192xi32>
    %jit3A_173 = arith.constant -3.000000e+38 : f32
    %broadcast_in_dim3A_174 = vector.broadcast %jit3A_173 : f32 to vector<64x8192xf32>
    %select_n3A_175 = arith.select %eq3A_172, %broadcast_in_dim3A_174, %select_n3A_157 : vector<64x8192xi1>, vector<64x8192xf32>
    %reduce_max3A_176 = arith.constant dense<0xFF800000> : vector<64xf32>
    %reduce_max3A_177 = vector.multi_reduction <maximumf>, %select_n3A_175, %reduce_max3A_176 [1] : vector<64x8192xf32> to vector<64xf32>
    %broadcast_in_dim3A_178 = vector.shape_cast %reduce_max3A_177 : vector<64xf32> to vector<64x1xf32>
    %eq3A_179 = vector.broadcast %broadcast_in_dim3A_178 : vector<64x1xf32> to vector<64x8192xf32>
    %eq3A_180 = arith.cmpf oeq, %select_n3A_175, %eq3A_179 : vector<64x8192xf32>
    %jit3A_181 = arith.constant 8192 : i32
    %broadcast_in_dim3A_182 = vector.broadcast %jit3A_181 : i32 to vector<64x8192xi32>
    %select_n3A_183 = arith.select %eq3A_180, %iota3A, %broadcast_in_dim3A_182 : vector<64x8192xi1>, vector<64x8192xi32>
    %reduce_min3A_184 = arith.constant dense<2147483647> : vector<64xi32>
    %reduce_min3A_185 = vector.multi_reduction <minsi>, %select_n3A_183, %reduce_min3A_184 [1] : vector<64x8192xi32> to vector<64xi32>
    %broadcast_in_dim3A_186 = vector.shape_cast %reduce_max3A_177 : vector<64xf32> to vector<64x1xf32>
    %broadcast_in_dim3A_187 = vector.shape_cast %reduce_min3A_185 : vector<64xi32> to vector<64x1xi32>
    %broadcast_in_dim3A_188 = vector.shape_cast %reduce_min3A_185 : vector<64xi32> to vector<64x1xi32>
    %eq3A_189 = vector.broadcast %broadcast_in_dim3A_188 : vector<64x1xi32> to vector<64x8192xi32>
    %eq3A_190 = arith.cmpi eq, %iota3A, %eq3A_189 : vector<64x8192xi32>
    %jit3A_191 = arith.constant -3.000000e+38 : f32
    %broadcast_in_dim3A_192 = vector.broadcast %jit3A_191 : f32 to vector<64x8192xf32>
    %select_n3A_193 = arith.select %eq3A_190, %broadcast_in_dim3A_192, %select_n3A_175 : vector<64x8192xi1>, vector<64x8192xf32>
    %reduce_max3A_194 = arith.constant dense<0xFF800000> : vector<64xf32>
    %reduce_max3A_195 = vector.multi_reduction <maximumf>, %select_n3A_193, %reduce_max3A_194 [1] : vector<64x8192xf32> to vector<64xf32>
    %broadcast_in_dim3A_196 = vector.shape_cast %reduce_max3A_195 : vector<64xf32> to vector<64x1xf32>
    %eq3A_197 = vector.broadcast %broadcast_in_dim3A_196 : vector<64x1xf32> to vector<64x8192xf32>
    %eq3A_198 = arith.cmpf oeq, %select_n3A_193, %eq3A_197 : vector<64x8192xf32>
    %jit3A_199 = arith.constant 8192 : i32
    %broadcast_in_dim3A_200 = vector.broadcast %jit3A_199 : i32 to vector<64x8192xi32>
    %select_n3A_201 = arith.select %eq3A_198, %iota3A, %broadcast_in_dim3A_200 : vector<64x8192xi1>, vector<64x8192xi32>
    %reduce_min3A_202 = arith.constant dense<2147483647> : vector<64xi32>
    %reduce_min3A_203 = vector.multi_reduction <minsi>, %select_n3A_201, %reduce_min3A_202 [1] : vector<64x8192xi32> to vector<64xi32>
    %broadcast_in_dim3A_204 = vector.shape_cast %reduce_max3A_195 : vector<64xf32> to vector<64x1xf32>
    %broadcast_in_dim3A_205 = vector.shape_cast %reduce_min3A_203 : vector<64xi32> to vector<64x1xi32>
    %broadcast_in_dim3A_206 = vector.shape_cast %reduce_min3A_203 : vector<64xi32> to vector<64x1xi32>
    %eq3A_207 = vector.broadcast %broadcast_in_dim3A_206 : vector<64x1xi32> to vector<64x8192xi32>
    %eq3A_208 = arith.cmpi eq, %iota3A, %eq3A_207 : vector<64x8192xi32>
    %jit3A_209 = arith.constant -3.000000e+38 : f32
    %broadcast_in_dim3A_210 = vector.broadcast %jit3A_209 : f32 to vector<64x8192xf32>
    %select_n3A_211 = arith.select %eq3A_208, %broadcast_in_dim3A_210, %select_n3A_193 : vector<64x8192xi1>, vector<64x8192xf32>
    %reduce_max3A_212 = arith.constant dense<0xFF800000> : vector<64xf32>
    %reduce_max3A_213 = vector.multi_reduction <maximumf>, %select_n3A_211, %reduce_max3A_212 [1] : vector<64x8192xf32> to vector<64xf32>
    %broadcast_in_dim3A_214 = vector.shape_cast %reduce_max3A_213 : vector<64xf32> to vector<64x1xf32>
    %eq3A_215 = vector.broadcast %broadcast_in_dim3A_214 : vector<64x1xf32> to vector<64x8192xf32>
    %eq3A_216 = arith.cmpf oeq, %select_n3A_211, %eq3A_215 : vector<64x8192xf32>
    %jit3A_217 = arith.constant 8192 : i32
    %broadcast_in_dim3A_218 = vector.broadcast %jit3A_217 : i32 to vector<64x8192xi32>
    %select_n3A_219 = arith.select %eq3A_216, %iota3A, %broadcast_in_dim3A_218 : vector<64x8192xi1>, vector<64x8192xi32>
    %reduce_min3A_220 = arith.constant dense<2147483647> : vector<64xi32>
    %reduce_min3A_221 = vector.multi_reduction <minsi>, %select_n3A_219, %reduce_min3A_220 [1] : vector<64x8192xi32> to vector<64xi32>
    %broadcast_in_dim3A_222 = vector.shape_cast %reduce_max3A_213 : vector<64xf32> to vector<64x1xf32>
    %broadcast_in_dim3A_223 = vector.shape_cast %reduce_min3A_221 : vector<64xi32> to vector<64x1xi32>
    %broadcast_in_dim3A_224 = vector.shape_cast %reduce_min3A_221 : vector<64xi32> to vector<64x1xi32>
    %eq3A_225 = vector.broadcast %broadcast_in_dim3A_224 : vector<64x1xi32> to vector<64x8192xi32>
    %eq3A_226 = arith.cmpi eq, %iota3A, %eq3A_225 : vector<64x8192xi32>
    %jit3A_227 = arith.constant -3.000000e+38 : f32
    %broadcast_in_dim3A_228 = vector.broadcast %jit3A_227 : f32 to vector<64x8192xf32>
    %select_n3A_229 = arith.select %eq3A_226, %broadcast_in_dim3A_228, %select_n3A_211 : vector<64x8192xi1>, vector<64x8192xf32>
    %reduce_max3A_230 = arith.constant dense<0xFF800000> : vector<64xf32>
    %reduce_max3A_231 = vector.multi_reduction <maximumf>, %select_n3A_229, %reduce_max3A_230 [1] : vector<64x8192xf32> to vector<64xf32>
    %broadcast_in_dim3A_232 = vector.shape_cast %reduce_max3A_231 : vector<64xf32> to vector<64x1xf32>
    %eq3A_233 = vector.broadcast %broadcast_in_dim3A_232 : vector<64x1xf32> to vector<64x8192xf32>
    %eq3A_234 = arith.cmpf oeq, %select_n3A_229, %eq3A_233 : vector<64x8192xf32>
    %jit3A_235 = arith.constant 8192 : i32
    %broadcast_in_dim3A_236 = vector.broadcast %jit3A_235 : i32 to vector<64x8192xi32>
    %select_n3A_237 = arith.select %eq3A_234, %iota3A, %broadcast_in_dim3A_236 : vector<64x8192xi1>, vector<64x8192xi32>
    %reduce_min3A_238 = arith.constant dense<2147483647> : vector<64xi32>
    %reduce_min3A_239 = vector.multi_reduction <minsi>, %select_n3A_237, %reduce_min3A_238 [1] : vector<64x8192xi32> to vector<64xi32>
    %broadcast_in_dim3A_240 = vector.shape_cast %reduce_max3A_231 : vector<64xf32> to vector<64x1xf32>
    %broadcast_in_dim3A_241 = vector.shape_cast %reduce_min3A_239 : vector<64xi32> to vector<64x1xi32>
    %broadcast_in_dim3A_242 = vector.shape_cast %reduce_min3A_239 : vector<64xi32> to vector<64x1xi32>
    %eq3A_243 = vector.broadcast %broadcast_in_dim3A_242 : vector<64x1xi32> to vector<64x8192xi32>
    %eq3A_244 = arith.cmpi eq, %iota3A, %eq3A_243 : vector<64x8192xi32>
    %jit3A_245 = arith.constant -3.000000e+38 : f32
    %broadcast_in_dim3A_246 = vector.broadcast %jit3A_245 : f32 to vector<64x8192xf32>
    %select_n3A_247 = arith.select %eq3A_244, %broadcast_in_dim3A_246, %select_n3A_229 : vector<64x8192xi1>, vector<64x8192xf32>
    %reduce_max3A_248 = arith.constant dense<0xFF800000> : vector<64xf32>
    %reduce_max3A_249 = vector.multi_reduction <maximumf>, %select_n3A_247, %reduce_max3A_248 [1] : vector<64x8192xf32> to vector<64xf32>
    %broadcast_in_dim3A_250 = vector.shape_cast %reduce_max3A_249 : vector<64xf32> to vector<64x1xf32>
    %eq3A_251 = vector.broadcast %broadcast_in_dim3A_250 : vector<64x1xf32> to vector<64x8192xf32>
    %eq3A_252 = arith.cmpf oeq, %select_n3A_247, %eq3A_251 : vector<64x8192xf32>
    %jit3A_253 = arith.constant 8192 : i32
    %broadcast_in_dim3A_254 = vector.broadcast %jit3A_253 : i32 to vector<64x8192xi32>
    %select_n3A_255 = arith.select %eq3A_252, %iota3A, %broadcast_in_dim3A_254 : vector<64x8192xi1>, vector<64x8192xi32>
    %reduce_min3A_256 = arith.constant dense<2147483647> : vector<64xi32>
    %reduce_min3A_257 = vector.multi_reduction <minsi>, %select_n3A_255, %reduce_min3A_256 [1] : vector<64x8192xi32> to vector<64xi32>
    %broadcast_in_dim3A_258 = vector.shape_cast %reduce_max3A_249 : vector<64xf32> to vector<64x1xf32>
    %broadcast_in_dim3A_259 = vector.shape_cast %reduce_min3A_257 : vector<64xi32> to vector<64x1xi32>
    %broadcast_in_dim3A_260 = vector.shape_cast %reduce_min3A_257 : vector<64xi32> to vector<64x1xi32>
    %eq3A_261 = vector.broadcast %broadcast_in_dim3A_260 : vector<64x1xi32> to vector<64x8192xi32>
    %eq3A_262 = arith.cmpi eq, %iota3A, %eq3A_261 : vector<64x8192xi32>
    %jit3A_263 = arith.constant -3.000000e+38 : f32
    %broadcast_in_dim3A_264 = vector.broadcast %jit3A_263 : f32 to vector<64x8192xf32>
    %select_n3A_265 = arith.select %eq3A_262, %broadcast_in_dim3A_264, %select_n3A_247 : vector<64x8192xi1>, vector<64x8192xf32>
    %reduce_max3A_266 = arith.constant dense<0xFF800000> : vector<64xf32>
    %reduce_max3A_267 = vector.multi_reduction <maximumf>, %select_n3A_265, %reduce_max3A_266 [1] : vector<64x8192xf32> to vector<64xf32>
    %broadcast_in_dim3A_268 = vector.shape_cast %reduce_max3A_267 : vector<64xf32> to vector<64x1xf32>
    %eq3A_269 = vector.broadcast %broadcast_in_dim3A_268 : vector<64x1xf32> to vector<64x8192xf32>
    %eq3A_270 = arith.cmpf oeq, %select_n3A_265, %eq3A_269 : vector<64x8192xf32>
    %jit3A_271 = arith.constant 8192 : i32
    %broadcast_in_dim3A_272 = vector.broadcast %jit3A_271 : i32 to vector<64x8192xi32>
    %select_n3A_273 = arith.select %eq3A_270, %iota3A, %broadcast_in_dim3A_272 : vector<64x8192xi1>, vector<64x8192xi32>
    %reduce_min3A_274 = arith.constant dense<2147483647> : vector<64xi32>
    %reduce_min3A_275 = vector.multi_reduction <minsi>, %select_n3A_273, %reduce_min3A_274 [1] : vector<64x8192xi32> to vector<64xi32>
    %broadcast_in_dim3A_276 = vector.shape_cast %reduce_max3A_267 : vector<64xf32> to vector<64x1xf32>
    %broadcast_in_dim3A_277 = vector.shape_cast %reduce_min3A_275 : vector<64xi32> to vector<64x1xi32>
    %broadcast_in_dim3A_278 = vector.shape_cast %reduce_min3A_275 : vector<64xi32> to vector<64x1xi32>
    %eq3A_279 = vector.broadcast %broadcast_in_dim3A_278 : vector<64x1xi32> to vector<64x8192xi32>
    %eq3A_280 = arith.cmpi eq, %iota3A, %eq3A_279 : vector<64x8192xi32>
    %jit3A_281 = arith.constant -3.000000e+38 : f32
    %broadcast_in_dim3A_282 = vector.broadcast %jit3A_281 : f32 to vector<64x8192xf32>
    %select_n3A_283 = arith.select %eq3A_280, %broadcast_in_dim3A_282, %select_n3A_265 : vector<64x8192xi1>, vector<64x8192xf32>
    %reduce_max3A_284 = arith.constant dense<0xFF800000> : vector<64xf32>
    %reduce_max3A_285 = vector.multi_reduction <maximumf>, %select_n3A_283, %reduce_max3A_284 [1] : vector<64x8192xf32> to vector<64xf32>
    %broadcast_in_dim3A_286 = vector.shape_cast %reduce_max3A_285 : vector<64xf32> to vector<64x1xf32>
    %eq3A_287 = vector.broadcast %broadcast_in_dim3A_286 : vector<64x1xf32> to vector<64x8192xf32>
    %eq3A_288 = arith.cmpf oeq, %select_n3A_283, %eq3A_287 : vector<64x8192xf32>
    %jit3A_289 = arith.constant 8192 : i32
    %broadcast_in_dim3A_290 = vector.broadcast %jit3A_289 : i32 to vector<64x8192xi32>
    %select_n3A_291 = arith.select %eq3A_288, %iota3A, %broadcast_in_dim3A_290 : vector<64x8192xi1>, vector<64x8192xi32>
    %reduce_min3A_292 = arith.constant dense<2147483647> : vector<64xi32>
    %reduce_min3A_293 = vector.multi_reduction <minsi>, %select_n3A_291, %reduce_min3A_292 [1] : vector<64x8192xi32> to vector<64xi32>
    %broadcast_in_dim3A_294 = vector.shape_cast %reduce_max3A_285 : vector<64xf32> to vector<64x1xf32>
    %broadcast_in_dim3A_295 = vector.shape_cast %reduce_min3A_293 : vector<64xi32> to vector<64x1xi32>
    %broadcast_in_dim3A_296 = vector.shape_cast %reduce_min3A_293 : vector<64xi32> to vector<64x1xi32>
    %eq3A_297 = vector.broadcast %broadcast_in_dim3A_296 : vector<64x1xi32> to vector<64x8192xi32>
    %eq3A_298 = arith.cmpi eq, %iota3A, %eq3A_297 : vector<64x8192xi32>
    %jit3A_299 = arith.constant -3.000000e+38 : f32
    %broadcast_in_dim3A_300 = vector.broadcast %jit3A_299 : f32 to vector<64x8192xf32>
    %select_n3A_301 = arith.select %eq3A_298, %broadcast_in_dim3A_300, %select_n3A_283 : vector<64x8192xi1>, vector<64x8192xf32>
    %reduce_max3A_302 = arith.constant dense<0xFF800000> : vector<64xf32>
    %reduce_max3A_303 = vector.multi_reduction <maximumf>, %select_n3A_301, %reduce_max3A_302 [1] : vector<64x8192xf32> to vector<64xf32>
    %broadcast_in_dim3A_304 = vector.shape_cast %reduce_max3A_303 : vector<64xf32> to vector<64x1xf32>
    %eq3A_305 = vector.broadcast %broadcast_in_dim3A_304 : vector<64x1xf32> to vector<64x8192xf32>
    %eq3A_306 = arith.cmpf oeq, %select_n3A_301, %eq3A_305 : vector<64x8192xf32>
    %jit3A_307 = arith.constant 8192 : i32
    %broadcast_in_dim3A_308 = vector.broadcast %jit3A_307 : i32 to vector<64x8192xi32>
    %select_n3A_309 = arith.select %eq3A_306, %iota3A, %broadcast_in_dim3A_308 : vector<64x8192xi1>, vector<64x8192xi32>
    %reduce_min3A_310 = arith.constant dense<2147483647> : vector<64xi32>
    %reduce_min3A_311 = vector.multi_reduction <minsi>, %select_n3A_309, %reduce_min3A_310 [1] : vector<64x8192xi32> to vector<64xi32>
    %broadcast_in_dim3A_312 = vector.shape_cast %reduce_max3A_303 : vector<64xf32> to vector<64x1xf32>
    %broadcast_in_dim3A_313 = vector.shape_cast %reduce_min3A_311 : vector<64xi32> to vector<64x1xi32>
    %broadcast_in_dim3A_314 = vector.shape_cast %reduce_min3A_311 : vector<64xi32> to vector<64x1xi32>
    %eq3A_315 = vector.broadcast %broadcast_in_dim3A_314 : vector<64x1xi32> to vector<64x8192xi32>
    %eq3A_316 = arith.cmpi eq, %iota3A, %eq3A_315 : vector<64x8192xi32>
    %jit3A_317 = arith.constant -3.000000e+38 : f32
    %broadcast_in_dim3A_318 = vector.broadcast %jit3A_317 : f32 to vector<64x8192xf32>
    %select_n3A_319 = arith.select %eq3A_316, %broadcast_in_dim3A_318, %select_n3A_301 : vector<64x8192xi1>, vector<64x8192xf32>
    %reduce_max3A_320 = arith.constant dense<0xFF800000> : vector<64xf32>
    %reduce_max3A_321 = vector.multi_reduction <maximumf>, %select_n3A_319, %reduce_max3A_320 [1] : vector<64x8192xf32> to vector<64xf32>
    %broadcast_in_dim3A_322 = vector.shape_cast %reduce_max3A_321 : vector<64xf32> to vector<64x1xf32>
    %eq3A_323 = vector.broadcast %broadcast_in_dim3A_322 : vector<64x1xf32> to vector<64x8192xf32>
    %eq3A_324 = arith.cmpf oeq, %select_n3A_319, %eq3A_323 : vector<64x8192xf32>
    %jit3A_325 = arith.constant 8192 : i32
    %broadcast_in_dim3A_326 = vector.broadcast %jit3A_325 : i32 to vector<64x8192xi32>
    %select_n3A_327 = arith.select %eq3A_324, %iota3A, %broadcast_in_dim3A_326 : vector<64x8192xi1>, vector<64x8192xi32>
    %reduce_min3A_328 = arith.constant dense<2147483647> : vector<64xi32>
    %reduce_min3A_329 = vector.multi_reduction <minsi>, %select_n3A_327, %reduce_min3A_328 [1] : vector<64x8192xi32> to vector<64xi32>
    %broadcast_in_dim3A_330 = vector.shape_cast %reduce_max3A_321 : vector<64xf32> to vector<64x1xf32>
    %broadcast_in_dim3A_331 = vector.shape_cast %reduce_min3A_329 : vector<64xi32> to vector<64x1xi32>
    %broadcast_in_dim3A_332 = vector.shape_cast %reduce_min3A_329 : vector<64xi32> to vector<64x1xi32>
    %eq3A_333 = vector.broadcast %broadcast_in_dim3A_332 : vector<64x1xi32> to vector<64x8192xi32>
    %eq3A_334 = arith.cmpi eq, %iota3A, %eq3A_333 : vector<64x8192xi32>
    %jit3A_335 = arith.constant -3.000000e+38 : f32
    %broadcast_in_dim3A_336 = vector.broadcast %jit3A_335 : f32 to vector<64x8192xf32>
    %select_n3A_337 = arith.select %eq3A_334, %broadcast_in_dim3A_336, %select_n3A_319 : vector<64x8192xi1>, vector<64x8192xf32>
    %reduce_max3A_338 = arith.constant dense<0xFF800000> : vector<64xf32>
    %reduce_max3A_339 = vector.multi_reduction <maximumf>, %select_n3A_337, %reduce_max3A_338 [1] : vector<64x8192xf32> to vector<64xf32>
    %broadcast_in_dim3A_340 = vector.shape_cast %reduce_max3A_339 : vector<64xf32> to vector<64x1xf32>
    %eq3A_341 = vector.broadcast %broadcast_in_dim3A_340 : vector<64x1xf32> to vector<64x8192xf32>
    %eq3A_342 = arith.cmpf oeq, %select_n3A_337, %eq3A_341 : vector<64x8192xf32>
    %jit3A_343 = arith.constant 8192 : i32
    %broadcast_in_dim3A_344 = vector.broadcast %jit3A_343 : i32 to vector<64x8192xi32>
    %select_n3A_345 = arith.select %eq3A_342, %iota3A, %broadcast_in_dim3A_344 : vector<64x8192xi1>, vector<64x8192xi32>
    %reduce_min3A_346 = arith.constant dense<2147483647> : vector<64xi32>
    %reduce_min3A_347 = vector.multi_reduction <minsi>, %select_n3A_345, %reduce_min3A_346 [1] : vector<64x8192xi32> to vector<64xi32>
    %broadcast_in_dim3A_348 = vector.shape_cast %reduce_max3A_339 : vector<64xf32> to vector<64x1xf32>
    %broadcast_in_dim3A_349 = vector.shape_cast %reduce_min3A_347 : vector<64xi32> to vector<64x1xi32>
    %broadcast_in_dim3A_350 = vector.shape_cast %reduce_min3A_347 : vector<64xi32> to vector<64x1xi32>
    %eq3A_351 = vector.broadcast %broadcast_in_dim3A_350 : vector<64x1xi32> to vector<64x8192xi32>
    %eq3A_352 = arith.cmpi eq, %iota3A, %eq3A_351 : vector<64x8192xi32>
    %jit3A_353 = arith.constant -3.000000e+38 : f32
    %broadcast_in_dim3A_354 = vector.broadcast %jit3A_353 : f32 to vector<64x8192xf32>
    %select_n3A_355 = arith.select %eq3A_352, %broadcast_in_dim3A_354, %select_n3A_337 : vector<64x8192xi1>, vector<64x8192xf32>
    %reduce_max3A_356 = arith.constant dense<0xFF800000> : vector<64xf32>
    %reduce_max3A_357 = vector.multi_reduction <maximumf>, %select_n3A_355, %reduce_max3A_356 [1] : vector<64x8192xf32> to vector<64xf32>
    %broadcast_in_dim3A_358 = vector.shape_cast %reduce_max3A_357 : vector<64xf32> to vector<64x1xf32>
    %eq3A_359 = vector.broadcast %broadcast_in_dim3A_358 : vector<64x1xf32> to vector<64x8192xf32>
    %eq3A_360 = arith.cmpf oeq, %select_n3A_355, %eq3A_359 : vector<64x8192xf32>
    %jit3A_361 = arith.constant 8192 : i32
    %broadcast_in_dim3A_362 = vector.broadcast %jit3A_361 : i32 to vector<64x8192xi32>
    %select_n3A_363 = arith.select %eq3A_360, %iota3A, %broadcast_in_dim3A_362 : vector<64x8192xi1>, vector<64x8192xi32>
    %reduce_min3A_364 = arith.constant dense<2147483647> : vector<64xi32>
    %reduce_min3A_365 = vector.multi_reduction <minsi>, %select_n3A_363, %reduce_min3A_364 [1] : vector<64x8192xi32> to vector<64xi32>
    %broadcast_in_dim3A_366 = vector.shape_cast %reduce_max3A_357 : vector<64xf32> to vector<64x1xf32>
    %broadcast_in_dim3A_367 = vector.shape_cast %reduce_min3A_365 : vector<64xi32> to vector<64x1xi32>
    %broadcast_in_dim3A_368 = vector.shape_cast %reduce_min3A_365 : vector<64xi32> to vector<64x1xi32>
    %eq3A_369 = vector.broadcast %broadcast_in_dim3A_368 : vector<64x1xi32> to vector<64x8192xi32>
    %eq3A_370 = arith.cmpi eq, %iota3A, %eq3A_369 : vector<64x8192xi32>
    %jit3A_371 = arith.constant -3.000000e+38 : f32
    %broadcast_in_dim3A_372 = vector.broadcast %jit3A_371 : f32 to vector<64x8192xf32>
    %select_n3A_373 = arith.select %eq3A_370, %broadcast_in_dim3A_372, %select_n3A_355 : vector<64x8192xi1>, vector<64x8192xf32>
    %reduce_max3A_374 = arith.constant dense<0xFF800000> : vector<64xf32>
    %reduce_max3A_375 = vector.multi_reduction <maximumf>, %select_n3A_373, %reduce_max3A_374 [1] : vector<64x8192xf32> to vector<64xf32>
    %broadcast_in_dim3A_376 = vector.shape_cast %reduce_max3A_375 : vector<64xf32> to vector<64x1xf32>
    %eq3A_377 = vector.broadcast %broadcast_in_dim3A_376 : vector<64x1xf32> to vector<64x8192xf32>
    %eq3A_378 = arith.cmpf oeq, %select_n3A_373, %eq3A_377 : vector<64x8192xf32>
    %jit3A_379 = arith.constant 8192 : i32
    %broadcast_in_dim3A_380 = vector.broadcast %jit3A_379 : i32 to vector<64x8192xi32>
    %select_n3A_381 = arith.select %eq3A_378, %iota3A, %broadcast_in_dim3A_380 : vector<64x8192xi1>, vector<64x8192xi32>
    %reduce_min3A_382 = arith.constant dense<2147483647> : vector<64xi32>
    %reduce_min3A_383 = vector.multi_reduction <minsi>, %select_n3A_381, %reduce_min3A_382 [1] : vector<64x8192xi32> to vector<64xi32>
    %broadcast_in_dim3A_384 = vector.shape_cast %reduce_max3A_375 : vector<64xf32> to vector<64x1xf32>
    %broadcast_in_dim3A_385 = vector.shape_cast %reduce_min3A_383 : vector<64xi32> to vector<64x1xi32>
    %broadcast_in_dim3A_386 = vector.shape_cast %reduce_min3A_383 : vector<64xi32> to vector<64x1xi32>
    %eq3A_387 = vector.broadcast %broadcast_in_dim3A_386 : vector<64x1xi32> to vector<64x8192xi32>
    %eq3A_388 = arith.cmpi eq, %iota3A, %eq3A_387 : vector<64x8192xi32>
    %jit3A_389 = arith.constant -3.000000e+38 : f32
    %broadcast_in_dim3A_390 = vector.broadcast %jit3A_389 : f32 to vector<64x8192xf32>
    %select_n3A_391 = arith.select %eq3A_388, %broadcast_in_dim3A_390, %select_n3A_373 : vector<64x8192xi1>, vector<64x8192xf32>
    %reduce_max3A_392 = arith.constant dense<0xFF800000> : vector<64xf32>
    %reduce_max3A_393 = vector.multi_reduction <maximumf>, %select_n3A_391, %reduce_max3A_392 [1] : vector<64x8192xf32> to vector<64xf32>
    %broadcast_in_dim3A_394 = vector.shape_cast %reduce_max3A_393 : vector<64xf32> to vector<64x1xf32>
    %eq3A_395 = vector.broadcast %broadcast_in_dim3A_394 : vector<64x1xf32> to vector<64x8192xf32>
    %eq3A_396 = arith.cmpf oeq, %select_n3A_391, %eq3A_395 : vector<64x8192xf32>
    %jit3A_397 = arith.constant 8192 : i32
    %broadcast_in_dim3A_398 = vector.broadcast %jit3A_397 : i32 to vector<64x8192xi32>
    %select_n3A_399 = arith.select %eq3A_396, %iota3A, %broadcast_in_dim3A_398 : vector<64x8192xi1>, vector<64x8192xi32>
    %reduce_min3A_400 = arith.constant dense<2147483647> : vector<64xi32>
    %reduce_min3A_401 = vector.multi_reduction <minsi>, %select_n3A_399, %reduce_min3A_400 [1] : vector<64x8192xi32> to vector<64xi32>
    %broadcast_in_dim3A_402 = vector.shape_cast %reduce_max3A_393 : vector<64xf32> to vector<64x1xf32>
    %broadcast_in_dim3A_403 = vector.shape_cast %reduce_min3A_401 : vector<64xi32> to vector<64x1xi32>
    %broadcast_in_dim3A_404 = vector.shape_cast %reduce_min3A_401 : vector<64xi32> to vector<64x1xi32>
    %eq3A_405 = vector.broadcast %broadcast_in_dim3A_404 : vector<64x1xi32> to vector<64x8192xi32>
    %eq3A_406 = arith.cmpi eq, %iota3A, %eq3A_405 : vector<64x8192xi32>
    %jit3A_407 = arith.constant -3.000000e+38 : f32
    %broadcast_in_dim3A_408 = vector.broadcast %jit3A_407 : f32 to vector<64x8192xf32>
    %select_n3A_409 = arith.select %eq3A_406, %broadcast_in_dim3A_408, %select_n3A_391 : vector<64x8192xi1>, vector<64x8192xf32>
    %reduce_max3A_410 = arith.constant dense<0xFF800000> : vector<64xf32>
    %reduce_max3A_411 = vector.multi_reduction <maximumf>, %select_n3A_409, %reduce_max3A_410 [1] : vector<64x8192xf32> to vector<64xf32>
    %broadcast_in_dim3A_412 = vector.shape_cast %reduce_max3A_411 : vector<64xf32> to vector<64x1xf32>
    %eq3A_413 = vector.broadcast %broadcast_in_dim3A_412 : vector<64x1xf32> to vector<64x8192xf32>
    %eq3A_414 = arith.cmpf oeq, %select_n3A_409, %eq3A_413 : vector<64x8192xf32>
    %jit3A_415 = arith.constant 8192 : i32
    %broadcast_in_dim3A_416 = vector.broadcast %jit3A_415 : i32 to vector<64x8192xi32>
    %select_n3A_417 = arith.select %eq3A_414, %iota3A, %broadcast_in_dim3A_416 : vector<64x8192xi1>, vector<64x8192xi32>
    %reduce_min3A_418 = arith.constant dense<2147483647> : vector<64xi32>
    %reduce_min3A_419 = vector.multi_reduction <minsi>, %select_n3A_417, %reduce_min3A_418 [1] : vector<64x8192xi32> to vector<64xi32>
    %broadcast_in_dim3A_420 = vector.shape_cast %reduce_max3A_411 : vector<64xf32> to vector<64x1xf32>
    %broadcast_in_dim3A_421 = vector.shape_cast %reduce_min3A_419 : vector<64xi32> to vector<64x1xi32>
    %broadcast_in_dim3A_422 = vector.shape_cast %reduce_min3A_419 : vector<64xi32> to vector<64x1xi32>
    %eq3A_423 = vector.broadcast %broadcast_in_dim3A_422 : vector<64x1xi32> to vector<64x8192xi32>
    %eq3A_424 = arith.cmpi eq, %iota3A, %eq3A_423 : vector<64x8192xi32>
    %jit3A_425 = arith.constant -3.000000e+38 : f32
    %broadcast_in_dim3A_426 = vector.broadcast %jit3A_425 : f32 to vector<64x8192xf32>
    %select_n3A_427 = arith.select %eq3A_424, %broadcast_in_dim3A_426, %select_n3A_409 : vector<64x8192xi1>, vector<64x8192xf32>
    %reduce_max3A_428 = arith.constant dense<0xFF800000> : vector<64xf32>
    %reduce_max3A_429 = vector.multi_reduction <maximumf>, %select_n3A_427, %reduce_max3A_428 [1] : vector<64x8192xf32> to vector<64xf32>
    %broadcast_in_dim3A_430 = vector.shape_cast %reduce_max3A_429 : vector<64xf32> to vector<64x1xf32>
    %eq3A_431 = vector.broadcast %broadcast_in_dim3A_430 : vector<64x1xf32> to vector<64x8192xf32>
    %eq3A_432 = arith.cmpf oeq, %select_n3A_427, %eq3A_431 : vector<64x8192xf32>
    %jit3A_433 = arith.constant 8192 : i32
    %broadcast_in_dim3A_434 = vector.broadcast %jit3A_433 : i32 to vector<64x8192xi32>
    %select_n3A_435 = arith.select %eq3A_432, %iota3A, %broadcast_in_dim3A_434 : vector<64x8192xi1>, vector<64x8192xi32>
    %reduce_min3A_436 = arith.constant dense<2147483647> : vector<64xi32>
    %reduce_min3A_437 = vector.multi_reduction <minsi>, %select_n3A_435, %reduce_min3A_436 [1] : vector<64x8192xi32> to vector<64xi32>
    %broadcast_in_dim3A_438 = vector.shape_cast %reduce_max3A_429 : vector<64xf32> to vector<64x1xf32>
    %broadcast_in_dim3A_439 = vector.shape_cast %reduce_min3A_437 : vector<64xi32> to vector<64x1xi32>
    %broadcast_in_dim3A_440 = vector.shape_cast %reduce_min3A_437 : vector<64xi32> to vector<64x1xi32>
    %eq3A_441 = vector.broadcast %broadcast_in_dim3A_440 : vector<64x1xi32> to vector<64x8192xi32>
    %eq3A_442 = arith.cmpi eq, %iota3A, %eq3A_441 : vector<64x8192xi32>
    %jit3A_443 = arith.constant -3.000000e+38 : f32
    %broadcast_in_dim3A_444 = vector.broadcast %jit3A_443 : f32 to vector<64x8192xf32>
    %select_n3A_445 = arith.select %eq3A_442, %broadcast_in_dim3A_444, %select_n3A_427 : vector<64x8192xi1>, vector<64x8192xf32>
    %reduce_max3A_446 = arith.constant dense<0xFF800000> : vector<64xf32>
    %reduce_max3A_447 = vector.multi_reduction <maximumf>, %select_n3A_445, %reduce_max3A_446 [1] : vector<64x8192xf32> to vector<64xf32>
    %broadcast_in_dim3A_448 = vector.shape_cast %reduce_max3A_447 : vector<64xf32> to vector<64x1xf32>
    %eq3A_449 = vector.broadcast %broadcast_in_dim3A_448 : vector<64x1xf32> to vector<64x8192xf32>
    %eq3A_450 = arith.cmpf oeq, %select_n3A_445, %eq3A_449 : vector<64x8192xf32>
    %jit3A_451 = arith.constant 8192 : i32
    %broadcast_in_dim3A_452 = vector.broadcast %jit3A_451 : i32 to vector<64x8192xi32>
    %select_n3A_453 = arith.select %eq3A_450, %iota3A, %broadcast_in_dim3A_452 : vector<64x8192xi1>, vector<64x8192xi32>
    %reduce_min3A_454 = arith.constant dense<2147483647> : vector<64xi32>
    %reduce_min3A_455 = vector.multi_reduction <minsi>, %select_n3A_453, %reduce_min3A_454 [1] : vector<64x8192xi32> to vector<64xi32>
    %broadcast_in_dim3A_456 = vector.shape_cast %reduce_max3A_447 : vector<64xf32> to vector<64x1xf32>
    %broadcast_in_dim3A_457 = vector.shape_cast %reduce_min3A_455 : vector<64xi32> to vector<64x1xi32>
    %broadcast_in_dim3A_458 = vector.shape_cast %reduce_min3A_455 : vector<64xi32> to vector<64x1xi32>
    %eq3A_459 = vector.broadcast %broadcast_in_dim3A_458 : vector<64x1xi32> to vector<64x8192xi32>
    %eq3A_460 = arith.cmpi eq, %iota3A, %eq3A_459 : vector<64x8192xi32>
    %jit3A_461 = arith.constant -3.000000e+38 : f32
    %broadcast_in_dim3A_462 = vector.broadcast %jit3A_461 : f32 to vector<64x8192xf32>
    %select_n3A_463 = arith.select %eq3A_460, %broadcast_in_dim3A_462, %select_n3A_445 : vector<64x8192xi1>, vector<64x8192xf32>
    %reduce_max3A_464 = arith.constant dense<0xFF800000> : vector<64xf32>
    %reduce_max3A_465 = vector.multi_reduction <maximumf>, %select_n3A_463, %reduce_max3A_464 [1] : vector<64x8192xf32> to vector<64xf32>
    %broadcast_in_dim3A_466 = vector.shape_cast %reduce_max3A_465 : vector<64xf32> to vector<64x1xf32>
    %eq3A_467 = vector.broadcast %broadcast_in_dim3A_466 : vector<64x1xf32> to vector<64x8192xf32>
    %eq3A_468 = arith.cmpf oeq, %select_n3A_463, %eq3A_467 : vector<64x8192xf32>
    %jit3A_469 = arith.constant 8192 : i32
    %broadcast_in_dim3A_470 = vector.broadcast %jit3A_469 : i32 to vector<64x8192xi32>
    %select_n3A_471 = arith.select %eq3A_468, %iota3A, %broadcast_in_dim3A_470 : vector<64x8192xi1>, vector<64x8192xi32>
    %reduce_min3A_472 = arith.constant dense<2147483647> : vector<64xi32>
    %reduce_min3A_473 = vector.multi_reduction <minsi>, %select_n3A_471, %reduce_min3A_472 [1] : vector<64x8192xi32> to vector<64xi32>
    %broadcast_in_dim3A_474 = vector.shape_cast %reduce_max3A_465 : vector<64xf32> to vector<64x1xf32>
    %broadcast_in_dim3A_475 = vector.shape_cast %reduce_min3A_473 : vector<64xi32> to vector<64x1xi32>
    %broadcast_in_dim3A_476 = vector.shape_cast %reduce_min3A_473 : vector<64xi32> to vector<64x1xi32>
    %eq3A_477 = vector.broadcast %broadcast_in_dim3A_476 : vector<64x1xi32> to vector<64x8192xi32>
    %eq3A_478 = arith.cmpi eq, %iota3A, %eq3A_477 : vector<64x8192xi32>
    %jit3A_479 = arith.constant -3.000000e+38 : f32
    %broadcast_in_dim3A_480 = vector.broadcast %jit3A_479 : f32 to vector<64x8192xf32>
    %select_n3A_481 = arith.select %eq3A_478, %broadcast_in_dim3A_480, %select_n3A_463 : vector<64x8192xi1>, vector<64x8192xf32>
    %reduce_max3A_482 = arith.constant dense<0xFF800000> : vector<64xf32>
    %reduce_max3A_483 = vector.multi_reduction <maximumf>, %select_n3A_481, %reduce_max3A_482 [1] : vector<64x8192xf32> to vector<64xf32>
    %broadcast_in_dim3A_484 = vector.shape_cast %reduce_max3A_483 : vector<64xf32> to vector<64x1xf32>
    %eq3A_485 = vector.broadcast %broadcast_in_dim3A_484 : vector<64x1xf32> to vector<64x8192xf32>
    %eq3A_486 = arith.cmpf oeq, %select_n3A_481, %eq3A_485 : vector<64x8192xf32>
    %jit3A_487 = arith.constant 8192 : i32
    %broadcast_in_dim3A_488 = vector.broadcast %jit3A_487 : i32 to vector<64x8192xi32>
    %select_n3A_489 = arith.select %eq3A_486, %iota3A, %broadcast_in_dim3A_488 : vector<64x8192xi1>, vector<64x8192xi32>
    %reduce_min3A_490 = arith.constant dense<2147483647> : vector<64xi32>
    %reduce_min3A_491 = vector.multi_reduction <minsi>, %select_n3A_489, %reduce_min3A_490 [1] : vector<64x8192xi32> to vector<64xi32>
    %broadcast_in_dim3A_492 = vector.shape_cast %reduce_max3A_483 : vector<64xf32> to vector<64x1xf32>
    %broadcast_in_dim3A_493 = vector.shape_cast %reduce_min3A_491 : vector<64xi32> to vector<64x1xi32>
    %broadcast_in_dim3A_494 = vector.shape_cast %reduce_min3A_491 : vector<64xi32> to vector<64x1xi32>
    %eq3A_495 = vector.broadcast %broadcast_in_dim3A_494 : vector<64x1xi32> to vector<64x8192xi32>
    %eq3A_496 = arith.cmpi eq, %iota3A, %eq3A_495 : vector<64x8192xi32>
    %jit3A_497 = arith.constant -3.000000e+38 : f32
    %broadcast_in_dim3A_498 = vector.broadcast %jit3A_497 : f32 to vector<64x8192xf32>
    %select_n3A_499 = arith.select %eq3A_496, %broadcast_in_dim3A_498, %select_n3A_481 : vector<64x8192xi1>, vector<64x8192xf32>
    %reduce_max3A_500 = arith.constant dense<0xFF800000> : vector<64xf32>
    %reduce_max3A_501 = vector.multi_reduction <maximumf>, %select_n3A_499, %reduce_max3A_500 [1] : vector<64x8192xf32> to vector<64xf32>
    %broadcast_in_dim3A_502 = vector.shape_cast %reduce_max3A_501 : vector<64xf32> to vector<64x1xf32>
    %eq3A_503 = vector.broadcast %broadcast_in_dim3A_502 : vector<64x1xf32> to vector<64x8192xf32>
    %eq3A_504 = arith.cmpf oeq, %select_n3A_499, %eq3A_503 : vector<64x8192xf32>
    %jit3A_505 = arith.constant 8192 : i32
    %broadcast_in_dim3A_506 = vector.broadcast %jit3A_505 : i32 to vector<64x8192xi32>
    %select_n3A_507 = arith.select %eq3A_504, %iota3A, %broadcast_in_dim3A_506 : vector<64x8192xi1>, vector<64x8192xi32>
    %reduce_min3A_508 = arith.constant dense<2147483647> : vector<64xi32>
    %reduce_min3A_509 = vector.multi_reduction <minsi>, %select_n3A_507, %reduce_min3A_508 [1] : vector<64x8192xi32> to vector<64xi32>
    %broadcast_in_dim3A_510 = vector.shape_cast %reduce_max3A_501 : vector<64xf32> to vector<64x1xf32>
    %broadcast_in_dim3A_511 = vector.shape_cast %reduce_min3A_509 : vector<64xi32> to vector<64x1xi32>
    %broadcast_in_dim3A_512 = vector.shape_cast %reduce_min3A_509 : vector<64xi32> to vector<64x1xi32>
    %eq3A_513 = vector.broadcast %broadcast_in_dim3A_512 : vector<64x1xi32> to vector<64x8192xi32>
    %eq3A_514 = arith.cmpi eq, %iota3A, %eq3A_513 : vector<64x8192xi32>
    %jit3A_515 = arith.constant -3.000000e+38 : f32
    %broadcast_in_dim3A_516 = vector.broadcast %jit3A_515 : f32 to vector<64x8192xf32>
    %select_n3A_517 = arith.select %eq3A_514, %broadcast_in_dim3A_516, %select_n3A_499 : vector<64x8192xi1>, vector<64x8192xf32>
    %reduce_max3A_518 = arith.constant dense<0xFF800000> : vector<64xf32>
    %reduce_max3A_519 = vector.multi_reduction <maximumf>, %select_n3A_517, %reduce_max3A_518 [1] : vector<64x8192xf32> to vector<64xf32>
    %broadcast_in_dim3A_520 = vector.shape_cast %reduce_max3A_519 : vector<64xf32> to vector<64x1xf32>
    %eq3A_521 = vector.broadcast %broadcast_in_dim3A_520 : vector<64x1xf32> to vector<64x8192xf32>
    %eq3A_522 = arith.cmpf oeq, %select_n3A_517, %eq3A_521 : vector<64x8192xf32>
    %jit3A_523 = arith.constant 8192 : i32
    %broadcast_in_dim3A_524 = vector.broadcast %jit3A_523 : i32 to vector<64x8192xi32>
    %select_n3A_525 = arith.select %eq3A_522, %iota3A, %broadcast_in_dim3A_524 : vector<64x8192xi1>, vector<64x8192xi32>
    %reduce_min3A_526 = arith.constant dense<2147483647> : vector<64xi32>
    %reduce_min3A_527 = vector.multi_reduction <minsi>, %select_n3A_525, %reduce_min3A_526 [1] : vector<64x8192xi32> to vector<64xi32>
    %broadcast_in_dim3A_528 = vector.shape_cast %reduce_max3A_519 : vector<64xf32> to vector<64x1xf32>
    %broadcast_in_dim3A_529 = vector.shape_cast %reduce_min3A_527 : vector<64xi32> to vector<64x1xi32>
    %broadcast_in_dim3A_530 = vector.shape_cast %reduce_min3A_527 : vector<64xi32> to vector<64x1xi32>
    %eq3A_531 = vector.broadcast %broadcast_in_dim3A_530 : vector<64x1xi32> to vector<64x8192xi32>
    %eq3A_532 = arith.cmpi eq, %iota3A, %eq3A_531 : vector<64x8192xi32>
    %jit3A_533 = arith.constant -3.000000e+38 : f32
    %broadcast_in_dim3A_534 = vector.broadcast %jit3A_533 : f32 to vector<64x8192xf32>
    %select_n3A_535 = arith.select %eq3A_532, %broadcast_in_dim3A_534, %select_n3A_517 : vector<64x8192xi1>, vector<64x8192xf32>
    %reduce_max3A_536 = arith.constant dense<0xFF800000> : vector<64xf32>
    %reduce_max3A_537 = vector.multi_reduction <maximumf>, %select_n3A_535, %reduce_max3A_536 [1] : vector<64x8192xf32> to vector<64xf32>
    %broadcast_in_dim3A_538 = vector.shape_cast %reduce_max3A_537 : vector<64xf32> to vector<64x1xf32>
    %eq3A_539 = vector.broadcast %broadcast_in_dim3A_538 : vector<64x1xf32> to vector<64x8192xf32>
    %eq3A_540 = arith.cmpf oeq, %select_n3A_535, %eq3A_539 : vector<64x8192xf32>
    %jit3A_541 = arith.constant 8192 : i32
    %broadcast_in_dim3A_542 = vector.broadcast %jit3A_541 : i32 to vector<64x8192xi32>
    %select_n3A_543 = arith.select %eq3A_540, %iota3A, %broadcast_in_dim3A_542 : vector<64x8192xi1>, vector<64x8192xi32>
    %reduce_min3A_544 = arith.constant dense<2147483647> : vector<64xi32>
    %reduce_min3A_545 = vector.multi_reduction <minsi>, %select_n3A_543, %reduce_min3A_544 [1] : vector<64x8192xi32> to vector<64xi32>
    %broadcast_in_dim3A_546 = vector.shape_cast %reduce_max3A_537 : vector<64xf32> to vector<64x1xf32>
    %broadcast_in_dim3A_547 = vector.shape_cast %reduce_min3A_545 : vector<64xi32> to vector<64x1xi32>
    %broadcast_in_dim3A_548 = vector.shape_cast %reduce_min3A_545 : vector<64xi32> to vector<64x1xi32>
    %eq3A_549 = vector.broadcast %broadcast_in_dim3A_548 : vector<64x1xi32> to vector<64x8192xi32>
    %eq3A_550 = arith.cmpi eq, %iota3A, %eq3A_549 : vector<64x8192xi32>
    %jit3A_551 = arith.constant -3.000000e+38 : f32
    %broadcast_in_dim3A_552 = vector.broadcast %jit3A_551 : f32 to vector<64x8192xf32>
    %select_n3A_553 = arith.select %eq3A_550, %broadcast_in_dim3A_552, %select_n3A_535 : vector<64x8192xi1>, vector<64x8192xf32>
    %reduce_max3A_554 = arith.constant dense<0xFF800000> : vector<64xf32>
    %reduce_max3A_555 = vector.multi_reduction <maximumf>, %select_n3A_553, %reduce_max3A_554 [1] : vector<64x8192xf32> to vector<64xf32>
    %broadcast_in_dim3A_556 = vector.shape_cast %reduce_max3A_555 : vector<64xf32> to vector<64x1xf32>
    %eq3A_557 = vector.broadcast %broadcast_in_dim3A_556 : vector<64x1xf32> to vector<64x8192xf32>
    %eq3A_558 = arith.cmpf oeq, %select_n3A_553, %eq3A_557 : vector<64x8192xf32>
    %jit3A_559 = arith.constant 8192 : i32
    %broadcast_in_dim3A_560 = vector.broadcast %jit3A_559 : i32 to vector<64x8192xi32>
    %select_n3A_561 = arith.select %eq3A_558, %iota3A, %broadcast_in_dim3A_560 : vector<64x8192xi1>, vector<64x8192xi32>
    %reduce_min3A_562 = arith.constant dense<2147483647> : vector<64xi32>
    %reduce_min3A_563 = vector.multi_reduction <minsi>, %select_n3A_561, %reduce_min3A_562 [1] : vector<64x8192xi32> to vector<64xi32>
    %broadcast_in_dim3A_564 = vector.shape_cast %reduce_max3A_555 : vector<64xf32> to vector<64x1xf32>
    %broadcast_in_dim3A_565 = vector.shape_cast %reduce_min3A_563 : vector<64xi32> to vector<64x1xi32>
    %concatenate3A = tpu.concatenate %broadcast_in_dim3A_6, %broadcast_in_dim3A_24, %broadcast_in_dim3A_42, %broadcast_in_dim3A_60, %broadcast_in_dim3A_78, %broadcast_in_dim3A_96, %broadcast_in_dim3A_114, %broadcast_in_dim3A_132, %broadcast_in_dim3A_150, %broadcast_in_dim3A_168, %broadcast_in_dim3A_186, %broadcast_in_dim3A_204, %broadcast_in_dim3A_222, %broadcast_in_dim3A_240, %broadcast_in_dim3A_258, %broadcast_in_dim3A_276, %broadcast_in_dim3A_294, %broadcast_in_dim3A_312, %broadcast_in_dim3A_330, %broadcast_in_dim3A_348, %broadcast_in_dim3A_366, %broadcast_in_dim3A_384, %broadcast_in_dim3A_402, %broadcast_in_dim3A_420, %broadcast_in_dim3A_438, %broadcast_in_dim3A_456, %broadcast_in_dim3A_474, %broadcast_in_dim3A_492, %broadcast_in_dim3A_510, %broadcast_in_dim3A_528, %broadcast_in_dim3A_546, %broadcast_in_dim3A_564 in 1 : vector<64x1xf32>, vector<64x1xf32>, vector<64x1xf32>, vector<64x1xf32>, vector<64x1xf32>, vector<64x1xf32>, vector<64x1xf32>, vector<64x1xf32>, vector<64x1xf32>, vector<64x1xf32>, vector<64x1xf32>, vector<64x1xf32>, vector<64x1xf32>, vector<64x1xf32>, vector<64x1xf32>, vector<64x1xf32>, vector<64x1xf32>, vector<64x1xf32>, vector<64x1xf32>, vector<64x1xf32>, vector<64x1xf32>, vector<64x1xf32>, vector<64x1xf32>, vector<64x1xf32>, vector<64x1xf32>, vector<64x1xf32>, vector<64x1xf32>, vector<64x1xf32>, vector<64x1xf32>, vector<64x1xf32>, vector<64x1xf32>, vector<64x1xf32> -> vector<64x32xf32>
    %swap3A = arith.constant 0 : index
    %swap3A_566 = arith.constant 0 : index
    %swap3A_567 = vector.load %arg2[%swap3A, %swap3A_566] : memref<64x32xf32, #tpu.memory_space<vmem>>, vector<64x32xf32>
    tpu.vector_store %arg2[%swap3A, %swap3A_566], %concatenate3A {strides = array<i32>} : memref<64x32xf32, #tpu.memory_space<vmem>>, vector<64x32xf32>,
    %concatenate3A_568 = tpu.concatenate %broadcast_in_dim3A_7, %broadcast_in_dim3A_25, %broadcast_in_dim3A_43, %broadcast_in_dim3A_61, %broadcast_in_dim3A_79, %broadcast_in_dim3A_97, %broadcast_in_dim3A_115, %broadcast_in_dim3A_133, %broadcast_in_dim3A_151, %broadcast_in_dim3A_169, %broadcast_in_dim3A_187, %broadcast_in_dim3A_205, %broadcast_in_dim3A_223, %broadcast_in_dim3A_241, %broadcast_in_dim3A_259, %broadcast_in_dim3A_277, %broadcast_in_dim3A_295, %broadcast_in_dim3A_313, %broadcast_in_dim3A_331, %broadcast_in_dim3A_349, %broadcast_in_dim3A_367, %broadcast_in_dim3A_385, %broadcast_in_dim3A_403, %broadcast_in_dim3A_421, %broadcast_in_dim3A_439, %broadcast_in_dim3A_457, %broadcast_in_dim3A_475, %broadcast_in_dim3A_493, %broadcast_in_dim3A_511, %broadcast_in_dim3A_529, %broadcast_in_dim3A_547, %broadcast_in_dim3A_565 in 1 : vector<64x1xi32>, vector<64x1xi32>, vector<64x1xi32>, vector<64x1xi32>, vector<64x1xi32>, vector<64x1xi32>, vector<64x1xi32>, vector<64x1xi32>, vector<64x1xi32>, vector<64x1xi32>, vector<64x1xi32>, vector<64x1xi32>, vector<64x1xi32>, vector<64x1xi32>, vector<64x1xi32>, vector<64x1xi32>, vector<64x1xi32>, vector<64x1xi32>, vector<64x1xi32>, vector<64x1xi32>, vector<64x1xi32>, vector<64x1xi32>, vector<64x1xi32>, vector<64x1xi32>, vector<64x1xi32>, vector<64x1xi32>, vector<64x1xi32>, vector<64x1xi32>, vector<64x1xi32>, vector<64x1xi32>, vector<64x1xi32>, vector<64x1xi32> -> vector<64x32xi32>
    %swap3A_569 = arith.constant 0 : index
    %swap3A_570 = arith.constant 0 : index
    %swap3A_571 = vector.load %arg3[%swap3A_569, %swap3A_570] : memref<64x32xi32, #tpu.memory_space<vmem>>, vector<64x32xi32>
    tpu.vector_store %arg3[%swap3A_569, %swap3A_570], %concatenate3A_568 {strides = array<i32>} : memref<64x32xi32, #tpu.memory_space<vmem>>, vector<64x32xi32>,
    return
  }
  func.func @transform_0(%arg0: i32) -> (i32, i32) {
    %c0_i32 = arith.constant 0 : i32
    %c0_i32_0 = arith.constant 0 : i32
    return %arg0, %c0_i32 : i32, i32
  }
  func.func @transform_1(%arg0: i32) -> (i32, i32) {
    %c0_i32 = arith.constant 0 : i32
    %c0_i32_0 = arith.constant 0 : i32
    return %arg0, %c0_i32 : i32, i32
  }
  func.func @transform_2(%arg0: i32) -> (i32, i32) {
    %c0_i32 = arith.constant 0 : i32
    %c0_i32_0 = arith.constant 0 : i32
    return %arg0, %c0_i32 : i32, i32
  }
}

</mosaic_0001>

<sc_bundles>
// kernel: scatter_offload_async_start.1
scs
__scs_entry_jumppad:
0x0: {  	(pc) =	sbr.rel $0x88, $3  }
0x1: {  	(tag) =	ssettag $0x0;
	lr =	simm.s32 $0x1  }
0x2: {  	[smem:$0x3F99] =	sst lr;
	_ =	strace $0xD0000000  }
0x3: {  	_ = 	snop  }
0x4: {  	_ = 	snop  }
0x5: {  	_ = 	snop  }
0x6: {  	_ = 	snop  }
0x7: {  	_ = 	snop  }
__scs_overlays_trampoline_lowered:
0x8: {  	[smem:$0x3FA8] =	sst s0  }
0x9: {  	[smem:$0x3FA9] =	sst s1  }
0xa: {  	[smem:$0x3FAA] =	sst s2  }
0xb: {  	[smem:$0x3FAB] =	sst s3  }
0xc: {  	[smem:$0x3FAC] =	sst s4  }
0xd: {  	[smem:$0x3FAD] =	sst s5  }
0xe: {  	[smem:$0x3FAE] =	sst s6  }
0xf: {  	[smem:$0x3FAF] =	sst s7  }
0x10: {  	[smem:$0x3FB0] =	sst s8  }
0x11: {  	[smem:$0x3FB1] =	sst s9;
	s0 =	simm.s32 @!p0 $0x0  }
0x12: {  	s1 =	sld [smem:$0x3F97];
	s0 =	simm.s32 @p0 $0x1  }
0x13: {  	[smem:$0x3FB2] =	sst s0;
	s0 =	simm.s32 @!p1 $0x0  }
0x14: {  	s2 =	sld [smem:$0x3F96];
	s0 =	simm.s32 @p1 $0x1  }
0x15: {  	[smem:$0x3FB3] =	sst s0;
	s0 =	simm.s32 @!p2 $0x0  }
0x16: {  	s3 =	sld [smem:$0x3FDB];
	s0 =	simm.s32 @p2 $0x1  }
0x17: {  	s4 =	simm.s32 $0x1BF5;
	[smem:$0x3FB5] =	sst s0  }
0x18: {  	s0 =	sld [smem:$0x3F98];
	_ =	swait.ge [sflag:s4], $0x0  }
0x19: {  	s7 =	sld [smem:$0x3F99]  }
0x1a: {  	s8 =	sadd.s32 $0xFFFFE003, lr  }
0x1b: {  	s9 =	sadd.s32 $0xFFFFFEF7, lr;
	s5 =	simm.s32 $0xFFFFFFFF;
	p2 =	slt.u32 s8, $0xFFFFF086  }
0x1c: {  	p1 =	slt.u32 s9, $0xF7A;
	s5 =	simm.s32 @!p2 $0x0  }
0x1d: {  	s5 =	simm.s32 @p1 $0x1;
	p0 =	seq.s32 s7, s2  }
0x1e: {  	s7 =	smul.u32 @!p0 $0xF7A, s2;
	p2 =	seq.s32 @!p0 s5, $0x0  }
0x1f: {  	s9 =	smul.u32 $0xF7A, s1;
	s8 =	simm.s32 @!p0 $0x1BF5;
	p2 =	por !p2, p0  }
0x20: {  	[sflag:s8] =	ssyncset.s32 @!p0 $0xFFFFF086;
	s6 =	sadd.s32 @!p0 s3, s7;
	s7 =	simm.s32 @!p0 $0x108  }
0x21: {  	s3 =	sadd.s32 s3, s9;
	s6 =	sadd.s32 @!p0 $0x88, s6;
	s7 =	simm.s32 @p2 $0x1082  }
0x22: {  	[simem:s7], [sflag:s8] =	dma.local @!p0 [hbm:s6], $0xF7A  }
0x23: {  	s9 =	sor.u32 $0xD0000000, s2;
	s6 =	simm.s32 $0x108;
	_ =	swait.ge @!p0 [sflag:s8], $0x0  }
0x24: {  	s3 =	sadd.s32 $0x88, s3;
	s6 =	simm.s32 @!p1 $0x1082;
	[sflag:s4] =	ssyncset.s32 $0xFFFFF086  }
0x25: {  	[simem:s6], [sflag:s4] =	dma.local [hbm:s3], $0xF7A  }
0x26: {  	[smem:$0x3F99] =	sst s1;
	(tag) =	ssettag s2;
	_ =	strace s9  }
0x27: {  	s1 =	sld [smem:$0x3FA9]  }
0x28: {  	s2 =	sld [smem:$0x3FAA]  }
0x29: {  	s4 =	sld [smem:$0x3FAC]  }
0x2a: {  	p0 =	seq.s32 s5, $0x0;
	s5 =	sld [smem:$0x3FAD]  }
0x2b: {  	s6 =	sld [smem:$0x3FAE]  }
0x2c: {  	s7 =	sld [smem:$0x3FAF]  }
0x2d: {  	s3 =	simm.s32 $0x108;
	s8 =	sld [smem:$0x3FB0]  }
0x2e: {  	s3 =	simm.s32 @!p0 $0x1082;
	s9 =	sld [smem:$0x3FB1]  }
0x2f: {  	lr =	sadd.s32 s0, s3;
	s0 =	sld [smem:$0x3FA8]  }
0x30: {  	s3 =	sld [smem:$0x3FAB]  }
0x31: {  	[smem:$0x3FB4] =	sst s10  }
0x32: {  	s10 =	sld [smem:$0x3FB2];
	_ =	sdelay $0x3  }
0x33: {  	p0 =	seq.s32 s10, $0x1;
	s10 =	sld [smem:$0x3FB4];
	_ =	sdelay $0x3  }
0x34: {  	[smem:$0x3FB4] =	sst s10  }
0x35: {  	s10 =	sld [smem:$0x3FB3];
	_ =	sdelay $0x3  }
0x36: {  	p1 =	seq.s32 s10, $0x1;
	s10 =	sld [smem:$0x3FB4];
	_ =	sdelay $0x3  }
0x37: {  	[smem:$0x3FB4] =	sst s10  }
0x38: {  	s10 =	sld [smem:$0x3FB5]  }
0x39: {  	_ = 	snop;
	(pc) =	sbr.ind lr, $3  }
0x3a: {  	_ = 	snop  }
0x3b: {  	_ = 	snop  }
0x3c: {  	p2 =	seq.s32 s10, $0x1;
	s10 =	sld [smem:$0x3FB4]  }
0x3d: {  	_ =	shalt  }
0x3e: {  	_ =	shalt  }
0x3f: {  	_ =	shalt  }
0x40: {  	_ =	shalt  }
0x41: {  	_ =	shalt  }
0x42: {  	_ =	shalt  }
0x43: {  	_ =	shalt  }
0x44: {  	_ =	shalt  }
0x45: {  	_ =	shalt  }
0x46: {  	_ =	shalt  }
0x47: {  	_ =	shalt  }
0x48: {  	_ =	shalt  }
0x49: {  	_ =	shalt  }
0x4a: {  	_ =	shalt  }
0x4b: {  	_ =	shalt  }
0x4c: {  	_ =	shalt  }
0x4d: {  	_ =	shalt  }
0x4e: {  	_ =	shalt  }
0x4f: {  	_ =	shalt  }
0x50: {  	_ =	shalt  }
0x51: {  	_ =	shalt  }
0x52: {  	_ =	shalt  }
0x53: {  	_ =	shalt  }
0x54: {  	_ =	shalt  }
0x55: {  	_ =	shalt  }
0x56: {  	_ =	shalt  }
0x57: {  	_ =	shalt  }
0x58: {  	_ =	shalt  }
0x59: {  	_ =	shalt  }
0x5a: {  	_ =	shalt  }
0x5b: {  	_ =	shalt  }
0x5c: {  	_ =	shalt  }
0x5d: {  	_ =	shalt  }
0x5e: {  	_ =	shalt  }
0x5f: {  	_ =	shalt  }
0x60: {  	_ =	shalt  }
0x61: {  	_ =	shalt  }
0x62: {  	_ =	shalt  }
0x63: {  	_ =	shalt  }
0x64: {  	_ =	shalt  }
0x65: {  	_ =	shalt  }
0x66: {  	_ =	shalt  }
0x67: {  	_ =	shalt  }
0x68: {  	_ =	shalt  }
0x69: {  	_ =	shalt  }
0x6a: {  	_ =	shalt  }
0x6b: {  	_ =	shalt  }
0x6c: {  	_ =	shalt  }
0x6d: {  	_ =	shalt  }
0x6e: {  	_ =	shalt  }
0x6f: {  	_ =	shalt  }
0x70: {  	_ =	shalt  }
0x71: {  	_ =	shalt  }
0x72: {  	_ =	shalt  }
0x73: {  	_ =	shalt  }
0x74: {  	_ =	shalt  }
0x75: {  	_ =	shalt  }
0x76: {  	_ =	shalt  }
0x77: {  	_ =	shalt  }
0x78: {  	_ =	shalt  }
0x79: {  	_ =	shalt  }
0x7a: {  	_ =	shalt  }
0x7b: {  	_ =	shalt  }
0x7c: {  	_ =	shalt  }
0x7d: {  	_ =	shalt  }
0x7e: {  	_ =	shalt  }
0x7f: {  	_ =	shalt  }
0x80: {  	_ =	shalt  }
0x81: {  	_ =	shalt  }
0x82: {  	_ =	shalt  }
0x83: {  	_ =	shalt  }
0x84: {  	_ =	shalt  }
0x85: {  	_ =	shalt  }
0x86: {  	_ =	shalt  }
0x87: {  	_ =	shalt  }
.Lfunc_end0:
.L_simem_size_0:
called_computation.1_lowered:
.L_overlay_start_0:
0x88: {  	s2 =	sld [smem:$0x3FD9]  }
0x89: {  	s3 =	sld [smem:$0x3FFE];
	_ =	sdelay $0x1  }
0x8a: {  	s1 =	srdreg.scid  }
0x8b: {  	s0 =	sand.u32 $0x1, s1  }
0x8c: {  	s15 =	sshll.u32 s0, $0xA;
	s2 =	sadd.s32 s3, s2  }
0x8d: {  	s2 =	sadd.s32 s2, s15  }
0x8e: {  	[smem:$0x3FC0] =	sst s2  }
0x8f: {  	_ = 	snop  }
0x90: {  	(tm) =	ssettm $0x1  }
0x91: {  	s16 =	sld [smem:$0x3FFB];
	_ =	sdelay $0x3  }
0x92: {  	_ =	strace s16  }
0x93: {  	s2 =	sld [smem:$0x3FFC];
	_ =	sdelay $0x3  }
0x94: {  	_ =	strace s2  }
0x95: {  	s2 =	sld [smem:$0x3FFD];
	_ =	sdelay $0x3  }
0x96: {  	_ =	strace s2  }
0x97: {  	_ =	strace $0x8FFFFFFF  }
0x98: {  	s17 =	sld [smem:$0x3FDB];
	_ =	sdelay $0x1  }
0x99: {  	s18 =	simm.s32 $_scs_section_size  }
0x9a: {  	s4 =	simm.s32 $_size__tile_overlayer_lowered;
	s5 =	simm.s32 $_tile_overlayer_lowered  }
0x9b: {  	s21 =	simm.s32 $0x1BFF;
	s20 =	sshll.u32 s5, $0x1;
	s2 =	sadd.s32 s18, s17  }
0x9c: {  	s6 =	simm.s32 $0x0;
	s19 =	sshll.u32 s4, $0x1;
	s4 =	sadd.s32 s20, s2  }
0x9d: {  	[timem:s6], [sflag:s21] =	dma.local [hbm:s4], s19  }
0x9e: {  	_ =	swait.ge [sflag:s21], s19  }
0x9f: {  	s3 =	ssub.s32 $0x0, s19;
	[sflag:s21] =	ssyncset.done $0x0  }
0xa0: {  	[sflag:s21] =	ssyncadd.s32 s3;
	_ =	sdelay $0x1  }
0xa1: {  	s22 =	simm.s32 $0x1B8B  }
0xa2: {  	_ =	swait.ge [sflag:s22], $0x1  }
0xa3: {  	[sflag:s22] =	ssyncset.done $0x0  }
0xa4: {  	s23 =	sld [smem:$0x3FFE];
	[sflag:s22] =	ssyncadd.s32 $0xFFFFFFFF  }
0xa5: {  	s25 =	simm.s32 $0x1B8E;
	s24 =	sld [smem:$0x0]  }
0xa6: {  	s26 =	simm.s32 $execute0_lowered;
	[smem:$0x3FD2] =	sst s25  }
0xa7: {  	s5 =	sshll.u32 s26, $0x1;
	_ =	strace $0x8000004C;
	[dreg:$0x1] =	wrdreg $0xFFFFFFFF  }
0xa8: {  	s28 =	simm.s32 $_size_execute0_lowered;
	s2 =	sadd.s32 s2, s5;
	[dreg:$0x0] =	wrdreg $0x0  }
0xa9: {  	s5 =	sshll.u32 s28, $0x1;
	[dreg:$0x2] =	wrdreg s2  }
0xaa: {  	[dreg:$0x3] =	wrdreg s5  }
0xab: {  	[dreg:$0x4] =	wrdreg $0xC0  }
0xac: {  	_ =	task [dreg:s6], $0x5FFFF  }
0xad: {  	[dreg:$0x1] =	wrdreg $0xFFFFFFFF  }
0xae: {  	[dreg:$0x0] =	wrdreg $0x60  }
0xaf: {  	[dreg:$0x2] =	wrdreg s23  }
0xb0: {  	[dreg:$0x3] =	wrdreg s1  }
0xb1: {  	[dreg:$0x4] =	wrdreg s24  }
0xb2: {  	[dreg:$0x5] =	wrdreg $0x9  }
0xb3: {  	_ =	task.clear_ibuf [dreg:s6], $0x6FFFF;
	_ =	strace $0x9000004C  }
0xb4: {  	s29 =	simm.s32 $0x9;
	_ =	strace $0x8000004E  }
0xb5: {  	_ =	swait.ge [sflag:s29], $0x1  }
0xb6: {  	[sflag:s29] =	ssyncadd.s32 $0xFFFFFFFF  }
0xb7: {  	_ =	strace $0x9000004E  }
0xb8: {  	_ =	sfence  }
0xb9: {  	s30 =	sld [smem:$0x0];
	_ =	sdelay $0x2  }
0xba: {  	s31 =	sshll.u32 s1, $0xD;
	s1 =	sshrl.u32 s1, $0x2  }
0xbb: {  	s3 =	sand.u32 $0x4000, s31;
	s1 =	sadd.s32 s1, s30  }
0xbc: {  	s0 =	sor.u32 s3, s0;
	s1 =	sshll.u32 s1, $0x11  }
0xbd: {  	s0 =	sor.u32 s1, s0  }
0xbe: {  	s0 =	sadd.s32 $0x8F2B, s0  }
0xbf: {  	[sflag:s0] =	ssyncadd.remote.s32 $0x1  }
0xc0: {  	_ =	sfence.sel $0xFFFF  }
0xc1: {  	[dreg:$0x0] =	wrdreg $0xFFFFFFFF;
	(pc) =	sbr.abs _section_cstart, $3  }
0xc2: {  	[dreg:$0x1] =	wrdreg $0xFFFFFFFF  }
0xc3: {  	_ =	task.clear_ibuf [dreg:s6], $0x2FFFF;
	_ =	strace $0x9FFFFFFF  }
0xc4: {  	(tm) =	ssettm $0x7FFFFFFF  }
0xc5: {  	_ =	shalt  }
tec
execute0_lowered:
.L_overlay_start_1:
0x0: {  	(tag) =	ssettag $0x1  }
0x1: {  	s2 =	rddreg [dreg:$0x0]  }
0x2: {  	s3 =	rddreg [dreg:$0x1];
	_ =	strace $0x8000004D;
	s0 =	simm.s32 $0x1  }
0x3: {  	s4 =	simm.s32 $0x408;
	v0 =	vimm.s32 $0x0;
	[sflag:s0] =	ssyncpa.u1 $0x0  }
0x4: {  	[tilespmem:s4+$0x70] =	vst v0  }
0x5: {  	[tilespmem:s4+$0x60] =	vst v0  }
0x6: {  	[tilespmem:s4+$0x50] =	vst v0  }
0x7: {  	[tilespmem:s4+$0x40] =	vst v0  }
0x8: {  	[tilespmem:s4+$0x30] =	vst v0  }
0x9: {  	s1 =	sadd.s32 $0xA0F000, s2;
	s0 =	sadd.s32 $0x5000, s2;
	s6 =	sadd.s32 $0xF000, s2;
	[tilespmem:s4+$0x20] =	vst v0  }
0xa: {  	s2 =	sadd.s32 $0xA000, s2;
	s7 =	sand.u32 $0x1, s3;
	s3 =	simm.s32 $0x40;
	[tilespmem:s4+$0x10] =	vst v0  }
.LBB2_1:
0xb: {  	s3 =	sadd.s32 $0x40, s3;
	[tilespmem:s4+$0x0] =	vst v0;
	s4 =	sadd.s32 $0x80, s4  }
0xc: {  	p0 =	slt.u32 s3, $0x3100;
	[tilespmem:s4+$0x70] =	vst v0  }
0xd: {  	[tilespmem:s4+$0x60] =	vst v0  }
.Ltmp0:
0xe: {  	[tilespmem:s4+$0x50] =	vst v0;
	(pc) =	sbr.rel @p0 .LBB2_1-.Ltmp0, $4  }
0xf: {  	[tilespmem:s4+$0x40] =	vst v0  }
0x10: {  	[tilespmem:s4+$0x30] =	vst v0  }
0x11: {  	[tilespmem:s4+$0x20] =	vst v0  }
0x12: {  	[tilespmem:s4+$0x10] =	vst v0  }
0x13: {  	s10 =	stileid.u32  }
0x14: {  	s3 =	smul.u32 $0x6A, s10  }
0x15: {  	s5 =	smin.u32 s10, $0xB  }
0x16: {  	s3 =	sadd.s32 s5, s3  }
0x17: {  	p0 =	slt.u32 s10, $0xB;
	s11 =	smul.u32 $0x30, s3;
	s3 =	simm.s32 $0x1410  }
0x18: {  	s3 =	simm.s32 @!p0 $0x13E0  }
0x19: {  	s3 =	sadd.s32 s3, s11  }
0x1a: {  	s8 =	smin.u32 s3, $0x14000  }
0x1b: {  	s26 =	simm.s32 $0x2;
	s9 =	simm.s32 $0x9;
	s3 =	ssub.s32 s8, s11  }
0x1c: {  	s29 =	simm.s32 $0xA;
	s30 =	simm.s32 $0xB;
	p0 =	sgt.s32 s3, $0x0  }
0x1d: {  	[dreg:$0x4] =	wrdreg s7;
	s31 =	smul.u32 $0x2800, s7;
	s3 =	simm.s32 @!p0 $0x0  }
0x1e: {  	s12 =	simm.s32 $0x1;
	s24 =	simm.s32 $0x0;
	s25 =	smulhi.u32 $0x2AAAAAAB, s3  }
0x1f: {  	p1 =	por $0x0, $0x0;
	s18 =	simm.s32 $0x80;
	s19 =	simm.s32 $0x400  }
0x20: {  	s20 =	simm.s32 $0xC;
	s21 =	simm.s32 $0x0;
	s28 =	sshrl.u32 s25, $0x3  }
0x21: {  	[tilespmem:s4+$0x0] =	vst v0;
	v0 =	vimm.s32 $0xFFFFFFFF;
	s23 =	simm.s32 $0x0;
	[sflag:s26] =	ssyncpa.u1 $0x0;
	s5 =	smul.u32 $0x30, s28  }
0x22: {  	s16 =	sshll.u32 s10, $0xA;
	[tilespmem:$0xC808] =	vst v0;
	[sflag:s9] =	ssyncpa.u1 $0x0;
	s14 =	sadd.s32 s31, s2  }
.Ltmp1:
0x23: {  	p0 =	sne.s32 s3, s5;
	s3 =	simm.s32 $0x1;
	(pc) =	sbr.rel .LBB2_3-.Ltmp1, $4  }
0x24: {  	s15 =	sadd.s32 s31, s0;
	[dreg:$0x6] =	wrdreg s14;
	s3 =	simm.s32 @!p0 $0x0  }
0x25: {  	[sflag:s29] =	ssyncpa.u1 $0x0;
	[dreg:$0x7] =	wrdreg s15;
	s13 =	sadd.s32 s3, s28  }
0x26: {  	[sflag:s30] =	ssyncpa.u1 $0x0;
	s17 =	sadd.s32 $0x1, s13;
	[dreg:$0x5] =	wrdreg s13  }
0x27: {  	v0 =	vlaneseq.u32;
	s22 =	smov.u32 s11;
	p0 =	por $0x1, $0x1;
	[dreg:$0x8] =	wrdreg s17  }
.LBB2_30:
0x28: {  	s0 =	sshrl.u32 s0, $0x2  }
.LBB2_32:
0x29: {  	_ =	swait.ge [sflag:s20], s0  }
0x2a: {  	s30 =	ssub.s32 $0x0, s0;
	v1 =	vmov s26;
	vm0 =	veq.s32 v0, $0x0;
	[sflag:s20] =	ssyncset.done $0x0  }
0x2b: {  	vm15 =	veq.s32 v0, $0x2;
	v1 =	vsel vm0, s31, v1;
	[sflag:s20] =	ssyncadd.s32 s30  }
0x2c: {  	v1 =	vsel vm15, s24, v1;
	[sflag:s20] =	ssyncpa.u1 $0x1  }
0x2d: {  	[tilespmem:$0xC808] =	vst v1  }
.LBB2_33:
0x2e: {  	s0 =	sadd.s32 $0x30, s22  }
0x2f: {  	s2 =	smov.u32 s11;
	p2 =	slt.s32 s0, s8  }
0x30: {  	s2 =	smov.u32 @p2 s0;
	p2 =	sne.s32 s23, s17  }
.Ltmp2:
0x31: {  	_ = 	snop;
	(pc) =	sbr.rel @!p2 .LBB2_34-.Ltmp2, $4  }
0x32: {  	_ = 	snop  }
0x33: {  	s24 =	smov.u32 s21  }
0x34: {  	s31 =	sadd.s32 $0x1, s23;
	s21 =	smov.u32 s22;
	p0 =	por !p0, !p0  }
0x35: {  	p1 =	por !p1, !p1;
	s23 =	smov.u32 s31;
	s22 =	smov.u32 s2  }
.LBB2_3:
0x36: {  	p2 =	sge.u32 s23, s13  }
0x37: {  	s0 =	smulhi.u32 @!p2 $0xAAAAAAAB, s23  }
0x38: {  	s2 =	smov.u32 s22;
	p3 =	sgt.s32 @!p2 s22, $0x13FD0  }
0x39: {  	s3 =	sshra.s32 @!p2 s22, $0x1F;
	p3 =	por !p3, p2;
	s0 =	sshrl.u32 @!p2 s0, $0x1  }
0x3a: {  	s3 =	sand.u32 @!p2 s3, s22;
	s2 =	simm.s32 @p3 $0x13FD0;
	s0 =	smul.u32 @!p2 $0x3, s0  }
0x3b: {  	s2 =	ssub.s32 @!p2 s2, s3  }
0x3c: {  	s2 =	sadd.s32 @!p2 $0xFFFEC030, s2;
	s0 =	ssub.s32 @!p2 s23, s0  }
0x3d: {  	s3 =	sshll.u32 @!p2 s2, $0x2;
	p3 =	sgt.s32 @!p2 s2, $0x2F;
	s0 =	smul.u32 @!p2 $0xC0, s0  }
0x3e: {  	s4 =	sand.u32 @!p2 $0x7, s22;
	s2 =	ssub.s32 @!p2 $0xC0, s3;
	p3 =	por !p3, p2  }
0x3f: {  	s3 =	sshrl.u32 @!p2 s22, $0x3;
	s2 =	sshrl.u32 @!p2 s2, $0x2;
	s0 =	sshrl.u32 @!p2 s0, $0x2  }
0x40: {  	s3 =	sadd.s32 @!p2 s3, s14;
	s2 =	simm.s32 @!p3 $0x0;
	s0 =	sadd.s32 @!p2 $0x10848, s0  }
0x41: {  	[tilespmem:s0], [sflag:$0xA] =	stream.linear.gather @!p2 [hbm4b:s3+s4], s2, $0x38;
	[tilespmem:$0x1C938] =	vst v63  }
0x42: {  	s2 =	sadd.s32 $0xFFFFFFFF, s23  }
0x43: {  	p2 =	sge.u32 s2, s13  }
0x44: {  	p3 =	sgt.s32 @!p2 s21, $0x13FD0  }
0x45: {  	s0 =	smov.u32 s21;
	s3 =	sshra.s32 @!p2 s21, $0x1F;
	p3 =	por !p3, p2  }
0x46: {  	s3 =	sand.u32 @!p2 s3, s21;
	s0 =	simm.s32 @p3 $0x13FD0  }
0x47: {  	s0 =	ssub.s32 @!p2 s0, s3  }
0x48: {  	s0 =	sadd.s32 @!p2 $0xFFFEC030, s0  }
0x49: {  	s3 =	sshll.u32 @!p2 s0, $0x2  }
0x4a: {  	p3 =	sgt.s32 @!p2 s0, $0x2F;
	s0 =	ssub.s32 @!p2 $0xC0, s3  }
0x4b: {  	p3 =	por !p3, p2;
	s0 =	sshrl.u32 @!p2 s0, $0x2  }
0x4c: {  	s4 =	simm.s32 @!p2 $0xA;
	s3 =	sand.u32 @!p2 $0x1, s2;
	s0 =	simm.s32 @!p3 $0x0  }
0x4d: {  	s3 =	smul.u32 @!p2 $0xC0, s3;
	_ =	swait.ge @!p2 [sflag:s4], s0  }
0x4e: {  	s5 =	ssub.s32 @!p2 $0x0, s0;
	[sflag:s4] =	ssyncset.done @!p2 $0x0  }
0x4f: {  	s3 =	sshrl.u32 @!p2 s3, $0x2;
	[sflag:s4] =	ssyncadd.s32 @!p2 s5;
	s4 =	sshrl.u32 @!p2 s21, $0x3  }
0x50: {  	s3 =	sadd.s32 @!p2 $0x108D8, s3;
	s5 =	sand.u32 @!p2 $0x7, s21;
	s4 =	sadd.s32 @!p2 s4, s15  }
0x51: {  	[tilespmem:s3], [sflag:$0xB] =	stream.linear.gather @!p2 [hbm4b:s4+s5], s0, $0x38;
	[tilespmem:$0x1C938] =	vst v63  }
0x52: {  	s0 =	ssub.s32 @!p2 $0x14000, s21  }
0x53: {  	p3 =	slt.s32 @!p2 s0, $0x1  }
0x54: {  	p3 =	por p2, p3  }
.Ltmp3:
0x55: {  	_ = 	snop;
	(pc) =	sbr.rel @p3 .LBB2_9-.Ltmp3, $1  }
0x56: {  	_ =	sdelay $0x3  }
0x57: {  	s3 =	smulhi.u32 $0xAAAAAAAB, s2;
	_ =	sdelay $0x1  }
0x58: {  	s3 =	sshrl.u32 s3, $0x1  }
0x59: {  	s3 =	smul.u32 $0x3, s3;
	_ =	sdelay $0x1  }
0x5a: {  	s29 =	ssub.s32 s2, s3  }
0x5b: {  	s4 =	simm.s32 $0x1;
	s2 =	smul.u32 $0xC0, s29  }
.Ltmp4:
0x5c: {  	s4 =	simm.s32 @!p0 $0x0;
	(pc) =	sbr.rel .LBB2_6-.Ltmp4, $4  }
0x5d: {  	s30 =	smul.u32 $0x18000, s4  }
0x5e: {  	p3 =	slt.s32 @!p2 s0, $0x30;
	s2 =	sshrl.u32 s2, $0x2  }
0x5f: {  	p2 =	por !p3, p2;
	s3 =	sshrl.u32 s30, $0x2;
	s31 =	sadd.s32 $0x10848, s2  }
0x60: {  	s0 =	simm.s32 @p2 $0x30;
	s2 =	sor.u32 $0x10938, s3;
	s3 =	simm.s32 $0x0;
	v1 =	vmov s31  }
.LBB2_5:
0x61: {  	p2 =	sge.s32 s3, s0  }
.Ltmp5:
0x62: {  	_ = 	snop;
	(pc) =	sbr.rel @p2 .LBB2_9-.Ltmp5, $2  }
0x63: {  	_ =	sdelay $0x2  }
0x64: {  	s2 =	sadd.s32 $0x2000, s2  }
.LBB2_6:
0x65: {  	p2 =	sle.s32 s0, s3  }
.Ltmp6:
0x66: {  	_ = 	snop;
	(pc) =	sbr.rel @p2 .LBB2_5-.Ltmp6, $2  }
0x67: {  	_ =	sdelay $0x2  }
0x68: {  	s4 =	smov.u32 s3;
	s3 =	sadd.s32 $0x10, s3  }
0x69: {  	s5 =	ssub.s32 s0, s4  }
0x6a: {  	p2 =	slt.s32 s5, $0x10  }
0x6b: {  	s5 =	simm.s32 @!p2 $0x10  }
0x6c: {  	v2 =	vmov s5  }
0x6d: {  	vm0 =	vgt.s32 v2, v0;
	_ =	sdelay $0x5  }
0x6e: {  	v2 =	vld.idx.msk [tilespmem:v1+s4+$0x0 ss:$0x1], vm0;
	_ =	sdelay $0x2  }
0x6f: {  	p2 =	slt.s32 s3, s0;
	s5 =	smov.u32 s0  }
0x70: {  	s9 =	smov.u32 s2;
	s25 =	simm.s32 $0x0;
	s5 =	smov.u32 @p2 s3  }
.LBB2_8:
0x71: {  	(v2sf) =	vpush v2, s25;
	_ =	sdelay $0xe  }
0x72: {  	s25 =	sadd.s32 $0x1, s25;
	s10 =	spop (v2sf)  }
0x73: {  	s31 =	sadd.s32 s25, s4;
	s26 =	sshll.u32 s10, $0x9;
	s10 =	sshll.u32 s10, $0x7  }
0x74: {  	p2 =	slt.s32 s31, s5;
	s26 =	sand.u32 $0xFFFFF000, s26;
	s10 =	sand.u32 $0x380, s10  }
.Ltmp7:
0x75: {  	s10 =	sor.u32 s10, s26;
	(pc) =	sbr.rel @p2 .LBB2_8-.Ltmp7, $4  }
0x76: {  	s10 =	sshrl.u32 s10, $0x3  }
0x77: {  	s10 =	sadd.s32 s6, s10  }
0x78: {  	[tilespmem:s9], [sflag:$0x9] =	stream.strided.gather [hbm4b:s10+s18], $0x200, s19, s18, $0x38;
	[tilespmem:$0x1C938] =	vst v63  }
0x79: {  	s9 =	sadd.s32 $0x200, s9  }
.Ltmp8:
0x7a: {  	_ = 	snop;
	(pc) =	sbr.rel .LBB2_5-.Ltmp8, $1  }
0x7b: {  	_ =	sdelay $0x3  }
.LBB2_9:
0x7c: {  	p2 =	slt.u32 s23, $0x2  }
.Ltmp9:
0x7d: {  	_ = 	snop;
	(pc) =	sbr.rel @p2 .LBB2_33-.Ltmp9, $1  }
0x7e: {  	_ =	sdelay $0x3  }
0x7f: {  	p2 =	sgt.s32 s24, $0x13FD0  }
0x80: {  	s0 =	smov.u32 s24;
	s2 =	sshra.s32 s24, $0x1F;
	s3 =	ssub.s32 $0x14000, s24  }
0x81: {  	s0 =	simm.s32 @!p2 $0x13FD0;
	s2 =	sand.u32 s2, s24;
	p2 =	slt.s32 s3, $0x30  }
0x82: {  	s0 =	ssub.s32 s0, s2;
	s3 =	simm.s32 @!p2 $0x30  }
0x83: {  	s0 =	sadd.s32 $0xFFFEC030, s0;
	s25 =	sshll.u32 s3, $0x9  }
0x84: {  	s29 =	simm.s32 $0x9;
	s26 =	sshll.u32 s0, $0x2;
	s2 =	sand.u32 $0x3FFFFE00, s25  }
0x85: {  	p2 =	sgt.s32 s0, $0x2F;
	s28 =	ssub.s32 $0xC0, s26;
	_ =	swait.ge [sflag:s29], s2  }
0x86: {  	s2 =	ssub.s32 $0x0, s2;
	[sflag:s29] =	ssyncset.done $0x0;
	s0 =	sshrl.u32 s28, $0x2  }
0x87: {  	s30 =	simm.s32 $0xB;
	[sflag:s29] =	ssyncadd.s32 s2;
	s0 =	simm.s32 @p2 $0x0  }
0x88: {  	_ =	swait.ge [sflag:s30], s0  }
0x89: {  	s0 =	ssub.s32 $0x0, s0;
	[sflag:s30] =	ssyncset.done $0x0  }
0x8a: {  	[sflag:s30] =	ssyncadd.s32 s0  }
0x8b: {  	v1 =	vld [tilespmem:$0xC808];
	_ =	sdelay $0x4  }
0x8c: {  	(v2sf) =	vpush v1, $0x0  }
0x8d: {  	(v2sf) =	vpush v1, $0x1  }
0x8e: {  	(v2sf) =	vpush v1, $0x2;
	_ =	sdelay $0x3  }
0x8f: {  	s2 =	sadd.s32 $0x30, s24  }
0x90: {  	s3 =	ssub.s32 $0x28000, s24;
	p2 =	slt.s32 s8, s2  }
0x91: {  	s2 =	smov.u32 @p2 s8;
	p2 =	sgt.s32 s3, $0x0  }
0x92: {  	s25 =	ssub.s32 s2, s24;
	s3 =	simm.s32 @!p2 $0x0  }
0x93: {  	p2 =	slt.s32 s3, s25  }
0x94: {  	s25 =	smov.u32 @p2 s3  }
0x95: {  	s0 =	simm.s32 $0x1;
	p2 =	slt.s32 s25, $0x1  }
.Ltmp10:
0x96: {  	s0 =	simm.s32 @!p1 $0x0;
	(pc) =	sbr.rel @p2 .LBB2_14-.Ltmp10, $4  }
0x97: {  	s4 =	smul.u32 $0xC0, s0  }
0x98: {  	s2 =	spop (v2sf)  }
0x99: {  	s31 =	sshrl.u32 s4, $0x2;
	s5 =	spop (v2sf)  }
0x9a: {  	s4 =	sadd.s32 $0x108D8, s31;
	s24 =	spop (v2sf)  }
0x9b: {  	s3 =	smin.u32 s25, $0x10  }
0x9c: {  	v1 =	vmov s3  }
0x9d: {  	vm1 =	vgt.u32 v1, v0  }
0x9e: {  	p3 =	sgt.s32 s25, $0x10  }
.Ltmp11:
0x9f: {  	_ = 	snop;
	(pc) =	sbr.rel @!p3 .LBB2_13-.Ltmp11, $2  }
0xa0: {  	_ =	sdelay $0x2  }
0xa1: {  	s9 =	simm.s32 $0x10;
	s26 =	sadd.s32 $0xFFFFFFF0, s25;
	s3 =	smov.u32 s4;
	vm0 =	vmmov vm1;
	v1 =	vld.msk [tilespmem:s4+$0x0 ss:$0x1], vm1  }
.LBB2_12:
0xa2: {  	s10 =	smin.u32 s26, $0x10;
	s9 =	sadd.s32 $0x10, s9  }
0xa3: {  	v2 =	vmov s10;
	p3 =	slt.s32 s9, s25  }
0xa4: {  	vm1 =	vgt.u32 v2, v0;
	_ =	sdelay $0x1  }
0xa5: {  	v2 =	vshll.u32 v1, $0x6;
	v1 =	vshll.u32 v1, $0x4  }
.Ltmp12:
0xa6: {  	v2 =	vand.u32 $0xFFFFFE00, v2;
	v1 =	vand.u32 $0x70, v1;
	(pc) =	sbr.rel @p3 .LBB2_12-.Ltmp12, $4  }
0xa7: {  	v1 =	vor.u32 v1, v2  }
0xa8: {  	[tilespmem:s3+$0x0] =	vst.msk vm0, v1;
	s3 =	sadd.s32 $0x10, s3;
	vm0 =	vmmov vm1  }
0xa9: {  	v1 =	vld.msk [tilespmem:s3+$0x0 ss:$0x1], vm1  }
0xaa: {  	s26 =	sadd.s32 $0xFFFFFFF0, s26  }
.LBB2_13:
0xab: {  	_ =	sdelay $0x3  }
0xac: {  	v2 =	vshll.u32 v1, $0x6;
	v1 =	vshll.u32 v1, $0x4  }
0xad: {  	v2 =	vand.u32 $0xFFFFFE00, v2;
	v1 =	vand.u32 $0x70, v1  }
0xae: {  	v1 =	vor.u32 v1, v2  }
0xaf: {  	[tilespmem:s3+$0x0] =	vst.msk vm0, v1  }
.LBB2_14:
0xb0: {  	s3 =	sand.u32 $0x1, s23  }
0xb1: {  	s3 =	smul.u32 $0x30, s3  }
0xb2: {  	p3 =	sne.s32 s5, $0xFFFFFFFF  }
0xb3: {  	v1 =	vld.msk @!p3 [tilespmem:s3+$0x108D8], $0x1;
	_ =	sdelay $0x4  }
0xb4: {  	(v2sf) =	vpush @!p3 v1, $0x0;
	_ =	sdelay $0xc  }
.Ltmp13:
0xb5: {  	_ = 	snop;
	(pc) =	sbr.rel @p2 .LBB2_31-.Ltmp13, $4  }
0xb6: {  	_ = 	snop  }
0xb7: {  	s30 =	spop @!p3 (v2sf)  }
0xb8: {  	s24 =	simm.s32 @!p3 $0x0;
	s26 =	smov.u32 s30  }
0xb9: {  	[sflag:s20] =	ssyncpa.u1 $0x0;
	s30 =	smov.u32 @p3 s2;
	s26 =	smov.u32 @p3 s5  }
0xba: {  	v1 =	vld.msk [tilespmem:s4+$0x0], $0x1;
	_ =	sdelay $0x4  }
0xbb: {  	(v2sf) =	vpush v1, $0x0;
	_ =	sdelay $0xd  }
0xbc: {  	s0 =	smul.u32 $0x18000, s0  }
0xbd: {  	s13 =	smov.u32 s8;
	s8 =	smov.u32 s11;
	s5 =	spop (v2sf)  }
0xbe: {  	s2 =	ssub.s32 $0x0, s25;
	s0 =	sshrl.u32 s0, $0x2;
	p2 =	seq.s32 s30, s5  }
0xbf: {  	s29 =	simm.s32 $0x0;
	s28 =	sor.u32 $0x10938, s0;
	p3 =	sgt.s32 @!p2 s30, $0x0  }
0xc0: {  	s0 =	sadd.s32 $0x108D8, s3;
	s3 =	smov.u32 s30;
	p3 =	por !p3, p2  }
0xc1: {  	s4 =	sadd.s32 $0x1, s4;
	s31 =	sadd.s32 $0x1, s2;
	s3 =	simm.s32 @p3 $0x0  }
0xc2: {  	s2 =	simm.s32 @!p2 $0x1;
	s9 =	simm.s32 @!p2 $0x6608;
	s10 =	smin.u32 @!p2 s3, $0x9FE70  }
0xc3: {  	p3 =	seq.s32 s31, $0x0;
	s3 =	sand.u32 @!p2 $0xFFFF8, s10;
	s11 =	sadd.s32 @!p2 $0x80, s10  }
0xc4: {  	s14 =	sadd.s32 @!p2 $0x100, s10;
	s15 =	sadd.s32 @!p2 s1, s3;
	s3 =	sand.u32 @!p2 $0x7, s10  }
0xc5: {  	s11 =	sand.u32 @!p2 $0x1FFFF8, s11;
	s14 =	sand.u32 @!p2 $0x1FFFF8, s14;
	s10 =	sadd.s32 @!p2 $0x180, s10  }
0xc6: {  	[tilespmem:s9], [sflag:$0x2] =	stream.linear.gather @!p2 [hbm4b:s15+s3], $0x80, $0x38;
	[tilespmem:$0x1C938] =	vst v63  }
.Ltmp14:
0xc7: {  	s9 =	simm.s32 @!p2 $0x6688;
	s11 =	sadd.s32 @!p2 s1, s11;
	(pc) =	sbr.rel @p3 .LBB2_17-.Ltmp14, $4  }
0xc8: {  	[tilespmem:s9], [sflag:$0x2] =	stream.linear.gather @!p2 [hbm4b:s11+s3], $0x80, $0x38;
	[tilespmem:$0x1C938] =	vst v63  }
0xc9: {  	s10 =	sand.u32 @!p2 $0x1FFFF8, s10;
	s9 =	simm.s32 @!p2 $0x6708;
	s11 =	sadd.s32 @!p2 s1, s14  }
0xca: {  	[tilespmem:s9], [sflag:$0x2] =	stream.linear.gather @!p2 [hbm4b:s11+s3], $0x80, $0x38;
	[tilespmem:$0x1C938] =	vst v63  }
0xcb: {  	s2 =	smov.u32 @p2 s29;
	s10 =	sadd.s32 @!p2 s1, s10;
	s9 =	simm.s32 @!p2 $0x6788  }
.LBB2_16:
0xcc: {  	s11 =	smov.u32 s2  }
0xcd: {  	[tilespmem:s9], [sflag:$0x2] =	stream.linear.gather @!p2 [hbm4b:s10+s3], $0x80, $0x38;
	[tilespmem:$0x1C938] =	vst v63  }
0xce: {  	s31 =	sadd.s32 $0x1, s31;
	s3 =	smov.u32 s5  }
0xcf: {  	p3 =	seq.s32 s31, $0x0;
	v1 =	vld.msk [tilespmem:s4+$0x0], $0x1;
	_ =	sdelay $0x4  }
0xd0: {  	(v2sf) =	vpush v1, $0x0;
	_ =	sdelay $0xe  }
0xd1: {  	s5 =	spop (v2sf)  }
0xd2: {  	p2 =	seq.s32 s3, s5  }
0xd3: {  	p4 =	sgt.s32 @!p2 s3, $0x0  }
0xd4: {  	s9 =	sshll.u32 @!p2 s2, $0xB;
	s2 =	sadd.s32 @!p2 $0x1, s2;
	p4 =	por !p4, p2  }
0xd5: {  	s9 =	sshra.s32 @!p2 s9, $0x2;
	s2 =	smov.u32 @p2 s11;
	s3 =	simm.s32 @p4 $0x0  }
0xd6: {  	s10 =	sadd.s32 @!p2 $0x6608, s9;
	s11 =	sadd.s32 @!p2 $0x6688, s9;
	s14 =	smin.u32 @!p2 s3, $0x9FE70  }
0xd7: {  	s15 =	sadd.s32 @!p2 $0x6708, s9;
	s9 =	sadd.s32 @!p2 $0x6788, s9;
	s3 =	sand.u32 @!p2 $0xFFFF8, s14  }
0xd8: {  	s17 =	sadd.s32 @!p2 $0x80, s14;
	s7 =	sadd.s32 @!p2 $0x100, s14;
	s20 =	sadd.s32 @!p2 s1, s3  }
0xd9: {  	s3 =	sand.u32 @!p2 $0x7, s14;
	s17 =	sand.u32 @!p2 $0x1FFFF8, s17;
	s7 =	sand.u32 @!p2 $0x1FFFF8, s7  }
0xda: {  	[tilespmem:s10], [sflag:$0x2] =	stream.linear.gather @!p2 [hbm4b:s20+s3], $0x80, $0x38;
	[tilespmem:$0x1C938] =	vst v63  }
.Ltmp15:
0xdb: {  	s14 =	sadd.s32 @!p2 $0x180, s14;
	s10 =	sadd.s32 @!p2 s1, s17;
	(pc) =	sbr.rel @!p3 .LBB2_16-.Ltmp15, $4  }
0xdc: {  	[tilespmem:s11], [sflag:$0x2] =	stream.linear.gather @!p2 [hbm4b:s10+s3], $0x80, $0x38;
	[tilespmem:$0x1C938] =	vst v63  }
0xdd: {  	s7 =	sadd.s32 @!p2 s1, s7;
	s10 =	sand.u32 @!p2 $0x1FFFF8, s14  }
0xde: {  	[tilespmem:s15], [sflag:$0x2] =	stream.linear.gather @!p2 [hbm4b:s7+s3], $0x80, $0x38;
	[tilespmem:$0x1C938] =	vst v63  }
0xdf: {  	s4 =	sadd.s32 $0x1, s4;
	s10 =	sadd.s32 @!p2 s1, s10  }
.LBB2_17:
0xe0: {  	[tilespmem:s9], [sflag:$0x2] =	stream.linear.gather @!p2 [hbm4b:s10+s3], $0x80, $0x38;
	[tilespmem:$0x1C938] =	vst v63  }
0xe1: {  	s2 =	sshll.u32 s2, $0x9  }
0xe2: {  	s31 =	simm.s32 $0x2;
	s2 =	sand.u32 $0x3FFFFE00, s2  }
.Ltmp16:
0xe3: {  	_ =	swait.ge [sflag:s31], s2;
	(pc) =	sbr.rel .LBB2_18-.Ltmp16, $4  }
0xe4: {  	s11 =	smov.u32 s8;
	s8 =	smov.u32 s13;
	s13 =	rddreg [dreg:$0x5]  }
0xe5: {  	v1 =	vmov s0;
	s0 =	simm.s32 $0x0;
	s4 =	simm.s32 $0x0;
	s14 =	rddreg [dreg:$0x6]  }
0xe6: {  	s2 =	ssub.s32 $0x0, s2;
	[sflag:s31] =	ssyncset.done $0x0;
	s15 =	rddreg [dreg:$0x7]  }
0xe7: {  	s20 =	simm.s32 $0xC;
	s17 =	rddreg [dreg:$0x8];
	[sflag:s31] =	ssyncadd.s32 s2  }
.LBB2_28:
0xe8: {  	[tilespmem:s2+$0x0] =	vst v2;
	s29 =	sadd.s32 $0x1, s29  }
.LBB2_29:
0xe9: {  	s4 =	sadd.s32 $0x1, s4  }
0xea: {  	p2 =	sne.s32 s4, s25  }
.Ltmp17:
0xeb: {  	_ = 	snop;
	(pc) =	sbr.rel @!p2 .LBB2_30-.Ltmp17, $2  }
0xec: {  	_ =	sdelay $0x2  }
0xed: {  	s28 =	sadd.s32 $0x200, s28;
	s30 =	smov.u32 s31  }
.LBB2_18:
0xee: {  	_ =	sdelay $0x3  }
0xef: {  	v2 =	vld.idx.msk [tilespmem:v1+s4+$0x0 ss:$0x1], $0x1;
	_ =	sdelay $0x4  }
0xf0: {  	(v2sf) =	vpush v2, $0x0;
	_ =	sdelay $0xe  }
0xf1: {  	s31 =	spop (v2sf)  }
0xf2: {  	p2 =	sne.s32 s30, s31  }
.Ltmp18:
0xf3: {  	_ = 	snop;
	(pc) =	sbr.rel @p2 .LBB2_22-.Ltmp18, $3  }
0xf4: {  	_ =	sdelay $0x1  }
0xf5: {  	s2 =	sshll.u32 s24, $0xB  }
0xf6: {  	s2 =	sshra.s32 s2, $0x2  }
0xf7: {  	s2 =	sadd.s32 $0x408, s2;
	s3 =	simm.s32 $0x0;
	v2 =	vld [tilespmem:s28+$0x0];
	s5 =	smov.u32 s28  }
.LBB2_20:
0xf8: {  	s3 =	sadd.s32 $0x10, s3  }
0xf9: {  	p2 =	slt.u32 s3, $0x1F0  }
.Ltmp19:
0xfa: {  	_ = 	snop;
	(pc) =	sbr.rel @p2 .LBB2_20-.Ltmp19, $3  }
0xfb: {  	_ =	sdelay $0x1  }
0xfc: {  	s5 =	sadd.s32 $0x10, s5;
	[tilespmem:s2+$0x0] =	vst.add.f32.msk $0xffff, v2;
	s2 =	sadd.s32 $0x10, s2  }
0xfd: {  	v2 =	vld [tilespmem:s5+$0x0]  }
.Ltmp20:
0xfe: {  	_ = 	snop;
	(pc) =	sbr.rel .LBB2_29-.Ltmp20, $2  }
0xff: {  	_ =	sdelay $0x2  }
0x100: {  	[tilespmem:s2+$0x0] =	vst.add.f32.msk $0xffff, v2  }
.LBB2_22:
0x101: {  	p2 =	seq.s32 s30, s26  }
.Ltmp21:
0x102: {  	_ = 	snop;
	(pc) =	sbr.rel @!p2 .LBB2_23-.Ltmp21, $1  }
0x103: {  	_ =	sdelay $0x3  }
.Ltmp22:
0x104: {  	s2 =	sadd.s32 $0x408, s2;
	(pc) =	sbr.rel .LBB2_26-.Ltmp22, $4  }
0x105: {  	[spmem:s16] =	stream.linear.scatter [tilespmem:s2], [sflag:$0x1], $0x200, $0x38;
	[tilespmem:$0x1C938] =	vst v63  }
0x106: {  	_ =	swait.ge [sflag:s12], $0x200  }
0x107: {  	[sflag:s12] =	ssyncset.done $0x0  }
0x108: {  	[sflag:s12] =	ssyncadd.s32 $0xFFFFFE00  }
.LBB2_23:
0x109: {  	s3 =	sshll.u32 s29, $0xB  }
0x10a: {  	s3 =	sshra.s32 s3, $0x2  }
0x10b: {  	s5 =	sadd.s32 $0x6608, s3;
	s3 =	sadd.s32 $0x408, s2  }
0x10c: {  	s10 =	simm.s32 $0x0;
	v2 =	vld [tilespmem:s5+$0x0];
	s9 =	smov.u32 s3  }
.LBB2_24:
0x10d: {  	s10 =	sadd.s32 $0x10, s10  }
0x10e: {  	p2 =	slt.u32 s10, $0x1F0  }
.Ltmp23:
0x10f: {  	_ = 	snop;
	(pc) =	sbr.rel @p2 .LBB2_24-.Ltmp23, $3  }
0x110: {  	_ =	sdelay $0x1  }
0x111: {  	s5 =	sadd.s32 $0x10, s5;
	[tilespmem:s9+$0x0] =	vst.add.f32.msk $0xffff, v2;
	s9 =	sadd.s32 $0x10, s9  }
0x112: {  	v2 =	vld [tilespmem:s5+$0x0]  }
0x113: {  	_ =	sdelay $0x1  }
0x114: {  	p2 =	sgt.u32 s30, $0x9FE70  }
0x115: {  	s5 =	sand.u32 @!p2 $0xFFFF8, s30  }
0x116: {  	s7 =	sand.u32 @!p2 $0x7, s30;
	s5 =	sadd.s32 @!p2 s1, s5;
	[tilespmem:s9+$0x0] =	vst.add.f32.msk $0xffff, v2  }
0x117: {  	[hbm4b:s5+s7] =	stream.linear.scatter @!p2 [tilespmem:s3], [sflag:$0xC], $0x80, $0x38;
	[tilespmem:$0x1C938] =	vst v63  }
0x118: {  	s3 =	sadd.s32 @!p2 $0x80, s30  }
0x119: {  	s3 =	sand.u32 @!p2 $0x1FFFF8, s3  }
0x11a: {  	s5 =	sadd.s32 @!p2 $0x488, s2;
	s3 =	sadd.s32 @!p2 s1, s3  }
0x11b: {  	[hbm4b:s3+s7] =	stream.linear.scatter @!p2 [tilespmem:s5], [sflag:$0xC], $0x80, $0x38;
	[tilespmem:$0x1C938] =	vst v63  }
0x11c: {  	s3 =	sadd.s32 @!p2 $0x100, s30  }
0x11d: {  	s3 =	sand.u32 @!p2 $0x1FFFF8, s3  }
0x11e: {  	s5 =	sadd.s32 @!p2 $0x508, s2;
	s3 =	sadd.s32 @!p2 s1, s3  }
0x11f: {  	[hbm4b:s3+s7] =	stream.linear.scatter @!p2 [tilespmem:s5], [sflag:$0xC], $0x80, $0x38;
	[tilespmem:$0x1C938] =	vst v63  }
0x120: {  	s3 =	sadd.s32 @!p2 $0x180, s30;
	s5 =	simm.s32 $0x0  }
0x121: {  	s3 =	sand.u32 @!p2 $0x1FFFF8, s3;
	s5 =	simm.s32 @!p2 $0x800  }
0x122: {  	s2 =	sadd.s32 @!p2 $0x588, s2;
	s3 =	sadd.s32 @!p2 s1, s3;
	s0 =	sadd.s32 s5, s0  }
0x123: {  	[hbm4b:s3+s7] =	stream.linear.scatter @!p2 [tilespmem:s2], [sflag:$0xC], $0x80, $0x38;
	[tilespmem:$0x1C938] =	vst v63  }
.LBB2_26:
0x124: {  	s2 =	sadd.s32 $0x1, s24  }
0x125: {  	s3 =	smulhi.u32 $0xAAAAAAAB, s2;
	_ =	sdelay $0x1  }
0x126: {  	s3 =	sshrl.u32 s3, $0x5  }
0x127: {  	s3 =	smul.u32 $0x30, s3;
	_ =	sdelay $0x1  }
0x128: {  	s24 =	ssub.s32 s2, s3  }
0x129: {  	s2 =	sshll.u32 s24, $0x9  }
0x12a: {  	v2 =	vld [tilespmem:s28+$0x0];
	s5 =	smov.u32 s28;
	s3 =	simm.s32 $0x0;
	s2 =	sadd.s32 $0x408, s2  }
.LBB2_27:
0x12b: {  	s3 =	sadd.s32 $0x10, s3  }
0x12c: {  	p2 =	slt.u32 s3, $0x1F0  }
.Ltmp24:
0x12d: {  	_ = 	snop;
	(pc) =	sbr.rel @p2 .LBB2_27-.Ltmp24, $3  }
0x12e: {  	_ =	sdelay $0x1  }
0x12f: {  	[tilespmem:s2+$0x0] =	vst v2;
	s2 =	sadd.s32 $0x10, s2;
	s5 =	sadd.s32 $0x10, s5  }
0x130: {  	v2 =	vld [tilespmem:s5+$0x0]  }
.Ltmp25:
0x131: {  	_ = 	snop;
	(pc) =	sbr.rel .LBB2_28-.Ltmp25, $1  }
0x132: {  	_ =	sdelay $0x3  }
.LBB2_31:
.Ltmp26:
0x133: {  	(pc) =	sbr.rel .LBB2_32-.Ltmp26, $4  }
0x134: {  	_ = 	snop  }
0x135: {  	s0 =	simm.s32 $0x2  }
0x136: {  	_ =	swait.ge [sflag:s0], $0x0  }
0x137: {  	s31 =	smov.u32 s30;
	[sflag:s0] =	ssyncset.done $0x0;
	s0 =	simm.s32 $0x0  }
.LBB2_34:
0x138: {  	_ =	sfence.sel $0x180000  }
0x139: {  	s0 =	simm.s32 $0x9;
	[bflag:$0x0] =	sbarrier.arrive $0xFFFF  }
0x13a: {  	s24 =	simm.s32 $0xA;
	[sflag:s0] =	ssyncpa.u1 $0x1  }
0x13b: {  	s25 =	simm.s32 $0xB;
	[sflag:s24] =	ssyncpa.u1 $0x1  }
0x13c: {  	s26 =	simm.s32 $0x2;
	[sflag:s25] =	ssyncpa.u1 $0x1  }
0x13d: {  	[sflag:s26] =	ssyncpa.u1 $0x1  }
0x13e: {  	v0 =	vld [tilespmem:$0xC808];
	_ =	sdelay $0x4  }
0x13f: {  	(v2sf) =	vpush v0, $0x0  }
0x140: {  	(v2sf) =	vpush v0, $0x1;
	_ =	sdelay $0x1  }
0x141: {  	(v2sf) =	vpush v0, $0x2;
	_ =	sdelay $0xb  }
0x142: {  	s0 =	spop (v2sf)  }
0x143: {  	s2 =	spop (v2sf)  }
0x144: {  	s3 =	smov.u32 s0;
	p0 =	sne.s32 s0, s2  }
0x145: {  	s4 =	spop (v2sf);
	s3 =	simm.s32 @!p0 $0xFFFFFFFF  }
0x146: {  	v2 =	vimm.s32 $0x1;
	v3 =	vlaneseq.u32;
	p0 =	seq.s32 s4, $0xFFFFFFFF;
	v1 =	vmov s3  }
0x147: {  	s17 =	stileid.u32;
	v0 =	vperm.xlane v0, v2;
	p1 =	sne.s32 @!p0 s0, s2;
	v1 =	vperm.xlane v1, v3  }
0x148: {  	vm0 =	vcmask $0x3F04;
	s6 =	simm.s32 $0xC808;
	s0 =	simm.s32 @!p0 $0x1;
	p1 =	por !p1, p0  }
0x149: {  	s3 =	sshll.u32 s17, $0x1;
	s2 =	sshll.u32 @!p0 s4, $0xB;
	s0 =	simm.s32 @p1 $0x0;
	v0 =	vsel vm0, v1, v0  }
0x14a: {  	s5 =	sor.u32 $0x4000, s3;
	s2 =	sshra.s32 @!p0 s2, $0x2;
	s0 =	sor.u32 @!p0 s0, s3;
	[tilespmem:$0xC808] =	vst v0  }
0x14b: {  	[spmem:s5] =	stream.linear.scatter [tilespmem:s6], [sflag:$0x1], $0x2, $0x38;
	[tilespmem:$0x1C938] =	vst v63  }
0x14c: {  	s2 =	sadd.s32 @!p0 $0x408, s2;
	s0 =	sshll.u32 @!p0 s0, $0x9  }
0x14d: {  	[spmem:s0] =	stream.linear.scatter @!p0 [tilespmem:s2], [sflag:$0x1], $0x200, $0x38;
	[tilespmem:$0x1C938] =	vst v63  }
0x14e: {  	s0 =	simm.s32 @!p0 $0x202  }
0x14f: {  	s28 =	simm.s32 $0x1;
	s0 =	simm.s32 @p0 $0x2  }
0x150: {  	_ =	swait.ge [sflag:s28], s0  }
0x151: {  	s0 =	ssub.s32 $0x0, s0;
	[sflag:s28] =	ssyncset.done $0x0  }
0x152: {  	p0 =	sne.s32 s17, $0x0;
	[sflag:s28] =	ssyncadd.s32 s0  }
.Ltmp27:
0x153: {  	_ =	sfence.stream.spmem;
	(pc) =	sbr.rel @p0 .LBB2_59-.Ltmp27, $4  }
0x154: {  	s29 =	simm.s32 $0x3;
	[bflag:$0x0] =	sbarrier.arrive $0xFFFF  }
0x155: {  	s30 =	simm.s32 $0x4;
	[sflag:s29] =	ssyncpa.u1 $0x1  }
0x156: {  	s31 =	simm.s32 $0x3C;
	[sflag:s30] =	ssyncpa.u1 $0x1  }
0x157: {  	s16 =	rddreg [dreg:$0x4];
	[sflag:s31] =	ssyncpa.u1 $0x1  }
0x158: {  	_ =	sfence.stream.spmem;
	s0 =	simm.s32 $0x5  }
0x159: {  	s2 =	simm.s32 $0x4000;
	s3 =	simm.s32 $0xC818;
	[sflag:s0] =	ssyncpa.u1 $0x0  }
0x15a: {  	[tilespmem:s3], [sflag:$0x5] =	stream.linear.gather [spmem:s2], $0x20, $0x38;
	[tilespmem:$0x1C938] =	vst v63  }
0x15b: {  	s26 =	simm.s32 $0x0;
	s28 =	simm.s32 $0xC838  }
0x15c: {  	[tilespmem:s28], [sflag:$0x5] =	stream.linear.gather [spmem:s26], $0x4000, $0x38;
	[tilespmem:$0x1C938] =	vst v63  }
0x15d: {  	_ =	swait.ge [sflag:s0], $0x4020  }
0x15e: {  	[sflag:s0] =	ssyncset.done $0x0  }
0x15f: {  	s29 =	simm.s32 $0x0;
	[sflag:s0] =	ssyncadd.s32 $0xFFFFBFE0  }
0x160: {  	v0 =	vld.msk [tilespmem:s29+$0xC818], $0x1;
	_ =	sdelay $0x1  }
0x161: {  	s30 =	simm.s32 $0x1  }
0x162: {  	v1 =	vld.msk [tilespmem:s30+$0xC818], $0x1;
	_ =	sdelay $0x1  }
0x163: {  	(v2sf) =	vpush v0, $0x0;
	_ =	sdelay $0x2  }
0x164: {  	(v2sf) =	vpush v1, $0x0;
	_ =	sdelay $0x2  }
0x165: {  	s31 =	simm.s32 $0x2  }
0x166: {  	v0 =	vld.msk [tilespmem:s31+$0xC818], $0x1;
	_ =	sdelay $0x2  }
0x167: {  	s2 =	simm.s32 $0xFFFFFFFF;
	s3 =	simm.s32 $0xFFFFFFFF;
	s0 =	simm.s32 $0xC  }
.LBB2_36:
0x168: {  	s4 =	smov.u32 s3;
	s5 =	smov.u32 s2  }
0x169: {  	s2 =	sshra.s32 s0, $0x2;
	p1 =	sne.s32 s0, $0x7C;
	s0 =	sadd.s32 $0x4, s0;
	(v2sf) =	vpush v0, $0x0  }
0x16a: {  	v0 =	vld.msk [tilespmem:s2+$0xC818], $0x1  }
.Ltmp28:
0x16b: {  	(pc) =	sbr.rel @p1 .LBB2_36-.Ltmp28, $4  }
0x16c: {  	s3 =	spop (v2sf)  }
0x16d: {  	p2 =	sne.s32 s5, $0xFFFFFFFF;
	s2 =	smov.u32 s3  }
0x16e: {  	p3 =	seq.s32 s3, $0xFFFFFFFF;
	s2 =	smov.u32 @p2 s5  }
0x16f: {  	s3 =	smov.u32 @p3 s4;
	s2 =	smov.u32 @p3 s5  }
0x170: {  	(v2sf) =	vpush v0, $0x0;
	_ =	sdelay $0x8  }
0x171: {  	s0 =	spop (v2sf);
	p1 =	sne.s32 s2, $0xFFFFFFFF;
	s9 =	simm.s32 $0x6  }
0x172: {  	s6 =	simm.s32 $0x0;
	s10 =	simm.s32 $0xC838;
	s4 =	smov.u32 s0  }
0x173: {  	s11 =	simm.s32 $0xC688;
	p2 =	seq.s32 s0, $0xFFFFFFFF;
	s4 =	smov.u32 @p1 s2  }
0x174: {  	s12 =	simm.s32 $0xC708;
	s4 =	smov.u32 @p2 s2;
	s2 =	spop (v2sf)  }
0x175: {  	s0 =	smov.u32 @p2 s3;
	p1 =	sne.s32 s4, $0xFFFFFFFF;
	s5 =	smov.u32 s2  }
.Ltmp29:
0x176: {  	p2 =	seq.s32 s2, $0xFFFFFFFF;
	s5 =	smov.u32 @p1 s4;
	(pc) =	sbr.rel .LBB2_38-.Ltmp29, $4  }
0x177: {  	s13 =	simm.s32 $0xC788;
	s5 =	smov.u32 @p2 s4;
	s7 =	spop (v2sf)  }
0x178: {  	s14 =	simm.s32 $0x0;
	p1 =	sne.s32 s5, $0xFFFFFFFF;
	s8 =	smov.u32 s7  }
0x179: {  	s2 =	smov.u32 @p2 s0;
	p2 =	seq.s32 s7, $0xFFFFFFFF;
	s8 =	smov.u32 @p1 s5  }
0x17a: {  	[sflag:s9] =	ssyncpa.u1 $0x0;
	s7 =	smov.u32 @p2 s2;
	s8 =	smov.u32 @p2 s5  }
.LBB2_53:
0x17b: {  	s14 =	sadd.s32 $0x1, s14  }
0x17c: {  	p1 =	sne.s32 s14, $0x20  }
.Ltmp30:
0x17d: {  	_ = 	snop;
	(pc) =	sbr.rel @!p1 .LBB2_54-.Ltmp30, $2  }
0x17e: {  	_ =	sdelay $0x2  }
0x17f: {  	s10 =	sadd.s32 $0x200, s10  }
.LBB2_38:
0x180: {  	v0 =	vld.msk [tilespmem:s14+$0xC818], $0x1;
	_ =	sdelay $0x4  }
0x181: {  	(v2sf) =	vpush v0, $0x0;
	_ =	sdelay $0xe  }
0x182: {  	s0 =	spop (v2sf)  }
0x183: {  	p1 =	seq.s32 s0, $0xFFFFFFFF  }
.Ltmp31:
0x184: {  	_ = 	snop;
	(pc) =	sbr.rel @p1 .LBB2_53-.Ltmp31, $1  }
0x185: {  	_ =	sdelay $0x3  }
0x186: {  	p1 =	slt.s32 s6, $0x1  }
.Ltmp32:
0x187: {  	_ = 	snop;
	(pc) =	sbr.rel @p1 .LBB2_46-.Ltmp32, $1  }
0x188: {  	_ =	sdelay $0x3  }
0x189: {  	s2 =	simm.s32 $0xC818;
	p1 =	por $0x0, $0x0  }
0x18a: {  	v1 =	vld.msk @!p1 [tilespmem:s2+$0x0], $0x1;
	_ =	sdelay $0x4  }
0x18b: {  	(v2sf) =	vpush @!p1 v1, $0x0;
	_ =	sdelay $0xd  }
0x18c: {  	p3 =	sne.s32 s6, $0x1  }
.Ltmp33:
0x18d: {  	s3 =	spop @!p1 (v2sf);
	(pc) =	sbr.rel @!p3 .LBB2_42-.Ltmp33, $4  }
0x18e: {  	p2 =	seq.s32 @!p1 s0, s3  }
0x18f: {  	s4 =	simm.s32 $0x0;
	p2 =	por !p2, p1  }
0x190: {  	s3 =	simm.s32 $0xFFFFFFFF;
	s4 =	simm.s32 @p2 $0xFFFFFFFF  }
0x191: {  	s5 =	simm.s32 $0x1;
	s4 =	smov.u32 @p1 s3  }
.LBB2_41:
0x192: {  	s3 =	smov.u32 s4;
	p1 =	sne.s32 s4, $0xFFFFFFFF  }
0x193: {  	s2 =	sadd.s32 $0x1, s2;
	s4 =	smov.u32 s5;
	s5 =	sadd.s32 $0x1, s5  }
0x194: {  	p2 =	sne.s32 s6, s5;
	v1 =	vld.msk @!p1 [tilespmem:s2+$0x0], $0x1;
	_ =	sdelay $0x4  }
0x195: {  	(v2sf) =	vpush @!p1 v1, $0x0;
	_ =	sdelay $0xe  }
.Ltmp34:
0x196: {  	s15 =	spop @!p1 (v2sf);
	(pc) =	sbr.rel @p2 .LBB2_41-.Ltmp34, $4  }
0x197: {  	p3 =	seq.s32 @!p1 s0, s15  }
0x198: {  	p3 =	por !p3, p1  }
0x199: {  	s4 =	simm.s32 @p3 $0xFFFFFFFF  }
0x19a: {  	s4 =	smov.u32 @p1 s3  }
.LBB2_42:
0x19b: {  	p1 =	seq.s32 s4, $0xFFFFFFFF  }
.Ltmp35:
0x19c: {  	_ = 	snop;
	(pc) =	sbr.rel @p1 .LBB2_46-.Ltmp35, $1  }
0x19d: {  	_ =	sdelay $0x3  }
0x19e: {  	s0 =	sshll.u32 s4, $0xB  }
0x19f: {  	s0 =	sshra.s32 s0, $0x2  }
0x1a0: {  	s2 =	simm.s32 $0x0;
	v0 =	vld [tilespmem:s10+$0x0];
	s3 =	smov.u32 s10;
	s0 =	sadd.s32 $0xC838, s0  }
.LBB2_44:
0x1a1: {  	s2 =	sadd.s32 $0x10, s2  }
0x1a2: {  	p1 =	slt.u32 s2, $0x1F0  }
.Ltmp36:
0x1a3: {  	_ = 	snop;
	(pc) =	sbr.rel @p1 .LBB2_44-.Ltmp36, $3  }
0x1a4: {  	_ =	sdelay $0x1  }
0x1a5: {  	s3 =	sadd.s32 $0x10, s3;
	[tilespmem:s0+$0x0] =	vst.add.f32.msk $0xffff, v0;
	s0 =	sadd.s32 $0x10, s0  }
0x1a6: {  	v0 =	vld [tilespmem:s3+$0x0]  }
.Ltmp37:
0x1a7: {  	_ = 	snop;
	(pc) =	sbr.rel .LBB2_53-.Ltmp37, $2  }
0x1a8: {  	_ =	sdelay $0x2  }
0x1a9: {  	[tilespmem:s0+$0x0] =	vst.add.f32.msk $0xffff, v0  }
.LBB2_46:
0x1aa: {  	p1 =	sgt.u32 s0, $0x9FE70  }
0x1ab: {  	p2 =	seq.s32 @!p1 s0, s8  }
0x1ac: {  	p1 =	por p1, p2  }
0x1ad: {  	p2 =	seq.s32 @!p1 s0, s7  }
0x1ae: {  	p1 =	por p1, p2  }
.Ltmp38:
0x1af: {  	_ = 	snop;
	(pc) =	sbr.rel @p1 .LBB2_50-.Ltmp38, $1  }
0x1b0: {  	_ =	sdelay $0x3  }
0x1b1: {  	s2 =	sand.u32 $0xFFFF8, s0;
	s4 =	sand.u32 $0x7, s0  }
0x1b2: {  	s29 =	sadd.s32 $0x80, s0;
	s3 =	sadd.s32 s1, s2;
	s2 =	simm.s32 $0xC608  }
0x1b3: {  	[tilespmem:s2], [sflag:$0x6] =	stream.linear.gather [hbm4b:s3+s4], $0x80, $0x38;
	[tilespmem:$0x1C938] =	vst v63  }
0x1b4: {  	s3 =	sand.u32 $0x1FFFF8, s29  }
0x1b5: {  	s30 =	sadd.s32 $0x100, s0;
	s3 =	sadd.s32 s1, s3  }
0x1b6: {  	[tilespmem:s11], [sflag:$0x6] =	stream.linear.gather [hbm4b:s3+s4], $0x80, $0x38;
	[tilespmem:$0x1C938] =	vst v63  }
0x1b7: {  	s31 =	sadd.s32 $0x180, s0;
	s3 =	sand.u32 $0x1FFFF8, s30  }
0x1b8: {  	s0 =	sand.u32 $0x1FFFF8, s31;
	s3 =	sadd.s32 s1, s3  }
0x1b9: {  	[tilespmem:s12], [sflag:$0x6] =	stream.linear.gather [hbm4b:s3+s4], $0x80, $0x38;
	[tilespmem:$0x1C938] =	vst v63  }
0x1ba: {  	s0 =	sadd.s32 s1, s0  }
0x1bb: {  	[tilespmem:s13], [sflag:$0x6] =	stream.linear.gather [hbm4b:s0+s4], $0x80, $0x38;
	[tilespmem:$0x1C938] =	vst v63  }
0x1bc: {  	_ =	swait.ge [sflag:s9], $0x200  }
0x1bd: {  	[sflag:s9] =	ssyncset.done $0x0  }
0x1be: {  	[sflag:s9] =	ssyncadd.s32 $0xFFFFFE00  }
0x1bf: {  	s3 =	smov.u32 s10;
	s0 =	simm.s32 $0x0;
	v1 =	vld [tilespmem:s2+$0x0]  }
.LBB2_48:
0x1c0: {  	s0 =	sadd.s32 $0x10, s0  }
0x1c1: {  	p1 =	slt.u32 s0, $0x1F0  }
.Ltmp39:
0x1c2: {  	_ = 	snop;
	(pc) =	sbr.rel @p1 .LBB2_48-.Ltmp39, $3  }
0x1c3: {  	_ =	sdelay $0x1  }
0x1c4: {  	s2 =	sadd.s32 $0x10, s2;
	[tilespmem:s3+$0x0] =	vst.add.f32.msk $0xffff, v1;
	s3 =	sadd.s32 $0x10, s3  }
0x1c5: {  	v1 =	vld [tilespmem:s2+$0x0]  }
0x1c6: {  	_ =	sdelay $0x3  }
0x1c7: {  	[tilespmem:s3+$0x0] =	vst.add.f32.msk $0xffff, v1  }
.LBB2_50:
0x1c8: {  	s0 =	sshll.u32 s6, $0xB  }
0x1c9: {  	[tilespmem:s6+$0xC818] =	vst.msk $0x1, v0;
	s0 =	sshra.s32 s0, $0x2  }
0x1ca: {  	s2 =	simm.s32 $0x0;
	s3 =	smov.u32 s10;
	v0 =	vld [tilespmem:s10+$0x0];
	s0 =	sadd.s32 $0xC838, s0  }
.LBB2_51:
0x1cb: {  	s2 =	sadd.s32 $0x10, s2  }
0x1cc: {  	p1 =	slt.u32 s2, $0x1F0  }
.Ltmp40:
0x1cd: {  	_ = 	snop;
	(pc) =	sbr.rel @p1 .LBB2_51-.Ltmp40, $3  }
0x1ce: {  	_ =	sdelay $0x1  }
0x1cf: {  	s3 =	sadd.s32 $0x10, s3;
	[tilespmem:s0+$0x0] =	vst v0;
	s0 =	sadd.s32 $0x10, s0  }
0x1d0: {  	v0 =	vld [tilespmem:s3+$0x0]  }
.Ltmp41:
0x1d1: {  	_ = 	snop;
	(pc) =	sbr.rel .LBB2_53-.Ltmp41, $2  }
0x1d2: {  	_ =	sdelay $0x2  }
0x1d3: {  	s6 =	sadd.s32 $0x1, s6;
	[tilespmem:s0+$0x0] =	vst v0  }
.LBB2_54:
0x1d4: {  	s0 =	simm.s32 $0x6;
	p1 =	seq.s32 s6, $0x0  }
0x1d5: {  	[sflag:s0] =	ssyncpa.u1 $0x1;
	v0 =	vimm.s32 @p1 $0xFFFFFFFF  }
0x1d6: {  	s0 =	sadd.s32 $0xFFFFFFFF, s6;
	[tilespmem:$0x10838] =	vst @p1 v0  }
0x1d7: {  	v0 =	vld.msk @!p1 [tilespmem:s0+$0xC818], $0x1;
	_ =	sdelay $0x1  }
0x1d8: {  	v1 =	vld.msk @!p1 [tilespmem:$0xC818], $0x1;
	_ =	sdelay $0x2  }
0x1d9: {  	p2 =	seq.s32 @!p1 s0, $0x0;
	v0 =	vbroadcast @!p1 v0, $0x0  }
0x1da: {  	vm0 =	vmmov @!p1 $0x1;
	p2 =	por !p2, p1  }
0x1db: {  	v1 =	vnsel @!p1 vm0, $0xFFFFFFFF, v1;
	vm0 =	vcmask @!p1 $0x308;
	v0 =	vpsel !p2, $0xFFFFFFFF, v0  }
0x1dc: {  	p2 =	sne.s32 @!p1 s8, s7;
	v0 =	vsel @!p1 vm0, v1, v0  }
0x1dd: {  	s2 =	simm.s32 @!p1 $0xC838;
	s3 =	simm.s32 @!p1 $0x0;
	p3 =	por !p2, p1;
	[tilespmem:$0x10838] =	vst @!p1 v0  }
0x1de: {  	[spmem:s3] =	stream.linear.scatter @!p1 [tilespmem:s2], [sflag:$0x1], $0x200, $0x38;
	[tilespmem:$0x1C938] =	vst v63  }
0x1df: {  	s2 =	sshll.u32 @!p3 s0, $0xB  }
0x1e0: {  	s2 =	sshra.s32 @!p3 s2, $0x2  }
0x1e1: {  	s3 =	simm.s32 @!p3 $0x200;
	s2 =	sadd.s32 @!p3 $0xC838, s2  }
0x1e2: {  	[spmem:s3] =	stream.linear.scatter @!p3 [tilespmem:s2], [sflag:$0x1], $0x200, $0x38;
	[tilespmem:$0x1C938] =	vst v63  }
0x1e3: {  	s2 =	simm.s32 @!p3 $0x1  }
0x1e4: {  	_ =	swait.ge @!p3 [sflag:s2], $0x400  }
0x1e5: {  	p1 =	por p2, p1;
	[sflag:s2] =	ssyncset.done @!p3 $0x0  }
0x1e6: {  	[sflag:s2] =	ssyncadd.s32 @!p3 $0xFFFFFC00;
	s2 =	simm.s32 @!p1 $0x1  }
0x1e7: {  	_ =	swait.ge @!p1 [sflag:s2], $0x200  }
0x1e8: {  	s29 =	simm.s32 $0x10838;
	[sflag:s2] =	ssyncset.done @!p1 $0x0  }
0x1e9: {  	s30 =	simm.s32 $0x4000;
	s31 =	simm.s32 $0x1;
	[sflag:s2] =	ssyncadd.s32 @!p1 $0xFFFFFE00  }
0x1ea: {  	[spmem:s30] =	stream.linear.scatter [tilespmem:s29], [sflag:$0x1], $0x10, $0x38;
	[tilespmem:$0x1C938] =	vst v63  }
0x1eb: {  	_ =	swait.ge [sflag:s31], $0x10  }
0x1ec: {  	[sflag:s31] =	ssyncset.done $0x0  }
0x1ed: {  	p1 =	seq.s32 s16, $0x0;
	s9 =	rddreg [dreg:$0x1];
	[sflag:s31] =	ssyncadd.s32 $0xFFFFFFF0  }
0x1ee: {  	s3 =	sshll.u32 @p1 s9, $0xE;
	s8 =	rddreg [dreg:$0x2]  }
0x1ef: {  	s2 =	sadd.s32 @p1 $0x15C3C, s3;
	s3 =	sshll.u32 @p1 s8, $0x11  }
0x1f0: {  	_ =	sfence.stream.spmem;
	s2 =	sor.u32 @p1 s3, s2  }
0x1f1: {  	[sflag:s2] =	ssyncadd.remote.s32 @p1 $0x1;
	s2 =	simm.s32 @p1 $0x4  }
0x1f2: {  	s4 =	simm.s32 @!p1 $0x3C;
	s3 =	sand.u32 $0xFFFFFFFE, s9;
	_ =	swait.ge @p1 [sflag:s2], $0x82  }
0x1f3: {  	s5 =	simm.s32 @!p1 $0x0;
	s3 =	sadd.s32 @!p1 $0x4, s3;
	[sflag:s2] =	ssyncset.done @p1 $0x0  }
0x1f4: {  	s7 =	simm.s32 @!p1 $0x400;
	[sflag:s2] =	ssyncadd.s32 @p1 $0xFFFFFF7E;
	s2 =	sshll.u32 @!p1 s3, $0x1A  }
0x1f5: {  	s3 =	sshll.u32 @!p1 s3, $0xD;
	s2 =	sor.u32 @!p1 s2, s8;
	_ =	swait.eq @!p1 [sflag:s4], $0x1  }
0x1f6: {  	s3 =	sor.u32 @!p1 $0x1C04, s3;
	s4 =	simm.s32 @!p1 $0x1C03;
	s2 =	sor.u32 @!p1 $0x80004000, s2  }
0x1f7: {  	[spmem:s7], [sflag:s3] =	dma.general @!p1 [spmem:s5], [sflag:s4], length:$0x80, [dreg:$0x0], stride_count:$0x0, ici_dest:s2, dma_misc:DstOpCode:WRITE  }
0x1f8: {  	p2 =	slt.s32 s0, $0x2;
	s5 =	simm.s32 @!p1 $0x800;
	s7 =	simm.s32 @!p1 $0x802  }
0x1f9: {  	[spmem:s7], [sflag:s3] =	dma.general @!p1 [spmem:s5], [sflag:s4], length:$0x2, [dreg:$0x0], stride_count:$0x0, ici_dest:s2, dma_misc:DstOpCode:WRITE  }
.Ltmp42:
0x1fa: {  	s2 =	simm.s32 @!p1 $0x3;
	(pc) =	sbr.rel @p2 .LBB2_58-.Ltmp42, $4  }
0x1fb: {  	s3 =	sshll.u32 @!p1 s9, $0xE;
	_ =	swait.ge @!p1 [sflag:s2], $0x82  }
0x1fc: {  	s4 =	sshll.u32 @!p1 s8, $0x11;
	s3 =	sadd.s32 @!p1 $0x11C3C, s3;
	[sflag:s2] =	ssyncset.done @!p1 $0x0  }
0x1fd: {  	[sflag:s2] =	ssyncadd.s32 @!p1 $0xFFFFFF7E;
	s2 =	sor.u32 @!p1 s4, s3  }
0x1fe: {  	s0 =	simm.s32 $0x0;
	[sflag:s2] =	ssyncadd.remote.s32 @!p1 $0xFFFFFFFF  }
0x1ff: {  	s0 =	simm.s32 $0xC819  }
0x200: {  	v0 =	vld.msk [tilespmem:s0+$0x0], $0x1;
	_ =	sdelay $0x4  }
0x201: {  	(v2sf) =	vpush v0, $0x0;
	_ =	sdelay $0xe  }
0x202: {  	s2 =	sadd.s32 $0xFFFFFFFE, s6;
	s3 =	spop (v2sf)  }
0x203: {  	s5 =	simm.s32 $0xCA38;
	s4 =	sadd.s32 $0xFFFFFFFF, s2;
	p1 =	sgt.u32 s3, $0x9FE70  }
0x204: {  	s0 =	simm.s32 $0x0;
	p2 =	sne.s32 s4, $0x0;
	s2 =	sand.u32 @!p1 $0xFFFF8, s3  }
0x205: {  	s6 =	sadd.s32 @!p1 $0x80, s3;
	s7 =	sadd.s32 @!p1 $0x100, s3;
	s8 =	sadd.s32 @!p1 s1, s2  }
0x206: {  	s2 =	sand.u32 @!p1 $0x7, s3;
	s6 =	sand.u32 @!p1 $0x1FFFF8, s6;
	s7 =	sand.u32 @!p1 $0x1FFFF8, s7  }
0x207: {  	[hbm4b:s8+s2] =	stream.linear.scatter @!p1 [tilespmem:s5], [sflag:$0x5], $0x80, $0x38;
	[tilespmem:$0x1C938] =	vst v63  }
0x208: {  	s5 =	simm.s32 @!p1 $0xCAB8;
	s6 =	sadd.s32 @!p1 s1, s6;
	s7 =	sadd.s32 @!p1 s1, s7  }
.Ltmp43:
0x209: {  	s8 =	sadd.s32 @!p1 $0x180, s3;
	s3 =	simm.s32 $0x0;
	(pc) =	sbr.rel @!p2 .LBB2_57-.Ltmp43, $4  }
0x20a: {  	[hbm4b:s6+s2] =	stream.linear.scatter @!p1 [tilespmem:s5], [sflag:$0x5], $0x80, $0x38;
	[tilespmem:$0x1C938] =	vst v63  }
0x20b: {  	s3 =	simm.s32 @!p1 $0x800;
	s8 =	sand.u32 @!p1 $0x1FFFF8, s8;
	s6 =	simm.s32 @!p1 $0xCB38  }
0x20c: {  	[hbm4b:s7+s2] =	stream.linear.scatter @!p1 [tilespmem:s6], [sflag:$0x5], $0x80, $0x38;
	[tilespmem:$0x1C938] =	vst v63  }
0x20d: {  	s5 =	simm.s32 $0xC81A;
	s6 =	simm.s32 $0xCC38;
	s7 =	simm.s32 @!p1 $0xCBB8  }
.LBB2_56:
0x20e: {  	s4 =	sadd.s32 $0xFFFFFFFF, s4;
	s8 =	sadd.s32 @!p1 s1, s8;
	s0 =	sadd.s32 s0, s3  }
0x20f: {  	[hbm4b:s8+s2] =	stream.linear.scatter @!p1 [tilespmem:s7], [sflag:$0x5], $0x80, $0x38;
	[tilespmem:$0x1C938] =	vst v63  }
0x210: {  	p2 =	sne.s32 s4, $0x0;
	s7 =	smov.u32 s6;
	v0 =	vld.msk [tilespmem:s5+$0x0], $0x1;
	_ =	sdelay $0x4  }
0x211: {  	(v2sf) =	vpush v0, $0x0;
	_ =	sdelay $0xe  }
0x212: {  	s3 =	spop (v2sf)  }
0x213: {  	s6 =	sadd.s32 $0x200, s6;
	s5 =	sadd.s32 $0x1, s5;
	p1 =	sgt.u32 s3, $0x9FE70  }
0x214: {  	s2 =	sand.u32 @!p1 $0xFFFF8, s3;
	s8 =	sadd.s32 @!p1 $0x80, s3;
	s9 =	sadd.s32 @!p1 $0x100, s3  }
0x215: {  	s10 =	sadd.s32 @!p1 s1, s2;
	s2 =	sand.u32 @!p1 $0x7, s3;
	s8 =	sand.u32 @!p1 $0x1FFFF8, s8  }
0x216: {  	[hbm4b:s10+s2] =	stream.linear.scatter @!p1 [tilespmem:s7], [sflag:$0x5], $0x80, $0x38;
	[tilespmem:$0x1C938] =	vst v63  }
0x217: {  	s9 =	sand.u32 @!p1 $0x1FFFF8, s9;
	s10 =	sadd.s32 @!p1 $0x80, s7  }
.Ltmp44:
0x218: {  	s8 =	sadd.s32 @!p1 s1, s8;
	s9 =	sadd.s32 @!p1 s1, s9;
	(pc) =	sbr.rel @p2 .LBB2_56-.Ltmp44, $4  }
0x219: {  	[hbm4b:s8+s2] =	stream.linear.scatter @!p1 [tilespmem:s10], [sflag:$0x5], $0x80, $0x38;
	[tilespmem:$0x1C938] =	vst v63  }
0x21a: {  	s8 =	sadd.s32 @!p1 $0x100, s7;
	s10 =	sadd.s32 @!p1 $0x180, s3;
	s3 =	simm.s32 $0x0  }
0x21b: {  	[hbm4b:s9+s2] =	stream.linear.scatter @!p1 [tilespmem:s8], [sflag:$0x5], $0x80, $0x38;
	[tilespmem:$0x1C938] =	vst v63  }
0x21c: {  	s7 =	sadd.s32 @!p1 $0x180, s7;
	s3 =	simm.s32 @!p1 $0x800;
	s8 =	sand.u32 @!p1 $0x1FFFF8, s10  }
.LBB2_57:
0x21d: {  	s4 =	sadd.s32 @!p1 s1, s8;
	s0 =	sadd.s32 s0, s3  }
0x21e: {  	[hbm4b:s4+s2] =	stream.linear.scatter @!p1 [tilespmem:s7], [sflag:$0x5], $0x80, $0x38;
	[tilespmem:$0x1C938] =	vst v63  }
0x21f: {  	s0 =	sshrl.u32 s0, $0x2  }
.LBB2_58:
0x220: {  	s2 =	simm.s32 $0x5  }
0x221: {  	_ =	swait.ge [sflag:s2], s0  }
0x222: {  	s31 =	ssub.s32 $0x0, s0;
	[sflag:s2] =	ssyncset.done $0x0  }
0x223: {  	[sflag:s2] =	ssyncadd.s32 s31  }
0x224: {  	[sflag:s2] =	ssyncpa.u1 $0x1  }
.LBB2_59:
0x225: {  	s0 =	sor.u32 s16, s17  }
0x226: {  	p1 =	sne.s32 s0, $0x0  }
.Ltmp45:
0x227: {  	_ = 	snop;
	(pc) =	sbr.rel @p1 .LBB2_82-.Ltmp45, $3  }
0x228: {  	_ =	sdelay $0x1  }
0x229: {  	[bflag:$0x0] =	sbarrier.arrive $0xFFFF  }
0x22a: {  	_ =	sfence  }
0x22b: {  	s0 =	simm.s32 $0x7  }
0x22c: {  	s2 =	simm.s32 $0x4000;
	s3 =	simm.s32 $0xC818;
	[sflag:s0] =	ssyncpa.u1 $0x0  }
0x22d: {  	[tilespmem:s3], [sflag:$0x7] =	stream.linear.gather [spmem:s2], $0x20, $0x38;
	[tilespmem:$0x1C938] =	vst v63  }
0x22e: {  	s2 =	simm.s32 $0x0;
	s3 =	simm.s32 $0xC838  }
0x22f: {  	[tilespmem:s3], [sflag:$0x7] =	stream.linear.gather [spmem:s2], $0x4000, $0x38;
	[tilespmem:$0x1C938] =	vst v63  }
.Ltmp46:
0x230: {  	_ = 	snop;
	(pc) =	sbr.rel .LBB2_61-.Ltmp46, $4  }
0x231: {  	_ =	swait.ge [sflag:s0], $0x4020  }
0x232: {  	s4 =	simm.s32 $0x8;
	[sflag:s0] =	ssyncset.done $0x0  }
0x233: {  	s5 =	simm.s32 $0xC688;
	s6 =	simm.s32 $0xC708;
	[sflag:s0] =	ssyncadd.s32 $0xFFFFBFE0  }
0x234: {  	s7 =	simm.s32 $0xC788;
	s8 =	simm.s32 $0x0;
	[sflag:s4] =	ssyncpa.u1 $0x0  }
.LBB2_76:
0x235: {  	s8 =	sadd.s32 $0x1, s8  }
0x236: {  	p1 =	sne.s32 s8, $0x20  }
.Ltmp47:
0x237: {  	_ = 	snop;
	(pc) =	sbr.rel @!p1 .LBB2_77-.Ltmp47, $2  }
0x238: {  	_ =	sdelay $0x2  }
0x239: {  	s3 =	sadd.s32 $0x200, s3  }
.LBB2_61:
0x23a: {  	v0 =	vld.msk [tilespmem:s8+$0xC818], $0x1;
	_ =	sdelay $0x4  }
0x23b: {  	(v2sf) =	vpush v0, $0x0;
	_ =	sdelay $0xe  }
0x23c: {  	s0 =	spop (v2sf)  }
0x23d: {  	p1 =	seq.s32 s0, $0xFFFFFFFF  }
.Ltmp48:
0x23e: {  	_ = 	snop;
	(pc) =	sbr.rel @p1 .LBB2_76-.Ltmp48, $1  }
0x23f: {  	_ =	sdelay $0x3  }
0x240: {  	p1 =	slt.s32 s2, $0x1  }
.Ltmp49:
0x241: {  	_ = 	snop;
	(pc) =	sbr.rel @p1 .LBB2_69-.Ltmp49, $1  }
0x242: {  	_ =	sdelay $0x3  }
0x243: {  	s9 =	simm.s32 $0xC818;
	p1 =	por $0x0, $0x0  }
0x244: {  	v1 =	vld.msk @!p1 [tilespmem:s9+$0x0], $0x1;
	_ =	sdelay $0x4  }
0x245: {  	(v2sf) =	vpush @!p1 v1, $0x0;
	_ =	sdelay $0xd  }
0x246: {  	p3 =	sne.s32 s2, $0x1  }
.Ltmp50:
0x247: {  	s10 =	spop @!p1 (v2sf);
	(pc) =	sbr.rel @!p3 .LBB2_65-.Ltmp50, $4  }
0x248: {  	p2 =	seq.s32 @!p1 s0, s10  }
0x249: {  	s10 =	simm.s32 $0x0;
	p2 =	por !p2, p1  }
0x24a: {  	s12 =	simm.s32 $0xFFFFFFFF;
	s10 =	simm.s32 @p2 $0xFFFFFFFF  }
0x24b: {  	s11 =	simm.s32 $0x1;
	s10 =	smov.u32 @p1 s12  }
.LBB2_64:
0x24c: {  	s12 =	smov.u32 s10;
	p1 =	sne.s32 s10, $0xFFFFFFFF  }
0x24d: {  	s9 =	sadd.s32 $0x1, s9;
	s10 =	smov.u32 s11;
	s11 =	sadd.s32 $0x1, s11  }
0x24e: {  	p2 =	sne.s32 s2, s11;
	v1 =	vld.msk @!p1 [tilespmem:s9+$0x0], $0x1;
	_ =	sdelay $0x4  }
0x24f: {  	(v2sf) =	vpush @!p1 v1, $0x0;
	_ =	sdelay $0xe  }
.Ltmp51:
0x250: {  	s13 =	spop @!p1 (v2sf);
	(pc) =	sbr.rel @p2 .LBB2_64-.Ltmp51, $4  }
0x251: {  	p3 =	seq.s32 @!p1 s0, s13  }
0x252: {  	p3 =	por !p3, p1  }
0x253: {  	s10 =	simm.s32 @p3 $0xFFFFFFFF  }
0x254: {  	s10 =	smov.u32 @p1 s12  }
.LBB2_65:
0x255: {  	p1 =	seq.s32 s10, $0xFFFFFFFF  }
.Ltmp52:
0x256: {  	_ = 	snop;
	(pc) =	sbr.rel @p1 .LBB2_69-.Ltmp52, $1  }
0x257: {  	_ =	sdelay $0x3  }
0x258: {  	s0 =	sshll.u32 s10, $0xB  }
0x259: {  	s0 =	sshra.s32 s0, $0x2  }
0x25a: {  	s9 =	simm.s32 $0x0;
	v0 =	vld [tilespmem:s3+$0x0];
	s10 =	smov.u32 s3;
	s0 =	sadd.s32 $0xC838, s0  }
.LBB2_67:
0x25b: {  	s9 =	sadd.s32 $0x10, s9  }
0x25c: {  	p1 =	slt.u32 s9, $0x1F0  }
.Ltmp53:
0x25d: {  	_ = 	snop;
	(pc) =	sbr.rel @p1 .LBB2_67-.Ltmp53, $3  }
0x25e: {  	_ =	sdelay $0x1  }
0x25f: {  	s10 =	sadd.s32 $0x10, s10;
	[tilespmem:s0+$0x0] =	vst.add.f32.msk $0xffff, v0;
	s0 =	sadd.s32 $0x10, s0  }
0x260: {  	v0 =	vld [tilespmem:s10+$0x0]  }
.Ltmp54:
0x261: {  	_ = 	snop;
	(pc) =	sbr.rel .LBB2_76-.Ltmp54, $2  }
0x262: {  	_ =	sdelay $0x2  }
0x263: {  	[tilespmem:s0+$0x0] =	vst.add.f32.msk $0xffff, v0  }
.LBB2_69:
0x264: {  	p1 =	sgt.u32 s0, $0x9FE70  }
.Ltmp55:
0x265: {  	_ = 	snop;
	(pc) =	sbr.rel @p1 .LBB2_73-.Ltmp55, $1  }
0x266: {  	_ =	sdelay $0x3  }
0x267: {  	s9 =	sand.u32 $0xFFFF8, s0;
	s11 =	sand.u32 $0x7, s0  }
0x268: {  	s29 =	sadd.s32 $0x80, s0;
	s10 =	sadd.s32 s1, s9;
	s9 =	simm.s32 $0xC608  }
0x269: {  	[tilespmem:s9], [sflag:$0x8] =	stream.linear.gather [hbm4b:s10+s11], $0x80, $0x38;
	[tilespmem:$0x1C938] =	vst v63  }
0x26a: {  	s10 =	sand.u32 $0x1FFFF8, s29  }
0x26b: {  	s30 =	sadd.s32 $0x100, s0;
	s10 =	sadd.s32 s1, s10  }
0x26c: {  	[tilespmem:s5], [sflag:$0x8] =	stream.linear.gather [hbm4b:s10+s11], $0x80, $0x38;
	[tilespmem:$0x1C938] =	vst v63  }
0x26d: {  	s31 =	sadd.s32 $0x180, s0;
	s10 =	sand.u32 $0x1FFFF8, s30  }
0x26e: {  	s0 =	sand.u32 $0x1FFFF8, s31;
	s10 =	sadd.s32 s1, s10  }
0x26f: {  	[tilespmem:s6], [sflag:$0x8] =	stream.linear.gather [hbm4b:s10+s11], $0x80, $0x38;
	[tilespmem:$0x1C938] =	vst v63  }
0x270: {  	s0 =	sadd.s32 s1, s0  }
0x271: {  	[tilespmem:s7], [sflag:$0x8] =	stream.linear.gather [hbm4b:s0+s11], $0x80, $0x38;
	[tilespmem:$0x1C938] =	vst v63  }
0x272: {  	_ =	swait.ge [sflag:s4], $0x200  }
0x273: {  	[sflag:s4] =	ssyncset.done $0x0  }
0x274: {  	[sflag:s4] =	ssyncadd.s32 $0xFFFFFE00  }
0x275: {  	s10 =	smov.u32 s3;
	s0 =	simm.s32 $0x0;
	v1 =	vld [tilespmem:s9+$0x0]  }
.LBB2_71:
0x276: {  	s0 =	sadd.s32 $0x10, s0  }
0x277: {  	p1 =	slt.u32 s0, $0x1F0  }
.Ltmp56:
0x278: {  	_ = 	snop;
	(pc) =	sbr.rel @p1 .LBB2_71-.Ltmp56, $3  }
0x279: {  	_ =	sdelay $0x1  }
0x27a: {  	s9 =	sadd.s32 $0x10, s9;
	[tilespmem:s10+$0x0] =	vst.add.f32.msk $0xffff, v1;
	s10 =	sadd.s32 $0x10, s10  }
0x27b: {  	v1 =	vld [tilespmem:s9+$0x0]  }
0x27c: {  	_ =	sdelay $0x3  }
0x27d: {  	[tilespmem:s10+$0x0] =	vst.add.f32.msk $0xffff, v1  }
.LBB2_73:
0x27e: {  	s0 =	sshll.u32 s2, $0xB  }
0x27f: {  	[tilespmem:s2+$0xC818] =	vst.msk $0x1, v0;
	s0 =	sshra.s32 s0, $0x2  }
0x280: {  	s9 =	simm.s32 $0x0;
	s10 =	smov.u32 s3;
	v0 =	vld [tilespmem:s3+$0x0];
	s0 =	sadd.s32 $0xC838, s0  }
.LBB2_74:
0x281: {  	s9 =	sadd.s32 $0x10, s9  }
0x282: {  	p1 =	slt.u32 s9, $0x1F0  }
.Ltmp57:
0x283: {  	_ = 	snop;
	(pc) =	sbr.rel @p1 .LBB2_74-.Ltmp57, $3  }
0x284: {  	_ =	sdelay $0x1  }
0x285: {  	s10 =	sadd.s32 $0x10, s10;
	[tilespmem:s0+$0x0] =	vst v0;
	s0 =	sadd.s32 $0x10, s0  }
0x286: {  	v0 =	vld [tilespmem:s10+$0x0]  }
.Ltmp58:
0x287: {  	_ = 	snop;
	(pc) =	sbr.rel .LBB2_76-.Ltmp58, $2  }
0x288: {  	_ =	sdelay $0x2  }
0x289: {  	s2 =	sadd.s32 $0x1, s2;
	[tilespmem:s0+$0x0] =	vst v0  }
.LBB2_77:
0x28a: {  	p1 =	slt.s32 s2, $0x1  }
.Ltmp59:
0x28b: {  	_ = 	snop;
	(pc) =	sbr.rel @p1 .LBB2_81-.Ltmp59, $3  }
0x28c: {  	_ =	sdelay $0x1  }
0x28d: {  	s0 =	simm.s32 $0x8  }
0x28e: {  	[sflag:s0] =	ssyncpa.u1 $0x1;
	s0 =	simm.s32 $0x0  }
0x28f: {  	s3 =	simm.s32 $0xC818  }
0x290: {  	v0 =	vld.msk [tilespmem:s3+$0x0], $0x1;
	_ =	sdelay $0x4  }
0x291: {  	(v2sf) =	vpush v0, $0x0;
	_ =	sdelay $0xe  }
0x292: {  	s7 =	spop (v2sf)  }
0x293: {  	s2 =	sadd.s32 $0xFFFFFFFF, s2;
	p1 =	sgt.u32 s7, $0x9FE70  }
0x294: {  	s3 =	simm.s32 $0xC838;
	s4 =	sand.u32 @!p1 $0xFFFF8, s7;
	s8 =	sadd.s32 @!p1 $0x80, s7  }
0x295: {  	s5 =	sand.u32 @!p1 $0x7, s7;
	s4 =	sadd.s32 @!p1 s1, s4;
	s8 =	sand.u32 @!p1 $0x1FFFF8, s8  }
0x296: {  	[hbm4b:s4+s5] =	stream.linear.scatter @!p1 [tilespmem:s3], [sflag:$0x7], $0x80, $0x38;
	[tilespmem:$0x1C938] =	vst v63  }
0x297: {  	p2 =	sne.s32 s2, $0x0;
	s3 =	simm.s32 @!p1 $0xC8B8;
	s4 =	sadd.s32 @!p1 s1, s8  }
0x298: {  	[hbm4b:s4+s5] =	stream.linear.scatter @!p1 [tilespmem:s3], [sflag:$0x7], $0x80, $0x38;
	[tilespmem:$0x1C938] =	vst v63  }
.Ltmp60:
0x299: {  	s6 =	simm.s32 $0x0;
	s9 =	sadd.s32 @!p1 $0x100, s7;
	(pc) =	sbr.rel @!p2 .LBB2_80-.Ltmp60, $4  }
0x29a: {  	s6 =	simm.s32 @!p1 $0x800;
	s8 =	sand.u32 @!p1 $0x1FFFF8, s9;
	s3 =	simm.s32 @!p1 $0xC938  }
0x29b: {  	s4 =	sadd.s32 @!p1 s1, s8;
	s8 =	sadd.s32 @!p1 $0x180, s7;
	s7 =	simm.s32 @!p1 $0xC9B8  }
0x29c: {  	[hbm4b:s4+s5] =	stream.linear.scatter @!p1 [tilespmem:s3], [sflag:$0x7], $0x80, $0x38;
	[tilespmem:$0x1C938] =	vst v63  }
0x29d: {  	s8 =	sand.u32 @!p1 $0x1FFFF8, s8;
	s3 =	simm.s32 $0xC819;
	s4 =	simm.s32 $0xCA38  }
.LBB2_79:
0x29e: {  	s2 =	sadd.s32 $0xFFFFFFFF, s2;
	s8 =	sadd.s32 @!p1 s1, s8;
	s0 =	sadd.s32 s0, s6  }
0x29f: {  	[hbm4b:s8+s5] =	stream.linear.scatter @!p1 [tilespmem:s7], [sflag:$0x7], $0x80, $0x38;
	[tilespmem:$0x1C938] =	vst v63  }
0x2a0: {  	p2 =	sne.s32 s2, $0x0;
	s7 =	smov.u32 s4;
	v0 =	vld.msk [tilespmem:s3+$0x0], $0x1;
	_ =	sdelay $0x4  }
0x2a1: {  	(v2sf) =	vpush v0, $0x0;
	_ =	sdelay $0xe  }
0x2a2: {  	s6 =	spop (v2sf)  }
0x2a3: {  	s4 =	sadd.s32 $0x200, s4;
	s3 =	sadd.s32 $0x1, s3;
	p1 =	sgt.u32 s6, $0x9FE70  }
0x2a4: {  	s5 =	sand.u32 @!p1 $0xFFFF8, s6;
	s8 =	sadd.s32 @!p1 $0x80, s6;
	s9 =	sadd.s32 @!p1 $0x100, s6  }
0x2a5: {  	s10 =	sadd.s32 @!p1 s1, s5;
	s5 =	sand.u32 @!p1 $0x7, s6;
	s8 =	sand.u32 @!p1 $0x1FFFF8, s8  }
0x2a6: {  	[hbm4b:s10+s5] =	stream.linear.scatter @!p1 [tilespmem:s7], [sflag:$0x7], $0x80, $0x38;
	[tilespmem:$0x1C938] =	vst v63  }
0x2a7: {  	s9 =	sand.u32 @!p1 $0x1FFFF8, s9;
	s10 =	sadd.s32 @!p1 $0x80, s7  }
.Ltmp61:
0x2a8: {  	s8 =	sadd.s32 @!p1 s1, s8;
	s9 =	sadd.s32 @!p1 s1, s9;
	(pc) =	sbr.rel @p2 .LBB2_79-.Ltmp61, $4  }
0x2a9: {  	[hbm4b:s8+s5] =	stream.linear.scatter @!p1 [tilespmem:s10], [sflag:$0x7], $0x80, $0x38;
	[tilespmem:$0x1C938] =	vst v63  }
0x2aa: {  	s8 =	sadd.s32 @!p1 $0x100, s7;
	s10 =	sadd.s32 @!p1 $0x180, s6;
	s6 =	simm.s32 $0x0  }
0x2ab: {  	[hbm4b:s9+s5] =	stream.linear.scatter @!p1 [tilespmem:s8], [sflag:$0x7], $0x80, $0x38;
	[tilespmem:$0x1C938] =	vst v63  }
0x2ac: {  	s7 =	sadd.s32 @!p1 $0x180, s7;
	s6 =	simm.s32 @!p1 $0x800;
	s8 =	sand.u32 @!p1 $0x1FFFF8, s10  }
.LBB2_80:
0x2ad: {  	s1 =	sadd.s32 @!p1 s1, s8;
	s0 =	sadd.s32 s0, s6  }
0x2ae: {  	[hbm4b:s1+s5] =	stream.linear.scatter @!p1 [tilespmem:s7], [sflag:$0x7], $0x80, $0x38;
	[tilespmem:$0x1C938] =	vst v63  }
0x2af: {  	s0 =	sshrl.u32 s0, $0x2  }
.LBB2_81:
0x2b0: {  	s1 =	simm.s32 $0x7  }
0x2b1: {  	_ =	swait.ge [sflag:s1], s0  }
0x2b2: {  	s31 =	ssub.s32 $0x0, s0;
	[sflag:s1] =	ssyncset.done $0x0  }
0x2b3: {  	[sflag:s1] =	ssyncadd.s32 s31  }
0x2b4: {  	[sflag:s1] =	ssyncpa.u1 $0x1  }
.LBB2_82:
0x2b5: {  	_ =	sfence;
	s0 =	simm.s32 $0x1  }
0x2b6: {  	[sflag:s0] =	ssyncpa.u1 $0x1  }
0x2b7: {  	_ =	strace $0x9000004D  }
0x2b8: {  	[bflag:$0x2] =	sbarrier.arrive $0xFFFF  }
0x2b9: {  	s0 =	rddreg [dreg:$0x3]  }
0x2ba: {  	s0 =	sadd.s32 @!p0 $0x100000, s0  }
0x2bb: {  	[sflag:s0] =	ssyncadd.tile.s32 @!p0 $0x1;
	_ =	shalt  }
.Lfunc_end2:
_tile_overlayer_lowered:
.L_overlay_start_2:
0x2bc: {  	(tag) =	ssettag $0x2  }
0x2bd: {  	s0 =	rddreg [dreg:$0x0];
	s2 =	stileid.u32  }
0x2be: {  	s1 =	rddreg [dreg:$0x1];
	p0 =	sne.s32 s2, $0x0  }
0x2bf: {  	s3 =	rddreg [dreg:$0x2];
	[bflag:$0x3] =	sbarrier.arrive $0xFFFF;
	s2 =	simm.s32 @!p0 $0x1C01  }
0x2c0: {  	[timem:s3], [sflag:s2] =	dma.local @!p0 [hbm:s0], s1  }
0x2c1: {  	s0 =	simm.s32 @!p0 $0x1  }
0x2c2: {  	_ =	swait.ge @!p0 [sflag:s0], s1  }
0x2c3: {  	s1 =	ssub.s32 @!p0 $0x0, s1;
	[sflag:s0] =	ssyncset.done @!p0 $0x0  }
0x2c4: {  	[sflag:s0] =	ssyncadd.s32 @!p0 s1  }
0x2c5: {  	[bflag:$0x3] =	sbarrier.arrive $0xFFFF  }
0x2c6: {  	_ =	shalt  }

// kernel: scatter_offload_async_start
scs
__scs_entry_jumppad:
0x0: {  	(pc) =	sbr.rel $0x88, $3  }
0x1: {  	(tag) =	ssettag $0x0;
	lr =	simm.s32 $0x1  }
0x2: {  	[smem:$0x3F99] =	sst lr;
	_ =	strace $0xD0000000  }
0x3: {  	_ = 	snop  }
0x4: {  	_ = 	snop  }
0x5: {  	_ = 	snop  }
0x6: {  	_ = 	snop  }
0x7: {  	_ = 	snop  }
__scs_overlays_trampoline_lowered:
0x8: {  	[smem:$0x3FA8] =	sst s0  }
0x9: {  	[smem:$0x3FA9] =	sst s1  }
0xa: {  	[smem:$0x3FAA] =	sst s2  }
0xb: {  	[smem:$0x3FAB] =	sst s3  }
0xc: {  	[smem:$0x3FAC] =	sst s4  }
0xd: {  	[smem:$0x3FAD] =	sst s5  }
0xe: {  	[smem:$0x3FAE] =	sst s6  }
0xf: {  	[smem:$0x3FAF] =	sst s7  }
0x10: {  	[smem:$0x3FB0] =	sst s8  }
0x11: {  	[smem:$0x3FB1] =	sst s9;
	s0 =	simm.s32 @!p0 $0x0  }
0x12: {  	s1 =	sld [smem:$0x3F97];
	s0 =	simm.s32 @p0 $0x1  }
0x13: {  	[smem:$0x3FB2] =	sst s0;
	s0 =	simm.s32 @!p1 $0x0  }
0x14: {  	s2 =	sld [smem:$0x3F96];
	s0 =	simm.s32 @p1 $0x1  }
0x15: {  	[smem:$0x3FB3] =	sst s0;
	s0 =	simm.s32 @!p2 $0x0  }
0x16: {  	s3 =	sld [smem:$0x3FDB];
	s0 =	simm.s32 @p2 $0x1  }
0x17: {  	s4 =	simm.s32 $0x1BF5;
	[smem:$0x3FB5] =	sst s0  }
0x18: {  	s0 =	sld [smem:$0x3F98];
	_ =	swait.ge [sflag:s4], $0x0  }
0x19: {  	s7 =	sld [smem:$0x3F99]  }
0x1a: {  	s8 =	sadd.s32 $0xFFFFE003, lr  }
0x1b: {  	s9 =	sadd.s32 $0xFFFFFEF7, lr;
	s5 =	simm.s32 $0xFFFFFFFF;
	p2 =	slt.u32 s8, $0xFFFFF086  }
0x1c: {  	p1 =	slt.u32 s9, $0xF7A;
	s5 =	simm.s32 @!p2 $0x0  }
0x1d: {  	s5 =	simm.s32 @p1 $0x1;
	p0 =	seq.s32 s7, s2  }
0x1e: {  	s7 =	smul.u32 @!p0 $0xF7A, s2;
	p2 =	seq.s32 @!p0 s5, $0x0  }
0x1f: {  	s9 =	smul.u32 $0xF7A, s1;
	s8 =	simm.s32 @!p0 $0x1BF5;
	p2 =	por !p2, p0  }
0x20: {  	[sflag:s8] =	ssyncset.s32 @!p0 $0xFFFFF086;
	s6 =	sadd.s32 @!p0 s3, s7;
	s7 =	simm.s32 @!p0 $0x108  }
0x21: {  	s3 =	sadd.s32 s3, s9;
	s6 =	sadd.s32 @!p0 $0x88, s6;
	s7 =	simm.s32 @p2 $0x1082  }
0x22: {  	[simem:s7], [sflag:s8] =	dma.local @!p0 [hbm:s6], $0xF7A  }
0x23: {  	s9 =	sor.u32 $0xD0000000, s2;
	s6 =	simm.s32 $0x108;
	_ =	swait.ge @!p0 [sflag:s8], $0x0  }
0x24: {  	s3 =	sadd.s32 $0x88, s3;
	s6 =	simm.s32 @!p1 $0x1082;
	[sflag:s4] =	ssyncset.s32 $0xFFFFF086  }
0x25: {  	[simem:s6], [sflag:s4] =	dma.local [hbm:s3], $0xF7A  }
0x26: {  	[smem:$0x3F99] =	sst s1;
	(tag) =	ssettag s2;
	_ =	strace s9  }
0x27: {  	s1 =	sld [smem:$0x3FA9]  }
0x28: {  	s2 =	sld [smem:$0x3FAA]  }
0x29: {  	s4 =	sld [smem:$0x3FAC]  }
0x2a: {  	p0 =	seq.s32 s5, $0x0;
	s5 =	sld [smem:$0x3FAD]  }
0x2b: {  	s6 =	sld [smem:$0x3FAE]  }
0x2c: {  	s7 =	sld [smem:$0x3FAF]  }
0x2d: {  	s3 =	simm.s32 $0x108;
	s8 =	sld [smem:$0x3FB0]  }
0x2e: {  	s3 =	simm.s32 @!p0 $0x1082;
	s9 =	sld [smem:$0x3FB1]  }
0x2f: {  	lr =	sadd.s32 s0, s3;
	s0 =	sld [smem:$0x3FA8]  }
0x30: {  	s3 =	sld [smem:$0x3FAB]  }
0x31: {  	[smem:$0x3FB4] =	sst s10  }
0x32: {  	s10 =	sld [smem:$0x3FB2];
	_ =	sdelay $0x3  }
0x33: {  	p0 =	seq.s32 s10, $0x1;
	s10 =	sld [smem:$0x3FB4];
	_ =	sdelay $0x3  }
0x34: {  	[smem:$0x3FB4] =	sst s10  }
0x35: {  	s10 =	sld [smem:$0x3FB3];
	_ =	sdelay $0x3  }
0x36: {  	p1 =	seq.s32 s10, $0x1;
	s10 =	sld [smem:$0x3FB4];
	_ =	sdelay $0x3  }
0x37: {  	[smem:$0x3FB4] =	sst s10  }
0x38: {  	s10 =	sld [smem:$0x3FB5]  }
0x39: {  	_ = 	snop;
	(pc) =	sbr.ind lr, $3  }
0x3a: {  	_ = 	snop  }
0x3b: {  	_ = 	snop  }
0x3c: {  	p2 =	seq.s32 s10, $0x1;
	s10 =	sld [smem:$0x3FB4]  }
0x3d: {  	_ =	shalt  }
0x3e: {  	_ =	shalt  }
0x3f: {  	_ =	shalt  }
0x40: {  	_ =	shalt  }
0x41: {  	_ =	shalt  }
0x42: {  	_ =	shalt  }
0x43: {  	_ =	shalt  }
0x44: {  	_ =	shalt  }
0x45: {  	_ =	shalt  }
0x46: {  	_ =	shalt  }
0x47: {  	_ =	shalt  }
0x48: {  	_ =	shalt  }
0x49: {  	_ =	shalt  }
0x4a: {  	_ =	shalt  }
0x4b: {  	_ =	shalt  }
0x4c: {  	_ =	shalt  }
0x4d: {  	_ =	shalt  }
0x4e: {  	_ =	shalt  }
0x4f: {  	_ =	shalt  }
0x50: {  	_ =	shalt  }
0x51: {  	_ =	shalt  }
0x52: {  	_ =	shalt  }
0x53: {  	_ =	shalt  }
0x54: {  	_ =	shalt  }
0x55: {  	_ =	shalt  }
0x56: {  	_ =	shalt  }
0x57: {  	_ =	shalt  }
0x58: {  	_ =	shalt  }
0x59: {  	_ =	shalt  }
0x5a: {  	_ =	shalt  }
0x5b: {  	_ =	shalt  }
0x5c: {  	_ =	shalt  }
0x5d: {  	_ =	shalt  }
0x5e: {  	_ =	shalt  }
0x5f: {  	_ =	shalt  }
0x60: {  	_ =	shalt  }
0x61: {  	_ =	shalt  }
0x62: {  	_ =	shalt  }
0x63: {  	_ =	shalt  }
0x64: {  	_ =	shalt  }
0x65: {  	_ =	shalt  }
0x66: {  	_ =	shalt  }
0x67: {  	_ =	shalt  }
0x68: {  	_ =	shalt  }
0x69: {  	_ =	shalt  }
0x6a: {  	_ =	shalt  }
0x6b: {  	_ =	shalt  }
0x6c: {  	_ =	shalt  }
0x6d: {  	_ =	shalt  }
0x6e: {  	_ =	shalt  }
0x6f: {  	_ =	shalt  }
0x70: {  	_ =	shalt  }
0x71: {  	_ =	shalt  }
0x72: {  	_ =	shalt  }
0x73: {  	_ =	shalt  }
0x74: {  	_ =	shalt  }
0x75: {  	_ =	shalt  }
0x76: {  	_ =	shalt  }
0x77: {  	_ =	shalt  }
0x78: {  	_ =	shalt  }
0x79: {  	_ =	shalt  }
0x7a: {  	_ =	shalt  }
0x7b: {  	_ =	shalt  }
0x7c: {  	_ =	shalt  }
0x7d: {  	_ =	shalt  }
0x7e: {  	_ =	shalt  }
0x7f: {  	_ =	shalt  }
0x80: {  	_ =	shalt  }
0x81: {  	_ =	shalt  }
0x82: {  	_ =	shalt  }
0x83: {  	_ =	shalt  }
0x84: {  	_ =	shalt  }
0x85: {  	_ =	shalt  }
0x86: {  	_ =	shalt  }
0x87: {  	_ =	shalt  }
.Lfunc_end0:
.L_simem_size_0:
called_computation_lowered:
.L_overlay_start_0:
0x88: {  	s2 =	sld [smem:$0x3FD9]  }
0x89: {  	s3 =	sld [smem:$0x3FFE];
	_ =	sdelay $0x1  }
0x8a: {  	s1 =	srdreg.scid  }
0x8b: {  	s0 =	sand.u32 $0x1, s1  }
0x8c: {  	s15 =	sshll.u32 s0, $0xA;
	s2 =	sadd.s32 s3, s2  }
0x8d: {  	s2 =	sadd.s32 s2, s15  }
0x8e: {  	[smem:$0x3FC0] =	sst s2  }
0x8f: {  	_ = 	snop  }
0x90: {  	(tm) =	ssettm $0x1  }
0x91: {  	s16 =	sld [smem:$0x3FFB];
	_ =	sdelay $0x3  }
0x92: {  	_ =	strace s16  }
0x93: {  	s2 =	sld [smem:$0x3FFC];
	_ =	sdelay $0x3  }
0x94: {  	_ =	strace s2  }
0x95: {  	s2 =	sld [smem:$0x3FFD];
	_ =	sdelay $0x3  }
0x96: {  	_ =	strace s2  }
0x97: {  	_ =	strace $0x8FFFFFFF  }
0x98: {  	s17 =	sld [smem:$0x3FDB];
	_ =	sdelay $0x1  }
0x99: {  	s18 =	simm.s32 $_scs_section_size  }
0x9a: {  	s4 =	simm.s32 $_size__tile_overlayer_lowered;
	s5 =	simm.s32 $_tile_overlayer_lowered  }
0x9b: {  	s6 =	simm.s32 $0x1BFF;
	s19 =	sshll.u32 s5, $0x1;
	s3 =	sadd.s32 s18, s17  }
0x9c: {  	s20 =	simm.s32 $0x0;
	s4 =	sshll.u32 s4, $0x1;
	s5 =	sadd.s32 s19, s3  }
0x9d: {  	[timem:s20], [sflag:s6] =	dma.local [hbm:s5], s4  }
0x9e: {  	_ =	swait.ge [sflag:s6], s4  }
0x9f: {  	s4 =	ssub.s32 $0x0, s4;
	[sflag:s6] =	ssyncset.done $0x0  }
0xa0: {  	[sflag:s6] =	ssyncadd.s32 s4;
	_ =	sdelay $0x1  }
0xa1: {  	s21 =	simm.s32 $0x1B8B  }
0xa2: {  	_ =	swait.ge [sflag:s21], $0x1  }
0xa3: {  	[sflag:s21] =	ssyncset.done $0x0  }
0xa4: {  	s22 =	sld [smem:$0x3FFE];
	[sflag:s21] =	ssyncadd.s32 $0xFFFFFFFF  }
0xa5: {  	s24 =	simm.s32 $0x1B8E;
	s23 =	sld [smem:$0x0]  }
0xa6: {  	s25 =	simm.s32 $execute0_lowered;
	[smem:$0x3FD2] =	sst s24  }
0xa7: {  	s6 =	sshll.u32 s25, $0x1;
	_ =	strace $0x80000046;
	[dreg:$0x1] =	wrdreg $0xFFFFFFFF  }
0xa8: {  	s7 =	simm.s32 $_size_execute0_lowered;
	s6 =	sadd.s32 s3, s6;
	[dreg:$0x0] =	wrdreg $0x0  }
0xa9: {  	s7 =	sshll.u32 s7, $0x1;
	[dreg:$0x2] =	wrdreg s6  }
0xaa: {  	[dreg:$0x3] =	wrdreg s7  }
0xab: {  	[dreg:$0x4] =	wrdreg $0xC0  }
0xac: {  	s26 =	simm.s32 $execute1_lowered;
	_ =	task [dreg:s20], $0x5FFFF  }
0xad: {  	s6 =	sshll.u32 s26, $0x1;
	[dreg:$0x1] =	wrdreg $0xFFFFFFFF  }
0xae: {  	s3 =	sadd.s32 s3, s6;
	[dreg:$0x0] =	wrdreg $0x60  }
0xaf: {  	[dreg:$0x2] =	wrdreg s3  }
0xb0: {  	[dreg:$0x3] =	wrdreg s22  }
0xb1: {  	[dreg:$0x4] =	wrdreg $0x9  }
0xb2: {  	_ =	task.clear_ibuf [dreg:s20], $0x5FFFF;
	_ =	strace $0x90000046  }
0xb3: {  	s28 =	simm.s32 $0x9;
	_ =	strace $0x80000048  }
0xb4: {  	_ =	swait.ge [sflag:s28], $0x1  }
0xb5: {  	[sflag:s28] =	ssyncadd.s32 $0xFFFFFFFF  }
0xb6: {  	_ =	strace $0x90000048  }
0xb7: {  	s3 =	sld [smem:$0x0]  }
0xb8: {  	s6 =	sand.u32 $0xFFFFFFFE, s1  }
0xb9: {  	p0 =	sne.s32 s1, s6  }
0xba: {  	s6 =	sshll.u32 @p0 s6, $0xE  }
0xbb: {  	s6 =	sadd.s32 @p0 $0x11BF3, s6;
	s7 =	sshll.u32 @p0 s3, $0x11  }
0xbc: {  	s6 =	sor.u32 @p0 s7, s6  }
0xbd: {  	[sflag:s6] =	ssyncadd.remote.s32 @p0 $0x1;
	_ =	sdelay $0x1  }
0xbe: {  	s6 =	simm.s32 @p0 $0x1BF3  }
0xbf: {  	_ =	swait.eq @p0 [sflag:s6], $0x1  }
0xc0: {  	[sflag:s6] =	ssyncadd.s32 @p0 $0xFFFFFFFF  }
0xc1: {  	s7 =	sshll.u32 @!p0 s1, $0xE  }
0xc2: {  	s7 =	sor.u32 @!p0 $0x4000, s7;
	s6 =	simm.s32 @!p0 $0x1BF3  }
0xc3: {  	s3 =	sshll.u32 @!p0 s3, $0x11;
	s7 =	sadd.s32 @!p0 $0x11BF3, s7;
	_ =	swait.eq @!p0 [sflag:s6], $0x1  }
0xc4: {  	s3 =	sor.u32 @!p0 s3, s7;
	[sflag:s6] =	ssyncadd.s32 @!p0 $0xFFFFFFFF  }
0xc5: {  	[sflag:s3] =	ssyncadd.remote.s32 @!p0 $0x1  }
0xc6: {  	_ =	strace $0x80000049;
	[dreg:$0x1] =	wrdreg $0xFFFFFFFF  }
0xc7: {  	[dreg:$0x0] =	wrdreg $0x2030  }
0xc8: {  	[dreg:$0x2] =	wrdreg s22  }
0xc9: {  	[dreg:$0x3] =	wrdreg s1  }
0xca: {  	[dreg:$0x4] =	wrdreg s23  }
0xcb: {  	[dreg:$0x5] =	wrdreg $0xA  }
0xcc: {  	_ =	task.clear_ibuf [dreg:s20], $0x6FFFF;
	_ =	strace $0x90000049  }
0xcd: {  	s29 =	simm.s32 $0xA;
	_ =	strace $0x8000004B  }
0xce: {  	_ =	swait.ge [sflag:s29], $0x1  }
0xcf: {  	[sflag:s29] =	ssyncadd.s32 $0xFFFFFFFF  }
0xd0: {  	_ =	strace $0x9000004B  }
0xd1: {  	_ =	sfence  }
0xd2: {  	s30 =	sld [smem:$0x0];
	_ =	sdelay $0x2  }
0xd3: {  	s31 =	sshll.u32 s1, $0xD;
	s1 =	sshrl.u32 s1, $0x2  }
0xd4: {  	s4 =	sand.u32 $0x4000, s31;
	s1 =	sadd.s32 s1, s30  }
0xd5: {  	s0 =	sor.u32 s4, s0;
	s1 =	sshll.u32 s1, $0x11  }
0xd6: {  	s0 =	sor.u32 s1, s0  }
0xd7: {  	s0 =	sadd.s32 $0x8F2B, s0  }
0xd8: {  	[sflag:s0] =	ssyncadd.remote.s32 $0x1  }
0xd9: {  	_ =	sfence.sel $0xFFFF  }
0xda: {  	[dreg:$0x0] =	wrdreg $0xFFFFFFFF;
	(pc) =	sbr.abs _section_cstart, $3  }
0xdb: {  	[dreg:$0x1] =	wrdreg $0xFFFFFFFF  }
0xdc: {  	_ =	task.clear_ibuf [dreg:s20], $0x2FFFF;
	_ =	strace $0x9FFFFFFF  }
0xdd: {  	(tm) =	ssettm $0x7FFFFFFF  }
tec
execute0_lowered:
.L_overlay_start_1:
0x0: {  	(tag) =	ssettag $0x1  }
0x1: {  	s0 =	rddreg [dreg:$0x0]  }
0x2: {  	s1 =	rddreg [dreg:$0x1]  }
0x3: {  	s2 =	stileid.u32;
	[bflag:$0x3] =	sbarrier.arrive $0xFFFF;
	s3 =	simm.s32 $_size_execute1_lowered  }
0x4: {  	s28 =	srdreg.scid;
	p0 =	sne.s32 s2, $0x0;
	s5 =	sshll.u32 s3, $0x1  }
0x5: {  	s3 =	simm.s32 @!p0 $0x1C3F;
	s4 =	simm.s32 @!p0 $0x4060;
	[dreg:$0x4] =	wrdreg s5  }
0x6: {  	[timem:s4], [sflag:s3] =	dma.local @!p0 [hbm:s0], s5  }
0x7: {  	s0 =	sshll.u32 s28, $0x5  }
0x8: {  	s30 =	simm.s32 $0x1;
	s2 =	sshll.u32 s2, $0x6;
	s0 =	sand.u32 $0x20, s0  }
0x9: {  	s6 =	simm.s32 $0x2;
	s10 =	simm.s32 $0x0;
	s3 =	sor.u32 s2, s0  }
0xa: {  	s31 =	sadd.s32 $0xAAF000, s1;
	s5 =	sadd.s32 $0xA0F000, s1;
	s0 =	ssub.s32 $0x2800, s3  }
0xb: {  	s4 =	simm.s32 $0x1;
	_ =	strace $0x80000047;
	s29 =	sand.u32 $0x3E0, s0  }
.Ltmp0:
0xc: {  	[dreg:$0x8] =	wrdreg s31;
	p1 =	sne.s32 s29, $0x0;
	(pc) =	sbr.rel .LBB2_1-.Ltmp0, $4  }
0xd: {  	[dreg:$0x6] =	wrdreg s5;
	s0 =	sshrl.u32 s0, $0xA;
	s4 =	simm.s32 @!p1 $0x0  }
0xe: {  	[sflag:s30] =	ssyncpa.u1 $0x0;
	[dreg:$0x5] =	wrdreg s3;
	s7 =	sadd.s32 s4, s0  }
0xf: {  	[sflag:s6] =	ssyncpa.u1 $0x0;
	s6 =	sadd.s32 $0x1, s7;
	[dreg:$0x7] =	wrdreg s7  }
0x10: {  	s9 =	simm.s32 $0x0;
	s8 =	smov.u32 s3;
	[dreg:$0x9] =	wrdreg s6  }
.LBB2_4:
0x11: {  	_ =	sdelay $0x3  }
0x12: {  	[tilespmem:v1+s22+$0x0 ss:$0x1] =	vst.idx.msk $0xffff, v7  }
0x13: {  	s15 =	sor.u32 s1, s0;
	v30 =	vld.idx.msk [tilespmem:v0+s16+$0x0 ss:$0x1], $0xffff;
	[tilespmem:v1+s21+$0x0 ss:$0x1] =	vst.idx.msk $0xffff, v6  }
0x14: {  	[tilespmem:v1+s20+$0x0 ss:$0x1] =	vst.idx.msk $0xffff, v5;
	v31 =	vld.idx.msk [tilespmem:v0+s23+$0x0 ss:$0x1], $0xffff;
	s2 =	sor.u32 $0x410, s15  }
0x15: {  	[tilespmem:v1+s19+$0x0 ss:$0x1] =	vst.idx.msk $0xffff, v3;
	s22 =	sor.u32 $0x420, s15;
	v32 =	vld.idx.msk [tilespmem:v0+s2+$0x0 ss:$0x1], $0xffff  }
0x16: {  	[tilespmem:v1+s18+$0x0 ss:$0x1] =	vst.idx.msk $0xffff, v2;
	s24 =	sor.u32 $0x440, s15;
	v44 =	vld.idx.msk [tilespmem:v0+s22+$0x0 ss:$0x1], $0xffff  }
0x17: {  	[tilespmem:v1+s17+$0x0 ss:$0x1] =	vst.idx.msk $0xffff, v4;
	s25 =	sor.u32 $0x450, s15;
	v46 =	vld.idx.msk [tilespmem:v0+s24+$0x0 ss:$0x1], $0xffff  }
0x18: {  	s26 =	sor.u32 $0x460, s15;
	v47 =	vld.idx.msk [tilespmem:v0+s25+$0x0 ss:$0x1], $0xffff;
	[tilespmem:v1+s16+$0x0 ss:$0x1] =	vst.idx.msk $0xffff, v30  }
0x19: {  	s28 =	sor.u32 $0x470, s15;
	v48 =	vld.idx.msk [tilespmem:v0+s26+$0x0 ss:$0x1], $0xffff;
	[tilespmem:v1+s23+$0x0 ss:$0x1] =	vst.idx.msk $0xffff, v31  }
0x1a: {  	s29 =	sor.u32 $0x810, s15;
	v49 =	vld.idx.msk [tilespmem:v0+s28+$0x0 ss:$0x1], $0xffff;
	[tilespmem:v1+s2+$0x0 ss:$0x1] =	vst.idx.msk $0xffff, v32  }
0x1b: {  	s30 =	sor.u32 $0x820, s15;
	v50 =	vld.idx.msk [tilespmem:v0+s29+$0x0 ss:$0x1], $0xffff;
	[tilespmem:v1+s22+$0x0 ss:$0x1] =	vst.idx.msk $0xffff, v44  }
0x1c: {  	s14 =	sand.u32 $0x180, s13;
	s1 =	sand.u32 $0x3200, s15;
	s31 =	sor.u32 $0x830, s15;
	v51 =	vld.idx.msk [tilespmem:v0+s30+$0x0 ss:$0x1], $0xffff;
	[tilespmem:v1+s24+$0x0 ss:$0x1] =	vst.idx.msk $0xffff, v46  }
0x1d: {  	s0 =	sor.u32 s14, s1;
	v52 =	vld.idx.msk [tilespmem:v0+s31+$0x0 ss:$0x1], $0xffff;
	[tilespmem:v1+s25+$0x0 ss:$0x1] =	vst.idx.msk $0xffff, v47  }
0x1e: {  	v33 =	vld.idx.msk [tilespmem:v0+s0+$0x0 ss:$0x1], $0xffff;
	s1 =	sor.u32 $0xC00, s0;
	[tilespmem:v1+s26+$0x0 ss:$0x1] =	vst.idx.msk $0xffff, v48  }
0x1f: {  	s3 =	sor.u32 $0x10, s0;
	v34 =	vld.idx.msk [tilespmem:v0+s1+$0x0 ss:$0x1], $0xffff;
	[tilespmem:v1+s28+$0x0 ss:$0x1] =	vst.idx.msk $0xffff, v49  }
0x20: {  	s4 =	sor.u32 $0x20, s0;
	v35 =	vld.idx.msk [tilespmem:v0+s3+$0x0 ss:$0x1], $0xffff;
	[tilespmem:v1+s29+$0x0 ss:$0x1] =	vst.idx.msk $0xffff, v50  }
0x21: {  	s5 =	sor.u32 $0x30, s0;
	v36 =	vld.idx.msk [tilespmem:v0+s4+$0x0 ss:$0x1], $0xffff;
	[tilespmem:v1+s30+$0x0 ss:$0x1] =	vst.idx.msk $0xffff, v51  }
0x22: {  	s6 =	sor.u32 $0x40, s0;
	v37 =	vld.idx.msk [tilespmem:v0+s5+$0x0 ss:$0x1], $0xffff;
	[tilespmem:v1+s31+$0x0 ss:$0x1] =	vst.idx.msk $0xffff, v52  }
0x23: {  	s7 =	sor.u32 $0x60, s0;
	v38 =	vld.idx.msk [tilespmem:v0+s6+$0x0 ss:$0x1], $0xffff;
	[tilespmem:v1+s0+$0x0 ss:$0x1] =	vst.idx.msk $0xffff, v33  }
0x24: {  	s19 =	sor.u32 $0x50, s0;
	v40 =	vld.idx.msk [tilespmem:v0+s7+$0x0 ss:$0x1], $0xffff;
	[tilespmem:v1+s1+$0x0 ss:$0x1] =	vst.idx.msk $0xffff, v34  }
0x25: {  	s20 =	sor.u32 $0x70, s0;
	v39 =	vld.idx.msk [tilespmem:v0+s19+$0x0 ss:$0x1], $0xffff;
	[tilespmem:v1+s3+$0x0 ss:$0x1] =	vst.idx.msk $0xffff, v35  }
0x26: {  	s21 =	sor.u32 $0x400, s0;
	v41 =	vld.idx.msk [tilespmem:v0+s20+$0x0 ss:$0x1], $0xffff;
	[tilespmem:v1+s4+$0x0 ss:$0x1] =	vst.idx.msk $0xffff, v36  }
0x27: {  	v42 =	vld.idx.msk [tilespmem:v0+s21+$0x0 ss:$0x1], $0xffff;
	s23 =	sor.u32 $0x430, s15;
	[tilespmem:v1+s5+$0x0 ss:$0x1] =	vst.idx.msk $0xffff, v37  }
0x28: {  	v45 =	vld.idx.msk [tilespmem:v0+s23+$0x0 ss:$0x1], $0xffff;
	s0 =	sor.u32 $0x800, s0;
	[tilespmem:v1+s6+$0x0 ss:$0x1] =	vst.idx.msk $0xffff, v38  }
0x29: {  	v43 =	vld.idx.msk [tilespmem:v0+s0+$0x0 ss:$0x1], $0xffff;
	[tilespmem:v1+s7+$0x0 ss:$0x1] =	vst.idx.msk $0xffff, v40;
	s7 =	sor.u32 $0x840, s15  }
0x2a: {  	s9 =	sor.u32 $0x850, s15;
	[tilespmem:v1+s19+$0x0 ss:$0x1] =	vst.idx.msk $0xffff, v39;
	v53 =	vld.idx.msk [tilespmem:v0+s7+$0x0 ss:$0x1], $0xffff  }
0x2b: {  	s10 =	sor.u32 $0x860, s15;
	v54 =	vld.idx.msk [tilespmem:v0+s9+$0x0 ss:$0x1], $0xffff;
	[tilespmem:v1+s20+$0x0 ss:$0x1] =	vst.idx.msk $0xffff, v41  }
0x2c: {  	s11 =	sor.u32 $0x870, s15;
	v55 =	vld.idx.msk [tilespmem:v0+s10+$0x0 ss:$0x1], $0xffff;
	[tilespmem:v1+s21+$0x0 ss:$0x1] =	vst.idx.msk $0xffff, v42  }
0x2d: {  	s12 =	sor.u32 $0xC10, s15;
	v56 =	vld.idx.msk [tilespmem:v0+s11+$0x0 ss:$0x1], $0xffff;
	[tilespmem:v1+s23+$0x0 ss:$0x1] =	vst.idx.msk $0xffff, v45  }
0x2e: {  	s13 =	sor.u32 $0xC20, s15;
	v57 =	vld.idx.msk [tilespmem:v0+s12+$0x0 ss:$0x1], $0xffff;
	[tilespmem:v1+s0+$0x0 ss:$0x1] =	vst.idx.msk $0xffff, v43  }
0x2f: {  	s17 =	sor.u32 $0xC30, s15;
	v58 =	vld.idx.msk [tilespmem:v0+s13+$0x0 ss:$0x1], $0xffff;
	s8 =	rddreg [dreg:$0xc];
	[tilespmem:v1+s7+$0x0 ss:$0x1] =	vst.idx.msk $0xffff, v53  }
0x30: {  	s18 =	sor.u32 $0xC40, s15;
	v59 =	vld.idx.msk [tilespmem:v0+s17+$0x0 ss:$0x1], $0xffff;
	[tilespmem:v1+s9+$0x0 ss:$0x1] =	vst.idx.msk $0xffff, v54  }
0x31: {  	v60 =	vld.idx.msk [tilespmem:v0+s18+$0x0 ss:$0x1], $0xffff;
	s19 =	sor.u32 $0xC50, s15;
	[tilespmem:v1+s10+$0x0 ss:$0x1] =	vst.idx.msk $0xffff, v55  }
0x32: {  	s21 =	sor.u32 $0xC60, s15;
	v61 =	vld.idx.msk [tilespmem:v0+s19+$0x0 ss:$0x1], $0xffff;
	[tilespmem:v1+s11+$0x0 ss:$0x1] =	vst.idx.msk $0xffff, v56  }
0x33: {  	v62 =	vld.idx.msk [tilespmem:v0+s21+$0x0 ss:$0x1], $0xffff;
	s23 =	sor.u32 $0xC70, s15;
	[tilespmem:v1+s12+$0x0 ss:$0x1] =	vst.idx.msk $0xffff, v57  }
0x34: {  	v63 =	vld.idx.msk [tilespmem:v0+s23+$0x0 ss:$0x1], $0xffff;
	[tilespmem:v1+s13+$0x0 ss:$0x1] =	vst.idx.msk $0xffff, v58  }
0x35: {  	[tilespmem:v1+s17+$0x0 ss:$0x1] =	vst.idx.msk $0xffff, v59;
	s14 =	sshll.u32 s8, $0x9;
	s16 =	sshll.u32 s8, $0x7  }
0x36: {  	[tilespmem:v1+s18+$0x0 ss:$0x1] =	vst.idx.msk $0xffff, v60;
	s5 =	sand.u32 $0xFFFFF000, s14;
	s7 =	sand.u32 $0x200, s16  }
0x37: {  	[tilespmem:v1+s19+$0x0 ss:$0x1] =	vst.idx.msk $0xffff, v61;
	s5 =	sor.u32 s7, s5  }
0x38: {  	[tilespmem:v1+s21+$0x0 ss:$0x1] =	vst.idx.msk $0xffff, v62;
	s20 =	sshrl.u32 s5, $0x9  }
0x39: {  	s28 =	rddreg [dreg:$0x8];
	[tilespmem:v1+s23+$0x0 ss:$0x1] =	vst.idx.msk $0xffff, v63;
	s22 =	smulhi.u32 $0x666667, s20  }
0x3a: {  	s31 =	rddreg [dreg:$0xd]  }
0x3b: {  	s7 =	rddreg [dreg:$0x7];
	s3 =	sshrl.u32 s22, $0x4  }
0x3c: {  	s6 =	rddreg [dreg:$0x9];
	s24 =	smul.u32 $0x2800, s3  }
0x3d: {  	s25 =	sshll.u32 s8, $0x4;
	s8 =	rddreg [dreg:$0xa]  }
0x3e: {  	s26 =	sand.u32 $0x30, s25;
	s9 =	rddreg [dreg:$0xb];
	s1 =	ssub.s32 s20, s24  }
0x3f: {  	s2 =	sadd.s32 s28, s26;
	s5 =	rddreg [dreg:$0x6];
	s1 =	sshll.u32 s1, $0x6  }
0x40: {  	s30 =	simm.s32 $0x0;
	s3 =	rddreg [dreg:$0x5];
	s29 =	sadd.s32 s1, s2  }
0x41: {  	[hbm4b:s29+s30] =	stream.linear.scatter [tilespmem:s31], [sflag:$0x2], $0x4000, $0x38;
	[tilespmem:$0x10000] =	vst v63  }
.LBB2_5:
0x42: {  	s1 =	sadd.s32 $0x400, s8  }
0x43: {  	p2 =	sgt.s32 s1, $0x27FF  }
0x44: {  	s1 =	smov.u32 @p2 s3;
	p2 =	sne.s32 s9, s6  }
.Ltmp1:
0x45: {  	p1 =	slt.u32 s9, $0x2;
	(pc) =	sbr.rel @!p2 .LBB2_6-.Ltmp1, $4  }
0x46: {  	s0 =	simm.s32 @!p1 $0x2  }
0x47: {  	_ =	swait.ge @!p1 [sflag:s0], $0x4000  }
0x48: {  	s2 =	sadd.s32 $0x1, s9;
	s10 =	smov.u32 s8;
	[sflag:s0] =	ssyncset.done @!p1 $0x0  }
0x49: {  	s9 =	smov.u32 s2;
	s8 =	smov.u32 s1;
	[sflag:s0] =	ssyncadd.s32 @!p1 $0xFFFFC000  }
.LBB2_1:
0x4a: {  	p1 =	sge.u32 s9, s7  }
0x4b: {  	s0 =	sshll.u32 @!p1 s8, $0x9;
	s1 =	sshll.u32 @!p1 s8, $0x7  }
0x4c: {  	s0 =	sand.u32 @!p1 $0xFFFFF000, s0;
	s1 =	sand.u32 @!p1 $0x200, s1  }
0x4d: {  	s0 =	sor.u32 @!p1 s1, s0  }
0x4e: {  	s0 =	sshrl.u32 @!p1 s0, $0x9  }
0x4f: {  	s1 =	smulhi.u32 @!p1 $0x666667, s0;
	_ =	sdelay $0x1  }
0x50: {  	s1 =	sshrl.u32 @!p1 s1, $0x4  }
0x51: {  	s1 =	smul.u32 @!p1 $0x2800, s1  }
0x52: {  	s31 =	sadd.s32 $0xFFFFFFFF, s9;
	s4 =	sshll.u32 @!p1 s8, $0x4  }
0x53: {  	s4 =	sand.u32 @!p1 $0x30, s4;
	s0 =	ssub.s32 @!p1 s0, s1;
	s1 =	sxor.u32 @!p1 $0xFFFFFFFF, s9  }
0x54: {  	s4 =	sadd.s32 @!p1 s5, s4;
	s1 =	sshll.u32 @!p1 s1, $0xE;
	s0 =	sshll.u32 @!p1 s0, $0x6  }
0x55: {  	s1 =	sand.u32 @!p1 $0x4000, s1;
	s0 =	sadd.s32 @!p1 s0, s4;
	s4 =	simm.s32 @!p1 $0x0  }
0x56: {  	[tilespmem:s1], [sflag:$0x1] =	stream.linear.gather @!p1 [hbm4b:s0+s4], $0x4000, $0x38;
	[tilespmem:$0x10000] =	vst v63  }
0x57: {  	p1 =	sge.u32 s31, s7  }
.Ltmp2:
0x58: {  	_ = 	snop;
	(pc) =	sbr.rel @p1 .LBB2_5-.Ltmp2, $1  }
0x59: {  	_ =	sdelay $0x3  }
0x5a: {  	[dreg:$0xc] =	wrdreg s10;
	s0 =	sshll.u32 s9, $0xE  }
0x5b: {  	[dreg:$0xa] =	wrdreg s8;
	s0 =	sand.u32 $0x4000, s0  }
0x5c: {  	[dreg:$0xb] =	wrdreg s9;
	s2 =	simm.s32 $0x1;
	v0 =	vmov s0  }
0x5d: {  	s1 =	simm.s32 $0x0;
	_ =	swait.ge [sflag:s2], $0x4000  }
0x5e: {  	s4 =	sand.u32 $0x3000, s1;
	s6 =	sand.u32 $0x380, s1;
	s1 =	sand.u32 $0x180, s1  }
0x5f: {  	[sflag:s2] =	ssyncset.done $0x0;
	s13 =	sor.u32 s6, s4;
	s8 =	sor.u32 $0x8000, s0  }
0x60: {  	[sflag:s2] =	ssyncadd.s32 $0xFFFFC000;
	s4 =	sand.u32 $0x3200, s13;
	s6 =	sor.u32 $0x410, s13  }
0x61: {  	s9 =	sor.u32 s1, s4;
	v2 =	vld.idx.msk [tilespmem:v0+s6+$0x0 ss:$0x1], $0xffff;
	[dreg:$0xd] =	wrdreg s8  }
0x62: {  	v1 =	vmov s8;
	s1 =	sor.u32 $0xC00, s9;
	v3 =	vld.idx.msk [tilespmem:v0+s9+$0x0 ss:$0x1], $0xffff  }
0x63: {  	s4 =	sor.u32 $0x10, s9;
	v4 =	vld.idx.msk [tilespmem:v0+s1+$0x0 ss:$0x1], $0xffff  }
0x64: {  	s10 =	sor.u32 $0x20, s9;
	v5 =	vld.idx.msk [tilespmem:v0+s4+$0x0 ss:$0x1], $0xffff  }
0x65: {  	s14 =	sor.u32 $0x30, s9;
	v6 =	vld.idx.msk [tilespmem:v0+s10+$0x0 ss:$0x1], $0xffff  }
0x66: {  	s15 =	sor.u32 $0x40, s9;
	v7 =	vld.idx.msk [tilespmem:v0+s14+$0x0 ss:$0x1], $0xffff  }
0x67: {  	s29 =	sor.u32 $0x850, s13;
	v8 =	vld.idx.msk [tilespmem:v0+s15+$0x0 ss:$0x1], $0xffff;
	[tilespmem:v1+s6+$0x0 ss:$0x1] =	vst.idx.msk $0xffff, v2  }
0x68: {  	s16 =	sor.u32 $0x50, s9;
	v9 =	vld.idx.msk [tilespmem:v0+s29+$0x0 ss:$0x1], $0xffff;
	[tilespmem:v1+s9+$0x0 ss:$0x1] =	vst.idx.msk $0xffff, v3  }
0x69: {  	s11 =	sor.u32 $0x60, s9;
	v2 =	vld.idx.msk [tilespmem:v0+s16+$0x0 ss:$0x1], $0xffff;
	[tilespmem:v1+s1+$0x0 ss:$0x1] =	vst.idx.msk $0xffff, v4  }
0x6a: {  	s17 =	sor.u32 $0x70, s9;
	v3 =	vld.idx.msk [tilespmem:v0+s11+$0x0 ss:$0x1], $0xffff;
	[tilespmem:v1+s4+$0x0 ss:$0x1] =	vst.idx.msk $0xffff, v5  }
0x6b: {  	s12 =	sor.u32 $0x400, s9;
	v4 =	vld.idx.msk [tilespmem:v0+s17+$0x0 ss:$0x1], $0xffff;
	[tilespmem:v1+s10+$0x0 ss:$0x1] =	vst.idx.msk $0xffff, v6  }
0x6c: {  	s0 =	sor.u32 $0x800, s9;
	v5 =	vld.idx.msk [tilespmem:v0+s12+$0x0 ss:$0x1], $0xffff;
	[tilespmem:v1+s14+$0x0 ss:$0x1] =	vst.idx.msk $0xffff, v7  }
0x6d: {  	s18 =	sor.u32 $0x420, s13;
	v6 =	vld.idx.msk [tilespmem:v0+s0+$0x0 ss:$0x1], $0xffff;
	[tilespmem:v1+s15+$0x0 ss:$0x1] =	vst.idx.msk $0xffff, v8  }
0x6e: {  	s23 =	sor.u32 $0x470, s13;
	v7 =	vld.idx.msk [tilespmem:v0+s18+$0x0 ss:$0x1], $0xffff;
	[tilespmem:v1+s29+$0x0 ss:$0x1] =	vst.idx.msk $0xffff, v9  }
0x6f: {  	s19 =	sor.u32 $0x430, s13;
	v8 =	vld.idx.msk [tilespmem:v0+s23+$0x0 ss:$0x1], $0xffff;
	[tilespmem:v1+s16+$0x0 ss:$0x1] =	vst.idx.msk $0xffff, v2  }
0x70: {  	s20 =	sor.u32 $0x440, s13;
	v2 =	vld.idx.msk [tilespmem:v0+s19+$0x0 ss:$0x1], $0xffff;
	[tilespmem:v1+s11+$0x0 ss:$0x1] =	vst.idx.msk $0xffff, v3  }
0x71: {  	s21 =	sor.u32 $0x450, s13;
	v3 =	vld.idx.msk [tilespmem:v0+s20+$0x0 ss:$0x1], $0xffff;
	[tilespmem:v1+s17+$0x0 ss:$0x1] =	vst.idx.msk $0xffff, v4  }
0x72: {  	s22 =	sor.u32 $0x460, s13;
	v4 =	vld.idx.msk [tilespmem:v0+s21+$0x0 ss:$0x1], $0xffff;
	[tilespmem:v1+s12+$0x0 ss:$0x1] =	vst.idx.msk $0xffff, v5  }
0x73: {  	s24 =	sor.u32 $0x810, s13;
	v5 =	vld.idx.msk [tilespmem:v0+s22+$0x0 ss:$0x1], $0xffff;
	[tilespmem:v1+s0+$0x0 ss:$0x1] =	vst.idx.msk $0xffff, v6  }
0x74: {  	s30 =	sor.u32 $0x860, s13;
	v6 =	vld.idx.msk [tilespmem:v0+s24+$0x0 ss:$0x1], $0xffff;
	[tilespmem:v1+s23+$0x0 ss:$0x1] =	vst.idx.msk $0xffff, v8  }
0x75: {  	s25 =	sor.u32 $0x820, s13;
	v8 =	vld.idx.msk [tilespmem:v0+s30+$0x0 ss:$0x1], $0xffff;
	[tilespmem:v1+s19+$0x0 ss:$0x1] =	vst.idx.msk $0xffff, v2  }
0x76: {  	s26 =	sor.u32 $0x830, s13;
	v2 =	vld.idx.msk [tilespmem:v0+s25+$0x0 ss:$0x1], $0xffff;
	[tilespmem:v1+s20+$0x0 ss:$0x1] =	vst.idx.msk $0xffff, v3  }
0x77: {  	s28 =	sor.u32 $0x840, s13;
	v3 =	vld.idx.msk [tilespmem:v0+s26+$0x0 ss:$0x1], $0xffff;
	[tilespmem:v1+s21+$0x0 ss:$0x1] =	vst.idx.msk $0xffff, v4  }
0x78: {  	v4 =	vld.idx.msk [tilespmem:v0+s28+$0x0 ss:$0x1], $0xffff;
	[tilespmem:v1+s22+$0x0 ss:$0x1] =	vst.idx.msk $0xffff, v5;
	s22 =	sor.u32 $0x870, s13  }
0x79: {  	[tilespmem:v1+s18+$0x0 ss:$0x1] =	vst.idx.msk $0xffff, v7;
	s21 =	sor.u32 $0xC10, s13;
	v7 =	vld.idx.msk [tilespmem:v0+s22+$0x0 ss:$0x1], $0xffff  }
0x7a: {  	[tilespmem:v1+s24+$0x0 ss:$0x1] =	vst.idx.msk $0xffff, v6;
	s20 =	sor.u32 $0xC20, s13;
	v6 =	vld.idx.msk [tilespmem:v0+s21+$0x0 ss:$0x1], $0xffff  }
0x7b: {  	s18 =	sor.u32 $0xC40, s13;
	[tilespmem:v1+s30+$0x0 ss:$0x1] =	vst.idx.msk $0xffff, v8;
	v5 =	vld.idx.msk [tilespmem:v0+s20+$0x0 ss:$0x1], $0xffff  }
0x7c: {  	s31 =	simm.s32 $0x200;
	s16 =	sor.u32 $0xC60, s13;
	s19 =	sor.u32 $0xC30, s13;
	[tilespmem:v1+s25+$0x0 ss:$0x1] =	vst.idx.msk $0xffff, v2;
	v2 =	vld.idx.msk [tilespmem:v0+s18+$0x0 ss:$0x1], $0xffff  }
0x7d: {  	s17 =	sor.u32 $0xC50, s13;
	s23 =	sor.u32 $0xC70, s13;
	s13 =	simm.s32 $0x80;
	[tilespmem:v1+s26+$0x0 ss:$0x1] =	vst.idx.msk $0xffff, v3;
	v3 =	vld.idx.msk [tilespmem:v0+s19+$0x0 ss:$0x1], $0xffff  }
0x7e: {  	s15 =	simm.s32 $0x400;
	s0 =	sand.u32 $0x3000, s31;
	s1 =	sand.u32 $0x380, s13;
	[tilespmem:v1+s28+$0x0 ss:$0x1] =	vst.idx.msk $0xffff, v4;
	v4 =	vld.idx.msk [tilespmem:v0+s17+$0x0 ss:$0x1], $0xffff  }
.LBB2_3:
0x7f: {  	s26 =	sor.u32 s1, s0;
	[tilespmem:v1+s22+$0x0 ss:$0x1] =	vst.idx.msk $0xffff, v7;
	v7 =	vld.idx.msk [tilespmem:v0+s16+$0x0 ss:$0x1], $0xffff  }
0x80: {  	[tilespmem:v1+s21+$0x0 ss:$0x1] =	vst.idx.msk $0xffff, v6;
	v6 =	vld.idx.msk [tilespmem:v0+s23+$0x0 ss:$0x1], $0xffff;
	s8 =	sor.u32 $0x410, s26  }
0x81: {  	[tilespmem:v1+s20+$0x0 ss:$0x1] =	vst.idx.msk $0xffff, v5;
	s31 =	sor.u32 $0x830, s26;
	v8 =	vld.idx.msk [tilespmem:v0+s8+$0x0 ss:$0x1], $0xffff  }
0x82: {  	s14 =	sand.u32 $0x180, s13;
	[tilespmem:v1+s19+$0x0 ss:$0x1] =	vst.idx.msk $0xffff, v3;
	s1 =	sand.u32 $0x3200, s26;
	s29 =	sor.u32 $0x850, s26;
	v9 =	vld.idx.msk [tilespmem:v0+s31+$0x0 ss:$0x1], $0xffff  }
0x83: {  	[tilespmem:v1+s18+$0x0 ss:$0x1] =	vst.idx.msk $0xffff, v2;
	s22 =	sor.u32 s14, s1;
	v10 =	vld.idx.msk [tilespmem:v0+s29+$0x0 ss:$0x1], $0xffff  }
0x84: {  	[tilespmem:v1+s17+$0x0 ss:$0x1] =	vst.idx.msk $0xffff, v4;
	v5 =	vld.idx.msk [tilespmem:v0+s22+$0x0 ss:$0x1], $0xffff;
	s20 =	sor.u32 $0xC00, s22  }
0x85: {  	s3 =	sor.u32 $0x10, s22;
	v3 =	vld.idx.msk [tilespmem:v0+s20+$0x0 ss:$0x1], $0xffff;
	[tilespmem:v1+s16+$0x0 ss:$0x1] =	vst.idx.msk $0xffff, v7  }
0x86: {  	s7 =	sor.u32 $0x20, s22;
	v2 =	vld.idx.msk [tilespmem:v0+s3+$0x0 ss:$0x1], $0xffff;
	[tilespmem:v1+s23+$0x0 ss:$0x1] =	vst.idx.msk $0xffff, v6  }
0x87: {  	s2 =	sor.u32 $0x30, s22;
	v4 =	vld.idx.msk [tilespmem:v0+s7+$0x0 ss:$0x1], $0xffff;
	[tilespmem:v1+s8+$0x0 ss:$0x1] =	vst.idx.msk $0xffff, v8  }
0x88: {  	s12 =	sor.u32 $0x40, s22;
	v7 =	vld.idx.msk [tilespmem:v0+s2+$0x0 ss:$0x1], $0xffff;
	[tilespmem:v1+s31+$0x0 ss:$0x1] =	vst.idx.msk $0xffff, v9  }
0x89: {  	s11 =	sor.u32 $0x60, s22;
	v6 =	vld.idx.msk [tilespmem:v0+s12+$0x0 ss:$0x1], $0xffff;
	[tilespmem:v1+s29+$0x0 ss:$0x1] =	vst.idx.msk $0xffff, v10  }
0x8a: {  	s24 =	sor.u32 $0x420, s26;
	s25 =	sor.u32 $0x430, s26;
	s5 =	sor.u32 $0x50, s22;
	v8 =	vld.idx.msk [tilespmem:v0+s11+$0x0 ss:$0x1], $0xffff;
	[tilespmem:v1+s22+$0x0 ss:$0x1] =	vst.idx.msk $0xffff, v5  }
0x8b: {  	s6 =	sor.u32 $0x440, s26;
	s0 =	sor.u32 $0x450, s26;
	s9 =	sor.u32 $0x70, s22;
	v5 =	vld.idx.msk [tilespmem:v0+s5+$0x0 ss:$0x1], $0xffff;
	[tilespmem:v1+s20+$0x0 ss:$0x1] =	vst.idx.msk $0xffff, v3  }
0x8c: {  	s4 =	sor.u32 $0x460, s26;
	s30 =	sor.u32 $0x810, s26;
	s10 =	sor.u32 $0x400, s22;
	[tilespmem:v1+s3+$0x0 ss:$0x1] =	vst.idx.msk $0xffff, v2;
	v2 =	vld.idx.msk [tilespmem:v0+s9+$0x0 ss:$0x1], $0xffff  }
0x8d: {  	s28 =	sor.u32 $0x840, s26;
	s21 =	sor.u32 $0xC10, s26;
	s14 =	sor.u32 $0x800, s22;
	[tilespmem:v1+s7+$0x0 ss:$0x1] =	vst.idx.msk $0xffff, v4;
	v3 =	vld.idx.msk [tilespmem:v0+s10+$0x0 ss:$0x1], $0xffff  }
0x8e: {  	s19 =	sor.u32 $0xC30, s26;
	s18 =	sor.u32 $0xC40, s26;
	s17 =	sor.u32 $0xC50, s26;
	v4 =	vld.idx.msk [tilespmem:v0+s14+$0x0 ss:$0x1], $0xffff;
	[tilespmem:v1+s2+$0x0 ss:$0x1] =	vst.idx.msk $0xffff, v7  }
0x8f: {  	[dreg:$0x3] =	wrdreg s25;
	s1 =	sor.u32 $0x470, s26;
	s25 =	sor.u32 $0x860, s26;
	[tilespmem:v1+s12+$0x0 ss:$0x1] =	vst.idx.msk $0xffff, v6;
	v6 =	vld.idx.msk [tilespmem:v0+s24+$0x0 ss:$0x1], $0xffff  }
0x90: {  	s16 =	sor.u32 $0xC60, s26;
	s23 =	sor.u32 $0xC70, s26;
	s8 =	sor.u32 $0x820, s26;
	v7 =	vld.idx.msk [tilespmem:v0+s6+$0x0 ss:$0x1], $0xffff;
	[tilespmem:v1+s11+$0x0 ss:$0x1] =	vst.idx.msk $0xffff, v8  }
0x91: {  	s22 =	sor.u32 $0x870, s26;
	s20 =	sor.u32 $0xC20, s26;
	s26 =	rddreg [dreg:$0x3];
	v8 =	vld.idx.msk [tilespmem:v0+s1+$0x0 ss:$0x1], $0xffff;
	[tilespmem:v1+s5+$0x0 ss:$0x1] =	vst.idx.msk $0xffff, v5  }
0x92: {  	v5 =	vld.idx.msk [tilespmem:v0+s26+$0x0 ss:$0x1], $0xffff;
	[tilespmem:v1+s9+$0x0 ss:$0x1] =	vst.idx.msk $0xffff, v2  }
0x93: {  	v2 =	vld.idx.msk [tilespmem:v0+s0+$0x0 ss:$0x1], $0xffff;
	[tilespmem:v1+s10+$0x0 ss:$0x1] =	vst.idx.msk $0xffff, v3  }
0x94: {  	v3 =	vld.idx.msk [tilespmem:v0+s4+$0x0 ss:$0x1], $0xffff;
	[tilespmem:v1+s14+$0x0 ss:$0x1] =	vst.idx.msk $0xffff, v4  }
0x95: {  	v4 =	vld.idx.msk [tilespmem:v0+s30+$0x0 ss:$0x1], $0xffff;
	[tilespmem:v1+s24+$0x0 ss:$0x1] =	vst.idx.msk $0xffff, v6  }
0x96: {  	[tilespmem:v1+s6+$0x0 ss:$0x1] =	vst.idx.msk $0xffff, v7;
	v7 =	vld.idx.msk [tilespmem:v0+s22+$0x0 ss:$0x1], $0xffff  }
0x97: {  	[tilespmem:v1+s1+$0x0 ss:$0x1] =	vst.idx.msk $0xffff, v8;
	v8 =	vld.idx.msk [tilespmem:v0+s25+$0x0 ss:$0x1], $0xffff  }
0x98: {  	[tilespmem:v1+s26+$0x0 ss:$0x1] =	vst.idx.msk $0xffff, v5;
	v5 =	vld.idx.msk [tilespmem:v0+s8+$0x0 ss:$0x1], $0xffff  }
0x99: {  	p1 =	sne.s32 s15, $0x3E00;
	[tilespmem:v1+s0+$0x0 ss:$0x1] =	vst.idx.msk $0xffff, v2;
	v2 =	vld.idx.msk [tilespmem:v0+s28+$0x0 ss:$0x1], $0xffff  }
.Ltmp3:
0x9a: {  	v6 =	vld.idx.msk [tilespmem:v0+s21+$0x0 ss:$0x1], $0xffff;
	[tilespmem:v1+s4+$0x0 ss:$0x1] =	vst.idx.msk $0xffff, v3;
	(pc) =	sbr.rel @p1 .LBB2_3-.Ltmp3, $4  }
0x9b: {  	[tilespmem:v1+s30+$0x0 ss:$0x1] =	vst.idx.msk $0xffff, v4;
	v3 =	vld.idx.msk [tilespmem:v0+s19+$0x0 ss:$0x1], $0xffff  }
0x9c: {  	v4 =	vld.idx.msk [tilespmem:v0+s17+$0x0 ss:$0x1], $0xffff;
	[tilespmem:v1+s25+$0x0 ss:$0x1] =	vst.idx.msk $0xffff, v8  }
0x9d: {  	s13 =	sadd.s32 $0x80, s13;
	[tilespmem:v1+s8+$0x0 ss:$0x1] =	vst.idx.msk $0xffff, v5;
	v5 =	vld.idx.msk [tilespmem:v0+s20+$0x0 ss:$0x1], $0xffff  }
0x9e: {  	s1 =	sand.u32 $0x380, s13;
	s0 =	sand.u32 $0x3000, s15;
	s15 =	sadd.s32 $0x200, s15;
	[tilespmem:v1+s28+$0x0 ss:$0x1] =	vst.idx.msk $0xffff, v2;
	v2 =	vld.idx.msk [tilespmem:v0+s18+$0x0 ss:$0x1], $0xffff  }
.Ltmp4:
0x9f: {  	_ = 	snop;
	(pc) =	sbr.rel .LBB2_4-.Ltmp4, $1  }
0xa0: {  	_ =	sdelay $0x3  }
.LBB2_6:
0xa1: {  	_ =	sfence.sel $0x180000  }
0xa2: {  	s0 =	simm.s32 $0x1;
	[bflag:$0x0] =	sbarrier.arrive $0xFFFF  }
0xa3: {  	s31 =	simm.s32 $0x2;
	[sflag:s0] =	ssyncpa.u1 $0x1  }
0xa4: {  	[sflag:s31] =	ssyncpa.u1 $0x1  }
0xa5: {  	_ =	strace $0x90000047  }
0xa6: {  	[bflag:$0x2] =	sbarrier.arrive $0xFFFF  }
0xa7: {  	s0 =	rddreg [dreg:$0x2]  }
0xa8: {  	s0 =	sadd.s32 @!p0 $0x100000, s0  }
0xa9: {  	s1 =	rddreg [dreg:$0x4];
	[sflag:s0] =	ssyncadd.tile.s32 @!p0 $0x1;
	s0 =	simm.s32 @!p0 $0x3F  }
0xaa: {  	_ =	swait.ge @!p0 [sflag:s0], s1  }
0xab: {  	s1 =	ssub.s32 @!p0 $0x0, s1;
	[sflag:s0] =	ssyncset.done @!p0 $0x0  }
0xac: {  	[sflag:s0] =	ssyncadd.s32 @!p0 s1  }
0xad: {  	[bflag:$0x3] =	sbarrier.arrive $0xFFFF  }
0xae: {  	_ =	shalt  }
.Lfunc_end2:
execute1_lowered:
.L_overlay_start_2:
0xaf: {  	(tag) =	ssettag $0x2  }
0xb0: {  	s2 =	rddreg [dreg:$0x0]  }
0xb1: {  	s3 =	rddreg [dreg:$0x1];
	_ =	strace $0x8000004A;
	s0 =	simm.s32 $0x1  }
0xb2: {  	s4 =	simm.s32 $0x408;
	v0 =	vimm.s32 $0x0;
	[sflag:s0] =	ssyncpa.u1 $0x0  }
0xb3: {  	[tilespmem:s4+$0x70] =	vst v0  }
0xb4: {  	[tilespmem:s4+$0x60] =	vst v0  }
0xb5: {  	[tilespmem:s4+$0x50] =	vst v0  }
0xb6: {  	[tilespmem:s4+$0x40] =	vst v0  }
0xb7: {  	[tilespmem:s4+$0x30] =	vst v0  }
0xb8: {  	s1 =	sadd.s32 $0xAAF000, s2;
	s0 =	sadd.s32 $0x5000, s2;
	s6 =	sadd.s32 $0xF000, s2;
	[tilespmem:s4+$0x20] =	vst v0  }
0xb9: {  	s2 =	sadd.s32 $0xA000, s2;
	s7 =	sand.u32 $0x1, s3;
	s3 =	simm.s32 $0x40;
	[tilespmem:s4+$0x10] =	vst v0  }
.LBB3_1:
0xba: {  	s3 =	sadd.s32 $0x40, s3;
	[tilespmem:s4+$0x0] =	vst v0;
	s4 =	sadd.s32 $0x80, s4  }
0xbb: {  	p0 =	slt.u32 s3, $0x3100;
	[tilespmem:s4+$0x70] =	vst v0  }
0xbc: {  	[tilespmem:s4+$0x60] =	vst v0  }
.Ltmp5:
0xbd: {  	[tilespmem:s4+$0x50] =	vst v0;
	(pc) =	sbr.rel @p0 .LBB3_1-.Ltmp5, $4  }
0xbe: {  	[tilespmem:s4+$0x40] =	vst v0  }
0xbf: {  	[tilespmem:s4+$0x30] =	vst v0  }
0xc0: {  	[tilespmem:s4+$0x20] =	vst v0  }
0xc1: {  	[tilespmem:s4+$0x10] =	vst v0  }
0xc2: {  	s10 =	stileid.u32  }
0xc3: {  	s3 =	smul.u32 $0x6A, s10  }
0xc4: {  	s5 =	smin.u32 s10, $0xB  }
0xc5: {  	s3 =	sadd.s32 s5, s3  }
0xc6: {  	p0 =	slt.u32 s10, $0xB;
	s11 =	smul.u32 $0x30, s3;
	s3 =	simm.s32 $0x1410  }
0xc7: {  	s3 =	simm.s32 @!p0 $0x13E0  }
0xc8: {  	s3 =	sadd.s32 s3, s11  }
0xc9: {  	s8 =	smin.u32 s3, $0x14000  }
0xca: {  	s26 =	simm.s32 $0x2;
	s9 =	simm.s32 $0x9;
	s3 =	ssub.s32 s8, s11  }
0xcb: {  	s29 =	simm.s32 $0xA;
	s30 =	simm.s32 $0xB;
	p0 =	sgt.s32 s3, $0x0  }
0xcc: {  	[dreg:$0x4] =	wrdreg s7;
	s31 =	smul.u32 $0x2800, s7;
	s3 =	simm.s32 @!p0 $0x0  }
0xcd: {  	s12 =	simm.s32 $0x1;
	s24 =	simm.s32 $0x0;
	s25 =	smulhi.u32 $0x2AAAAAAB, s3  }
0xce: {  	p1 =	por $0x0, $0x0;
	s18 =	simm.s32 $0x80;
	s19 =	simm.s32 $0x400  }
0xcf: {  	s20 =	simm.s32 $0xC;
	s21 =	simm.s32 $0x0;
	s28 =	sshrl.u32 s25, $0x3  }
0xd0: {  	[tilespmem:s4+$0x0] =	vst v0;
	v0 =	vimm.s32 $0xFFFFFFFF;
	s23 =	simm.s32 $0x0;
	[sflag:s26] =	ssyncpa.u1 $0x0;
	s5 =	smul.u32 $0x30, s28  }
0xd1: {  	s16 =	sshll.u32 s10, $0xA;
	[tilespmem:$0xC808] =	vst v0;
	[sflag:s9] =	ssyncpa.u1 $0x0;
	s14 =	sadd.s32 s31, s2  }
.Ltmp6:
0xd2: {  	p0 =	sne.s32 s3, s5;
	s3 =	simm.s32 $0x1;
	(pc) =	sbr.rel .LBB3_3-.Ltmp6, $4  }
0xd3: {  	s15 =	sadd.s32 s31, s0;
	[dreg:$0x6] =	wrdreg s14;
	s3 =	simm.s32 @!p0 $0x0  }
0xd4: {  	[sflag:s29] =	ssyncpa.u1 $0x0;
	[dreg:$0x7] =	wrdreg s15;
	s13 =	sadd.s32 s3, s28  }
0xd5: {  	[sflag:s30] =	ssyncpa.u1 $0x0;
	s17 =	sadd.s32 $0x1, s13;
	[dreg:$0x5] =	wrdreg s13  }
0xd6: {  	v0 =	vlaneseq.u32;
	s22 =	smov.u32 s11;
	p0 =	por $0x1, $0x1;
	[dreg:$0x8] =	wrdreg s17  }
.LBB3_30:
0xd7: {  	s0 =	sshrl.u32 s0, $0x2  }
.LBB3_32:
0xd8: {  	_ =	swait.ge [sflag:s20], s0  }
0xd9: {  	s30 =	ssub.s32 $0x0, s0;
	v1 =	vmov s26;
	vm0 =	veq.s32 v0, $0x0;
	[sflag:s20] =	ssyncset.done $0x0  }
0xda: {  	vm15 =	veq.s32 v0, $0x2;
	v1 =	vsel vm0, s31, v1;
	[sflag:s20] =	ssyncadd.s32 s30  }
0xdb: {  	v1 =	vsel vm15, s24, v1;
	[sflag:s20] =	ssyncpa.u1 $0x1  }
0xdc: {  	[tilespmem:$0xC808] =	vst v1  }
.LBB3_33:
0xdd: {  	s0 =	sadd.s32 $0x30, s22  }
0xde: {  	s2 =	smov.u32 s11;
	p2 =	slt.s32 s0, s8  }
0xdf: {  	s2 =	smov.u32 @p2 s0;
	p2 =	sne.s32 s23, s17  }
.Ltmp7:
0xe0: {  	_ = 	snop;
	(pc) =	sbr.rel @!p2 .LBB3_34-.Ltmp7, $4  }
0xe1: {  	_ = 	snop  }
0xe2: {  	s24 =	smov.u32 s21  }
0xe3: {  	s31 =	sadd.s32 $0x1, s23;
	s21 =	smov.u32 s22;
	p0 =	por !p0, !p0  }
0xe4: {  	p1 =	por !p1, !p1;
	s23 =	smov.u32 s31;
	s22 =	smov.u32 s2  }
.LBB3_3:
0xe5: {  	p2 =	sge.u32 s23, s13  }
0xe6: {  	s0 =	smulhi.u32 @!p2 $0xAAAAAAAB, s23  }
0xe7: {  	s2 =	smov.u32 s22;
	p3 =	sgt.s32 @!p2 s22, $0x13FD0  }
0xe8: {  	s3 =	sshra.s32 @!p2 s22, $0x1F;
	p3 =	por !p3, p2;
	s0 =	sshrl.u32 @!p2 s0, $0x1  }
0xe9: {  	s3 =	sand.u32 @!p2 s3, s22;
	s2 =	simm.s32 @p3 $0x13FD0;
	s0 =	smul.u32 @!p2 $0x3, s0  }
0xea: {  	s2 =	ssub.s32 @!p2 s2, s3  }
0xeb: {  	s2 =	sadd.s32 @!p2 $0xFFFEC030, s2;
	s0 =	ssub.s32 @!p2 s23, s0  }
0xec: {  	s3 =	sshll.u32 @!p2 s2, $0x2;
	p3 =	sgt.s32 @!p2 s2, $0x2F;
	s0 =	smul.u32 @!p2 $0xC0, s0  }
0xed: {  	s4 =	sand.u32 @!p2 $0x7, s22;
	s2 =	ssub.s32 @!p2 $0xC0, s3;
	p3 =	por !p3, p2  }
0xee: {  	s3 =	sshrl.u32 @!p2 s22, $0x3;
	s2 =	sshrl.u32 @!p2 s2, $0x2;
	s0 =	sshrl.u32 @!p2 s0, $0x2  }
0xef: {  	s3 =	sadd.s32 @!p2 s3, s14;
	s2 =	simm.s32 @!p3 $0x0;
	s0 =	sadd.s32 @!p2 $0x10848, s0  }
0xf0: {  	[tilespmem:s0], [sflag:$0xA] =	stream.linear.gather @!p2 [hbm4b:s3+s4], s2, $0x38;
	[tilespmem:$0x1C938] =	vst v63  }
0xf1: {  	s2 =	sadd.s32 $0xFFFFFFFF, s23  }
0xf2: {  	p2 =	sge.u32 s2, s13  }
0xf3: {  	p3 =	sgt.s32 @!p2 s21, $0x13FD0  }
0xf4: {  	s0 =	smov.u32 s21;
	s3 =	sshra.s32 @!p2 s21, $0x1F;
	p3 =	por !p3, p2  }
0xf5: {  	s3 =	sand.u32 @!p2 s3, s21;
	s0 =	simm.s32 @p3 $0x13FD0  }
0xf6: {  	s0 =	ssub.s32 @!p2 s0, s3  }
0xf7: {  	s0 =	sadd.s32 @!p2 $0xFFFEC030, s0  }
0xf8: {  	s3 =	sshll.u32 @!p2 s0, $0x2  }
0xf9: {  	p3 =	sgt.s32 @!p2 s0, $0x2F;
	s0 =	ssub.s32 @!p2 $0xC0, s3  }
0xfa: {  	p3 =	por !p3, p2;
	s0 =	sshrl.u32 @!p2 s0, $0x2  }
0xfb: {  	s4 =	simm.s32 @!p2 $0xA;
	s3 =	sand.u32 @!p2 $0x1, s2;
	s0 =	simm.s32 @!p3 $0x0  }
0xfc: {  	s3 =	smul.u32 @!p2 $0xC0, s3;
	_ =	swait.ge @!p2 [sflag:s4], s0  }
0xfd: {  	s5 =	ssub.s32 @!p2 $0x0, s0;
	[sflag:s4] =	ssyncset.done @!p2 $0x0  }
0xfe: {  	s3 =	sshrl.u32 @!p2 s3, $0x2;
	[sflag:s4] =	ssyncadd.s32 @!p2 s5;
	s4 =	sshrl.u32 @!p2 s21, $0x3  }
0xff: {  	s3 =	sadd.s32 @!p2 $0x108D8, s3;
	s5 =	sand.u32 @!p2 $0x7, s21;
	s4 =	sadd.s32 @!p2 s4, s15  }
0x100: {  	[tilespmem:s3], [sflag:$0xB] =	stream.linear.gather @!p2 [hbm4b:s4+s5], s0, $0x38;
	[tilespmem:$0x1C938] =	vst v63  }
0x101: {  	s0 =	ssub.s32 @!p2 $0x14000, s21  }
0x102: {  	p3 =	slt.s32 @!p2 s0, $0x1  }
0x103: {  	p3 =	por p2, p3  }
.Ltmp8:
0x104: {  	_ = 	snop;
	(pc) =	sbr.rel @p3 .LBB3_9-.Ltmp8, $1  }
0x105: {  	_ =	sdelay $0x3  }
0x106: {  	s3 =	smulhi.u32 $0xAAAAAAAB, s2;
	_ =	sdelay $0x1  }
0x107: {  	s3 =	sshrl.u32 s3, $0x1  }
0x108: {  	s3 =	smul.u32 $0x3, s3;
	_ =	sdelay $0x1  }
0x109: {  	s29 =	ssub.s32 s2, s3  }
0x10a: {  	s4 =	simm.s32 $0x1;
	s2 =	smul.u32 $0xC0, s29  }
.Ltmp9:
0x10b: {  	s4 =	simm.s32 @!p0 $0x0;
	(pc) =	sbr.rel .LBB3_6-.Ltmp9, $4  }
0x10c: {  	s30 =	smul.u32 $0x18000, s4  }
0x10d: {  	p3 =	slt.s32 @!p2 s0, $0x30;
	s2 =	sshrl.u32 s2, $0x2  }
0x10e: {  	p2 =	por !p3, p2;
	s3 =	sshrl.u32 s30, $0x2;
	s31 =	sadd.s32 $0x10848, s2  }
0x10f: {  	s0 =	simm.s32 @p2 $0x30;
	s2 =	sor.u32 $0x10938, s3;
	s3 =	simm.s32 $0x0;
	v1 =	vmov s31  }
.LBB3_5:
0x110: {  	p2 =	sge.s32 s3, s0  }
.Ltmp10:
0x111: {  	_ = 	snop;
	(pc) =	sbr.rel @p2 .LBB3_9-.Ltmp10, $2  }
0x112: {  	_ =	sdelay $0x2  }
0x113: {  	s2 =	sadd.s32 $0x2000, s2  }
.LBB3_6:
0x114: {  	p2 =	sle.s32 s0, s3  }
.Ltmp11:
0x115: {  	_ = 	snop;
	(pc) =	sbr.rel @p2 .LBB3_5-.Ltmp11, $2  }
0x116: {  	_ =	sdelay $0x2  }
0x117: {  	s4 =	smov.u32 s3;
	s3 =	sadd.s32 $0x10, s3  }
0x118: {  	s5 =	ssub.s32 s0, s4  }
0x119: {  	p2 =	slt.s32 s5, $0x10  }
0x11a: {  	s5 =	simm.s32 @!p2 $0x10  }
0x11b: {  	v2 =	vmov s5  }
0x11c: {  	vm0 =	vgt.s32 v2, v0;
	_ =	sdelay $0x5  }
0x11d: {  	v2 =	vld.idx.msk [tilespmem:v1+s4+$0x0 ss:$0x1], vm0;
	_ =	sdelay $0x2  }
0x11e: {  	p2 =	slt.s32 s3, s0;
	s5 =	smov.u32 s0  }
0x11f: {  	s9 =	smov.u32 s2;
	s25 =	simm.s32 $0x0;
	s5 =	smov.u32 @p2 s3  }
.LBB3_8:
0x120: {  	(v2sf) =	vpush v2, s25;
	_ =	sdelay $0xe  }
0x121: {  	s25 =	sadd.s32 $0x1, s25;
	s10 =	spop (v2sf)  }
0x122: {  	s31 =	sadd.s32 s25, s4;
	s26 =	sshll.u32 s10, $0x9;
	s10 =	sshll.u32 s10, $0x7  }
0x123: {  	p2 =	slt.s32 s31, s5;
	s26 =	sand.u32 $0xFFFFF000, s26;
	s10 =	sand.u32 $0x380, s10  }
.Ltmp12:
0x124: {  	s10 =	sor.u32 s10, s26;
	(pc) =	sbr.rel @p2 .LBB3_8-.Ltmp12, $4  }
0x125: {  	s10 =	sshrl.u32 s10, $0x3  }
0x126: {  	s10 =	sadd.s32 s6, s10  }
0x127: {  	[tilespmem:s9], [sflag:$0x9] =	stream.strided.gather [hbm4b:s10+s18], $0x200, s19, s18, $0x38;
	[tilespmem:$0x1C938] =	vst v63  }
0x128: {  	s9 =	sadd.s32 $0x200, s9  }
.Ltmp13:
0x129: {  	_ = 	snop;
	(pc) =	sbr.rel .LBB3_5-.Ltmp13, $1  }
0x12a: {  	_ =	sdelay $0x3  }
.LBB3_9:
0x12b: {  	p2 =	slt.u32 s23, $0x2  }
.Ltmp14:
0x12c: {  	_ = 	snop;
	(pc) =	sbr.rel @p2 .LBB3_33-.Ltmp14, $1  }
0x12d: {  	_ =	sdelay $0x3  }
0x12e: {  	p2 =	sgt.s32 s24, $0x13FD0  }
0x12f: {  	s0 =	smov.u32 s24;
	s2 =	sshra.s32 s24, $0x1F;
	s3 =	ssub.s32 $0x14000, s24  }
0x130: {  	s0 =	simm.s32 @!p2 $0x13FD0;
	s2 =	sand.u32 s2, s24;
	p2 =	slt.s32 s3, $0x30  }
0x131: {  	s0 =	ssub.s32 s0, s2;
	s3 =	simm.s32 @!p2 $0x30  }
0x132: {  	s0 =	sadd.s32 $0xFFFEC030, s0;
	s25 =	sshll.u32 s3, $0x9  }
0x133: {  	s29 =	simm.s32 $0x9;
	s26 =	sshll.u32 s0, $0x2;
	s2 =	sand.u32 $0x3FFFFE00, s25  }
0x134: {  	p2 =	sgt.s32 s0, $0x2F;
	s28 =	ssub.s32 $0xC0, s26;
	_ =	swait.ge [sflag:s29], s2  }
0x135: {  	s2 =	ssub.s32 $0x0, s2;
	[sflag:s29] =	ssyncset.done $0x0;
	s0 =	sshrl.u32 s28, $0x2  }
0x136: {  	s30 =	simm.s32 $0xB;
	[sflag:s29] =	ssyncadd.s32 s2;
	s0 =	simm.s32 @p2 $0x0  }
0x137: {  	_ =	swait.ge [sflag:s30], s0  }
0x138: {  	s0 =	ssub.s32 $0x0, s0;
	[sflag:s30] =	ssyncset.done $0x0  }
0x139: {  	[sflag:s30] =	ssyncadd.s32 s0  }
0x13a: {  	v1 =	vld [tilespmem:$0xC808];
	_ =	sdelay $0x4  }
0x13b: {  	(v2sf) =	vpush v1, $0x0  }
0x13c: {  	(v2sf) =	vpush v1, $0x1  }
0x13d: {  	(v2sf) =	vpush v1, $0x2;
	_ =	sdelay $0x3  }
0x13e: {  	s2 =	sadd.s32 $0x30, s24  }
0x13f: {  	s3 =	ssub.s32 $0x28000, s24;
	p2 =	slt.s32 s8, s2  }
0x140: {  	s2 =	smov.u32 @p2 s8;
	p2 =	sgt.s32 s3, $0x0  }
0x141: {  	s25 =	ssub.s32 s2, s24;
	s3 =	simm.s32 @!p2 $0x0  }
0x142: {  	p2 =	slt.s32 s3, s25  }
0x143: {  	s25 =	smov.u32 @p2 s3  }
0x144: {  	s0 =	simm.s32 $0x1;
	p2 =	slt.s32 s25, $0x1  }
.Ltmp15:
0x145: {  	s0 =	simm.s32 @!p1 $0x0;
	(pc) =	sbr.rel @p2 .LBB3_14-.Ltmp15, $4  }
0x146: {  	s4 =	smul.u32 $0xC0, s0  }
0x147: {  	s2 =	spop (v2sf)  }
0x148: {  	s31 =	sshrl.u32 s4, $0x2;
	s5 =	spop (v2sf)  }
0x149: {  	s4 =	sadd.s32 $0x108D8, s31;
	s24 =	spop (v2sf)  }
0x14a: {  	s3 =	smin.u32 s25, $0x10  }
0x14b: {  	v1 =	vmov s3  }
0x14c: {  	vm1 =	vgt.u32 v1, v0  }
0x14d: {  	p3 =	sgt.s32 s25, $0x10  }
.Ltmp16:
0x14e: {  	_ = 	snop;
	(pc) =	sbr.rel @!p3 .LBB3_13-.Ltmp16, $2  }
0x14f: {  	_ =	sdelay $0x2  }
0x150: {  	s9 =	simm.s32 $0x10;
	s26 =	sadd.s32 $0xFFFFFFF0, s25;
	s3 =	smov.u32 s4;
	vm0 =	vmmov vm1;
	v1 =	vld.msk [tilespmem:s4+$0x0 ss:$0x1], vm1  }
.LBB3_12:
0x151: {  	s10 =	smin.u32 s26, $0x10;
	s9 =	sadd.s32 $0x10, s9  }
0x152: {  	v2 =	vmov s10;
	p3 =	slt.s32 s9, s25  }
0x153: {  	vm1 =	vgt.u32 v2, v0;
	_ =	sdelay $0x1  }
0x154: {  	v2 =	vshll.u32 v1, $0x6;
	v1 =	vshll.u32 v1, $0x4  }
.Ltmp17:
0x155: {  	v2 =	vand.u32 $0xFFFFFE00, v2;
	v1 =	vand.u32 $0x70, v1;
	(pc) =	sbr.rel @p3 .LBB3_12-.Ltmp17, $4  }
0x156: {  	v1 =	vor.u32 v1, v2  }
0x157: {  	[tilespmem:s3+$0x0] =	vst.msk vm0, v1;
	s3 =	sadd.s32 $0x10, s3;
	vm0 =	vmmov vm1  }
0x158: {  	v1 =	vld.msk [tilespmem:s3+$0x0 ss:$0x1], vm1  }
0x159: {  	s26 =	sadd.s32 $0xFFFFFFF0, s26  }
.LBB3_13:
0x15a: {  	_ =	sdelay $0x3  }
0x15b: {  	v2 =	vshll.u32 v1, $0x6;
	v1 =	vshll.u32 v1, $0x4  }
0x15c: {  	v2 =	vand.u32 $0xFFFFFE00, v2;
	v1 =	vand.u32 $0x70, v1  }
0x15d: {  	v1 =	vor.u32 v1, v2  }
0x15e: {  	[tilespmem:s3+$0x0] =	vst.msk vm0, v1  }
.LBB3_14:
0x15f: {  	s3 =	sand.u32 $0x1, s23  }
0x160: {  	s3 =	smul.u32 $0x30, s3  }
0x161: {  	p3 =	sne.s32 s5, $0xFFFFFFFF  }
0x162: {  	v1 =	vld.msk @!p3 [tilespmem:s3+$0x108D8], $0x1;
	_ =	sdelay $0x4  }
0x163: {  	(v2sf) =	vpush @!p3 v1, $0x0;
	_ =	sdelay $0xc  }
.Ltmp18:
0x164: {  	_ = 	snop;
	(pc) =	sbr.rel @p2 .LBB3_31-.Ltmp18, $4  }
0x165: {  	_ = 	snop  }
0x166: {  	s30 =	spop @!p3 (v2sf)  }
0x167: {  	s24 =	simm.s32 @!p3 $0x0;
	s26 =	smov.u32 s30  }
0x168: {  	[sflag:s20] =	ssyncpa.u1 $0x0;
	s30 =	smov.u32 @p3 s2;
	s26 =	smov.u32 @p3 s5  }
0x169: {  	v1 =	vld.msk [tilespmem:s4+$0x0], $0x1;
	_ =	sdelay $0x4  }
0x16a: {  	(v2sf) =	vpush v1, $0x0;
	_ =	sdelay $0xd  }
0x16b: {  	s0 =	smul.u32 $0x18000, s0  }
0x16c: {  	s13 =	smov.u32 s8;
	s8 =	smov.u32 s11;
	s5 =	spop (v2sf)  }
0x16d: {  	s2 =	ssub.s32 $0x0, s25;
	s0 =	sshrl.u32 s0, $0x2;
	p2 =	seq.s32 s30, s5  }
0x16e: {  	s29 =	simm.s32 $0x0;
	s28 =	sor.u32 $0x10938, s0;
	p3 =	sgt.s32 @!p2 s30, $0x0  }
0x16f: {  	s0 =	sadd.s32 $0x108D8, s3;
	s3 =	smov.u32 s30;
	p3 =	por !p3, p2  }
0x170: {  	s4 =	sadd.s32 $0x1, s4;
	s31 =	sadd.s32 $0x1, s2;
	s3 =	simm.s32 @p3 $0x0  }
0x171: {  	s2 =	simm.s32 @!p2 $0x1;
	s9 =	simm.s32 @!p2 $0x6608;
	s10 =	smin.u32 @!p2 s3, $0x9FE70  }
0x172: {  	p3 =	seq.s32 s31, $0x0;
	s3 =	sand.u32 @!p2 $0xFFFF8, s10;
	s11 =	sadd.s32 @!p2 $0x80, s10  }
0x173: {  	s14 =	sadd.s32 @!p2 $0x100, s10;
	s15 =	sadd.s32 @!p2 s1, s3;
	s3 =	sand.u32 @!p2 $0x7, s10  }
0x174: {  	s11 =	sand.u32 @!p2 $0x1FFFF8, s11;
	s14 =	sand.u32 @!p2 $0x1FFFF8, s14;
	s10 =	sadd.s32 @!p2 $0x180, s10  }
0x175: {  	[tilespmem:s9], [sflag:$0x2] =	stream.linear.gather @!p2 [hbm4b:s15+s3], $0x80, $0x38;
	[tilespmem:$0x1C938] =	vst v63  }
.Ltmp19:
0x176: {  	s9 =	simm.s32 @!p2 $0x6688;
	s11 =	sadd.s32 @!p2 s1, s11;
	(pc) =	sbr.rel @p3 .LBB3_17-.Ltmp19, $4  }
0x177: {  	[tilespmem:s9], [sflag:$0x2] =	stream.linear.gather @!p2 [hbm4b:s11+s3], $0x80, $0x38;
	[tilespmem:$0x1C938] =	vst v63  }
0x178: {  	s10 =	sand.u32 @!p2 $0x1FFFF8, s10;
	s9 =	simm.s32 @!p2 $0x6708;
	s11 =	sadd.s32 @!p2 s1, s14  }
0x179: {  	[tilespmem:s9], [sflag:$0x2] =	stream.linear.gather @!p2 [hbm4b:s11+s3], $0x80, $0x38;
	[tilespmem:$0x1C938] =	vst v63  }
0x17a: {  	s2 =	smov.u32 @p2 s29;
	s10 =	sadd.s32 @!p2 s1, s10;
	s9 =	simm.s32 @!p2 $0x6788  }
.LBB3_16:
0x17b: {  	s11 =	smov.u32 s2  }
0x17c: {  	[tilespmem:s9], [sflag:$0x2] =	stream.linear.gather @!p2 [hbm4b:s10+s3], $0x80, $0x38;
	[tilespmem:$0x1C938] =	vst v63  }
0x17d: {  	s31 =	sadd.s32 $0x1, s31;
	s3 =	smov.u32 s5  }
0x17e: {  	p3 =	seq.s32 s31, $0x0;
	v1 =	vld.msk [tilespmem:s4+$0x0], $0x1;
	_ =	sdelay $0x4  }
0x17f: {  	(v2sf) =	vpush v1, $0x0;
	_ =	sdelay $0xe  }
0x180: {  	s5 =	spop (v2sf)  }
0x181: {  	p2 =	seq.s32 s3, s5  }
0x182: {  	p4 =	sgt.s32 @!p2 s3, $0x0  }
0x183: {  	s9 =	sshll.u32 @!p2 s2, $0xB;
	s2 =	sadd.s32 @!p2 $0x1, s2;
	p4 =	por !p4, p2  }
0x184: {  	s9 =	sshra.s32 @!p2 s9, $0x2;
	s2 =	smov.u32 @p2 s11;
	s3 =	simm.s32 @p4 $0x0  }
0x185: {  	s10 =	sadd.s32 @!p2 $0x6608, s9;
	s11 =	sadd.s32 @!p2 $0x6688, s9;
	s14 =	smin.u32 @!p2 s3, $0x9FE70  }
0x186: {  	s15 =	sadd.s32 @!p2 $0x6708, s9;
	s9 =	sadd.s32 @!p2 $0x6788, s9;
	s3 =	sand.u32 @!p2 $0xFFFF8, s14  }
0x187: {  	s17 =	sadd.s32 @!p2 $0x80, s14;
	s7 =	sadd.s32 @!p2 $0x100, s14;
	s20 =	sadd.s32 @!p2 s1, s3  }
0x188: {  	s3 =	sand.u32 @!p2 $0x7, s14;
	s17 =	sand.u32 @!p2 $0x1FFFF8, s17;
	s7 =	sand.u32 @!p2 $0x1FFFF8, s7  }
0x189: {  	[tilespmem:s10], [sflag:$0x2] =	stream.linear.gather @!p2 [hbm4b:s20+s3], $0x80, $0x38;
	[tilespmem:$0x1C938] =	vst v63  }
.Ltmp20:
0x18a: {  	s14 =	sadd.s32 @!p2 $0x180, s14;
	s10 =	sadd.s32 @!p2 s1, s17;
	(pc) =	sbr.rel @!p3 .LBB3_16-.Ltmp20, $4  }
0x18b: {  	[tilespmem:s11], [sflag:$0x2] =	stream.linear.gather @!p2 [hbm4b:s10+s3], $0x80, $0x38;
	[tilespmem:$0x1C938] =	vst v63  }
0x18c: {  	s7 =	sadd.s32 @!p2 s1, s7;
	s10 =	sand.u32 @!p2 $0x1FFFF8, s14  }
0x18d: {  	[tilespmem:s15], [sflag:$0x2] =	stream.linear.gather @!p2 [hbm4b:s7+s3], $0x80, $0x38;
	[tilespmem:$0x1C938] =	vst v63  }
0x18e: {  	s4 =	sadd.s32 $0x1, s4;
	s10 =	sadd.s32 @!p2 s1, s10  }
.LBB3_17:
0x18f: {  	[tilespmem:s9], [sflag:$0x2] =	stream.linear.gather @!p2 [hbm4b:s10+s3], $0x80, $0x38;
	[tilespmem:$0x1C938] =	vst v63  }
0x190: {  	s2 =	sshll.u32 s2, $0x9  }
0x191: {  	s31 =	simm.s32 $0x2;
	s2 =	sand.u32 $0x3FFFFE00, s2  }
.Ltmp21:
0x192: {  	_ =	swait.ge [sflag:s31], s2;
	(pc) =	sbr.rel .LBB3_18-.Ltmp21, $4  }
0x193: {  	s11 =	smov.u32 s8;
	s8 =	smov.u32 s13;
	s13 =	rddreg [dreg:$0x5]  }
0x194: {  	v1 =	vmov s0;
	s0 =	simm.s32 $0x0;
	s4 =	simm.s32 $0x0;
	s14 =	rddreg [dreg:$0x6]  }
0x195: {  	s2 =	ssub.s32 $0x0, s2;
	[sflag:s31] =	ssyncset.done $0x0;
	s15 =	rddreg [dreg:$0x7]  }
0x196: {  	s20 =	simm.s32 $0xC;
	s17 =	rddreg [dreg:$0x8];
	[sflag:s31] =	ssyncadd.s32 s2  }
.LBB3_28:
0x197: {  	[tilespmem:s2+$0x0] =	vst v2;
	s29 =	sadd.s32 $0x1, s29  }
.LBB3_29:
0x198: {  	s4 =	sadd.s32 $0x1, s4  }
0x199: {  	p2 =	sne.s32 s4, s25  }
.Ltmp22:
0x19a: {  	_ = 	snop;
	(pc) =	sbr.rel @!p2 .LBB3_30-.Ltmp22, $2  }
0x19b: {  	_ =	sdelay $0x2  }
0x19c: {  	s28 =	sadd.s32 $0x200, s28;
	s30 =	smov.u32 s31  }
.LBB3_18:
0x19d: {  	_ =	sdelay $0x3  }
0x19e: {  	v2 =	vld.idx.msk [tilespmem:v1+s4+$0x0 ss:$0x1], $0x1;
	_ =	sdelay $0x4  }
0x19f: {  	(v2sf) =	vpush v2, $0x0;
	_ =	sdelay $0xe  }
0x1a0: {  	s31 =	spop (v2sf)  }
0x1a1: {  	p2 =	sne.s32 s30, s31  }
.Ltmp23:
0x1a2: {  	_ = 	snop;
	(pc) =	sbr.rel @p2 .LBB3_22-.Ltmp23, $3  }
0x1a3: {  	_ =	sdelay $0x1  }
0x1a4: {  	s2 =	sshll.u32 s24, $0xB  }
0x1a5: {  	s2 =	sshra.s32 s2, $0x2  }
0x1a6: {  	s2 =	sadd.s32 $0x408, s2;
	s3 =	simm.s32 $0x0;
	v2 =	vld [tilespmem:s28+$0x0];
	s5 =	smov.u32 s28  }
.LBB3_20:
0x1a7: {  	s3 =	sadd.s32 $0x10, s3  }
0x1a8: {  	p2 =	slt.u32 s3, $0x1F0  }
.Ltmp24:
0x1a9: {  	_ = 	snop;
	(pc) =	sbr.rel @p2 .LBB3_20-.Ltmp24, $3  }
0x1aa: {  	_ =	sdelay $0x1  }
0x1ab: {  	s5 =	sadd.s32 $0x10, s5;
	[tilespmem:s2+$0x0] =	vst.add.f32.msk $0xffff, v2;
	s2 =	sadd.s32 $0x10, s2  }
0x1ac: {  	v2 =	vld [tilespmem:s5+$0x0]  }
.Ltmp25:
0x1ad: {  	_ = 	snop;
	(pc) =	sbr.rel .LBB3_29-.Ltmp25, $2  }
0x1ae: {  	_ =	sdelay $0x2  }
0x1af: {  	[tilespmem:s2+$0x0] =	vst.add.f32.msk $0xffff, v2  }
.LBB3_22:
0x1b0: {  	p2 =	seq.s32 s30, s26  }
.Ltmp26:
0x1b1: {  	_ = 	snop;
	(pc) =	sbr.rel @!p2 .LBB3_23-.Ltmp26, $1  }
0x1b2: {  	_ =	sdelay $0x3  }
.Ltmp27:
0x1b3: {  	s2 =	sadd.s32 $0x408, s2;
	(pc) =	sbr.rel .LBB3_26-.Ltmp27, $4  }
0x1b4: {  	[spmem:s16] =	stream.linear.scatter [tilespmem:s2], [sflag:$0x1], $0x200, $0x38;
	[tilespmem:$0x1C938] =	vst v63  }
0x1b5: {  	_ =	swait.ge [sflag:s12], $0x200  }
0x1b6: {  	[sflag:s12] =	ssyncset.done $0x0  }
0x1b7: {  	[sflag:s12] =	ssyncadd.s32 $0xFFFFFE00  }
.LBB3_23:
0x1b8: {  	s3 =	sshll.u32 s29, $0xB  }
0x1b9: {  	s3 =	sshra.s32 s3, $0x2  }
0x1ba: {  	s5 =	sadd.s32 $0x6608, s3;
	s3 =	sadd.s32 $0x408, s2  }
0x1bb: {  	s10 =	simm.s32 $0x0;
	v2 =	vld [tilespmem:s5+$0x0];
	s9 =	smov.u32 s3  }
.LBB3_24:
0x1bc: {  	s10 =	sadd.s32 $0x10, s10  }
0x1bd: {  	p2 =	slt.u32 s10, $0x1F0  }
.Ltmp28:
0x1be: {  	_ = 	snop;
	(pc) =	sbr.rel @p2 .LBB3_24-.Ltmp28, $3  }
0x1bf: {  	_ =	sdelay $0x1  }
0x1c0: {  	s5 =	sadd.s32 $0x10, s5;
	[tilespmem:s9+$0x0] =	vst.add.f32.msk $0xffff, v2;
	s9 =	sadd.s32 $0x10, s9  }
0x1c1: {  	v2 =	vld [tilespmem:s5+$0x0]  }
0x1c2: {  	_ =	sdelay $0x1  }
0x1c3: {  	p2 =	sgt.u32 s30, $0x9FE70  }
0x1c4: {  	s5 =	sand.u32 @!p2 $0xFFFF8, s30  }
0x1c5: {  	s7 =	sand.u32 @!p2 $0x7, s30;
	s5 =	sadd.s32 @!p2 s1, s5;
	[tilespmem:s9+$0x0] =	vst.add.f32.msk $0xffff, v2  }
0x1c6: {  	[hbm4b:s5+s7] =	stream.linear.scatter @!p2 [tilespmem:s3], [sflag:$0xC], $0x80, $0x38;
	[tilespmem:$0x1C938] =	vst v63  }
0x1c7: {  	s3 =	sadd.s32 @!p2 $0x80, s30  }
0x1c8: {  	s3 =	sand.u32 @!p2 $0x1FFFF8, s3  }
0x1c9: {  	s5 =	sadd.s32 @!p2 $0x488, s2;
	s3 =	sadd.s32 @!p2 s1, s3  }
0x1ca: {  	[hbm4b:s3+s7] =	stream.linear.scatter @!p2 [tilespmem:s5], [sflag:$0xC], $0x80, $0x38;
	[tilespmem:$0x1C938] =	vst v63  }
0x1cb: {  	s3 =	sadd.s32 @!p2 $0x100, s30  }
0x1cc: {  	s3 =	sand.u32 @!p2 $0x1FFFF8, s3  }
0x1cd: {  	s5 =	sadd.s32 @!p2 $0x508, s2;
	s3 =	sadd.s32 @!p2 s1, s3  }
0x1ce: {  	[hbm4b:s3+s7] =	stream.linear.scatter @!p2 [tilespmem:s5], [sflag:$0xC], $0x80, $0x38;
	[tilespmem:$0x1C938] =	vst v63  }
0x1cf: {  	s3 =	sadd.s32 @!p2 $0x180, s30;
	s5 =	simm.s32 $0x0  }
0x1d0: {  	s3 =	sand.u32 @!p2 $0x1FFFF8, s3;
	s5 =	simm.s32 @!p2 $0x800  }
0x1d1: {  	s2 =	sadd.s32 @!p2 $0x588, s2;
	s3 =	sadd.s32 @!p2 s1, s3;
	s0 =	sadd.s32 s5, s0  }
0x1d2: {  	[hbm4b:s3+s7] =	stream.linear.scatter @!p2 [tilespmem:s2], [sflag:$0xC], $0x80, $0x38;
	[tilespmem:$0x1C938] =	vst v63  }
.LBB3_26:
0x1d3: {  	s2 =	sadd.s32 $0x1, s24  }
0x1d4: {  	s3 =	smulhi.u32 $0xAAAAAAAB, s2;
	_ =	sdelay $0x1  }
0x1d5: {  	s3 =	sshrl.u32 s3, $0x5  }
0x1d6: {  	s3 =	smul.u32 $0x30, s3;
	_ =	sdelay $0x1  }
0x1d7: {  	s24 =	ssub.s32 s2, s3  }
0x1d8: {  	s2 =	sshll.u32 s24, $0x9  }
0x1d9: {  	v2 =	vld [tilespmem:s28+$0x0];
	s5 =	smov.u32 s28;
	s3 =	simm.s32 $0x0;
	s2 =	sadd.s32 $0x408, s2  }
.LBB3_27:
0x1da: {  	s3 =	sadd.s32 $0x10, s3  }
0x1db: {  	p2 =	slt.u32 s3, $0x1F0  }
.Ltmp29:
0x1dc: {  	_ = 	snop;
	(pc) =	sbr.rel @p2 .LBB3_27-.Ltmp29, $3  }
0x1dd: {  	_ =	sdelay $0x1  }
0x1de: {  	[tilespmem:s2+$0x0] =	vst v2;
	s2 =	sadd.s32 $0x10, s2;
	s5 =	sadd.s32 $0x10, s5  }
0x1df: {  	v2 =	vld [tilespmem:s5+$0x0]  }
.Ltmp30:
0x1e0: {  	_ = 	snop;
	(pc) =	sbr.rel .LBB3_28-.Ltmp30, $1  }
0x1e1: {  	_ =	sdelay $0x3  }
.LBB3_31:
.Ltmp31:
0x1e2: {  	(pc) =	sbr.rel .LBB3_32-.Ltmp31, $4  }
0x1e3: {  	_ = 	snop  }
0x1e4: {  	s0 =	simm.s32 $0x2  }
0x1e5: {  	_ =	swait.ge [sflag:s0], $0x0  }
0x1e6: {  	s31 =	smov.u32 s30;
	[sflag:s0] =	ssyncset.done $0x0;
	s0 =	simm.s32 $0x0  }
.LBB3_34:
0x1e7: {  	_ =	sfence.sel $0x180000  }
0x1e8: {  	s0 =	simm.s32 $0x9;
	[bflag:$0x0] =	sbarrier.arrive $0xFFFF  }
0x1e9: {  	s24 =	simm.s32 $0xA;
	[sflag:s0] =	ssyncpa.u1 $0x1  }
0x1ea: {  	s25 =	simm.s32 $0xB;
	[sflag:s24] =	ssyncpa.u1 $0x1  }
0x1eb: {  	s26 =	simm.s32 $0x2;
	[sflag:s25] =	ssyncpa.u1 $0x1  }
0x1ec: {  	[sflag:s26] =	ssyncpa.u1 $0x1  }
0x1ed: {  	v0 =	vld [tilespmem:$0xC808];
	_ =	sdelay $0x4  }
0x1ee: {  	(v2sf) =	vpush v0, $0x0  }
0x1ef: {  	(v2sf) =	vpush v0, $0x1;
	_ =	sdelay $0x1  }
0x1f0: {  	(v2sf) =	vpush v0, $0x2;
	_ =	sdelay $0xb  }
0x1f1: {  	s0 =	spop (v2sf)  }
0x1f2: {  	s2 =	spop (v2sf)  }
0x1f3: {  	s3 =	smov.u32 s0;
	p0 =	sne.s32 s0, s2  }
0x1f4: {  	s4 =	spop (v2sf);
	s3 =	simm.s32 @!p0 $0xFFFFFFFF  }
0x1f5: {  	v2 =	vimm.s32 $0x1;
	v3 =	vlaneseq.u32;
	p0 =	seq.s32 s4, $0xFFFFFFFF;
	v1 =	vmov s3  }
0x1f6: {  	s17 =	stileid.u32;
	v0 =	vperm.xlane v0, v2;
	p1 =	sne.s32 @!p0 s0, s2;
	v1 =	vperm.xlane v1, v3  }
0x1f7: {  	vm0 =	vcmask $0x3F04;
	s6 =	simm.s32 $0xC808;
	s0 =	simm.s32 @!p0 $0x1;
	p1 =	por !p1, p0  }
0x1f8: {  	s3 =	sshll.u32 s17, $0x1;
	s2 =	sshll.u32 @!p0 s4, $0xB;
	s0 =	simm.s32 @p1 $0x0;
	v0 =	vsel vm0, v1, v0  }
0x1f9: {  	s5 =	sor.u32 $0x4000, s3;
	s2 =	sshra.s32 @!p0 s2, $0x2;
	s0 =	sor.u32 @!p0 s0, s3;
	[tilespmem:$0xC808] =	vst v0  }
0x1fa: {  	[spmem:s5] =	stream.linear.scatter [tilespmem:s6], [sflag:$0x1], $0x2, $0x38;
	[tilespmem:$0x1C938] =	vst v63  }
0x1fb: {  	s2 =	sadd.s32 @!p0 $0x408, s2;
	s0 =	sshll.u32 @!p0 s0, $0x9  }
0x1fc: {  	[spmem:s0] =	stream.linear.scatter @!p0 [tilespmem:s2], [sflag:$0x1], $0x200, $0x38;
	[tilespmem:$0x1C938] =	vst v63  }
0x1fd: {  	s0 =	simm.s32 @!p0 $0x202  }
0x1fe: {  	s28 =	simm.s32 $0x1;
	s0 =	simm.s32 @p0 $0x2  }
0x1ff: {  	_ =	swait.ge [sflag:s28], s0  }
0x200: {  	s0 =	ssub.s32 $0x0, s0;
	[sflag:s28] =	ssyncset.done $0x0  }
0x201: {  	p0 =	sne.s32 s17, $0x0;
	[sflag:s28] =	ssyncadd.s32 s0  }
.Ltmp32:
0x202: {  	_ =	sfence.stream.spmem;
	(pc) =	sbr.rel @p0 .LBB3_59-.Ltmp32, $4  }
0x203: {  	s29 =	simm.s32 $0x3;
	[bflag:$0x0] =	sbarrier.arrive $0xFFFF  }
0x204: {  	s30 =	simm.s32 $0x4;
	[sflag:s29] =	ssyncpa.u1 $0x1  }
0x205: {  	s31 =	simm.s32 $0x3C;
	[sflag:s30] =	ssyncpa.u1 $0x1  }
0x206: {  	s16 =	rddreg [dreg:$0x4];
	[sflag:s31] =	ssyncpa.u1 $0x1  }
0x207: {  	_ =	sfence.stream.spmem;
	s0 =	simm.s32 $0x5  }
0x208: {  	s2 =	simm.s32 $0x4000;
	s3 =	simm.s32 $0xC818;
	[sflag:s0] =	ssyncpa.u1 $0x0  }
0x209: {  	[tilespmem:s3], [sflag:$0x5] =	stream.linear.gather [spmem:s2], $0x20, $0x38;
	[tilespmem:$0x1C938] =	vst v63  }
0x20a: {  	s26 =	simm.s32 $0x0;
	s28 =	simm.s32 $0xC838  }
0x20b: {  	[tilespmem:s28], [sflag:$0x5] =	stream.linear.gather [spmem:s26], $0x4000, $0x38;
	[tilespmem:$0x1C938] =	vst v63  }
0x20c: {  	_ =	swait.ge [sflag:s0], $0x4020  }
0x20d: {  	[sflag:s0] =	ssyncset.done $0x0  }
0x20e: {  	s29 =	simm.s32 $0x0;
	[sflag:s0] =	ssyncadd.s32 $0xFFFFBFE0  }
0x20f: {  	v0 =	vld.msk [tilespmem:s29+$0xC818], $0x1;
	_ =	sdelay $0x1  }
0x210: {  	s30 =	simm.s32 $0x1  }
0x211: {  	v1 =	vld.msk [tilespmem:s30+$0xC818], $0x1;
	_ =	sdelay $0x1  }
0x212: {  	(v2sf) =	vpush v0, $0x0;
	_ =	sdelay $0x2  }
0x213: {  	(v2sf) =	vpush v1, $0x0;
	_ =	sdelay $0x2  }
0x214: {  	s31 =	simm.s32 $0x2  }
0x215: {  	v0 =	vld.msk [tilespmem:s31+$0xC818], $0x1;
	_ =	sdelay $0x2  }
0x216: {  	s2 =	simm.s32 $0xFFFFFFFF;
	s3 =	simm.s32 $0xFFFFFFFF;
	s0 =	simm.s32 $0xC  }
.LBB3_36:
0x217: {  	s4 =	smov.u32 s3;
	s5 =	smov.u32 s2  }
0x218: {  	s2 =	sshra.s32 s0, $0x2;
	p1 =	sne.s32 s0, $0x7C;
	s0 =	sadd.s32 $0x4, s0;
	(v2sf) =	vpush v0, $0x0  }
0x219: {  	v0 =	vld.msk [tilespmem:s2+$0xC818], $0x1  }
.Ltmp33:
0x21a: {  	(pc) =	sbr.rel @p1 .LBB3_36-.Ltmp33, $4  }
0x21b: {  	s3 =	spop (v2sf)  }
0x21c: {  	p2 =	sne.s32 s5, $0xFFFFFFFF;
	s2 =	smov.u32 s3  }
0x21d: {  	p3 =	seq.s32 s3, $0xFFFFFFFF;
	s2 =	smov.u32 @p2 s5  }
0x21e: {  	s3 =	smov.u32 @p3 s4;
	s2 =	smov.u32 @p3 s5  }
0x21f: {  	(v2sf) =	vpush v0, $0x0;
	_ =	sdelay $0x8  }
0x220: {  	s0 =	spop (v2sf);
	p1 =	sne.s32 s2, $0xFFFFFFFF;
	s9 =	simm.s32 $0x6  }
0x221: {  	s6 =	simm.s32 $0x0;
	s10 =	simm.s32 $0xC838;
	s4 =	smov.u32 s0  }
0x222: {  	s11 =	simm.s32 $0xC688;
	p2 =	seq.s32 s0, $0xFFFFFFFF;
	s4 =	smov.u32 @p1 s2  }
0x223: {  	s12 =	simm.s32 $0xC708;
	s4 =	smov.u32 @p2 s2;
	s2 =	spop (v2sf)  }
0x224: {  	s0 =	smov.u32 @p2 s3;
	p1 =	sne.s32 s4, $0xFFFFFFFF;
	s5 =	smov.u32 s2  }
.Ltmp34:
0x225: {  	p2 =	seq.s32 s2, $0xFFFFFFFF;
	s5 =	smov.u32 @p1 s4;
	(pc) =	sbr.rel .LBB3_38-.Ltmp34, $4  }
0x226: {  	s13 =	simm.s32 $0xC788;
	s5 =	smov.u32 @p2 s4;
	s7 =	spop (v2sf)  }
0x227: {  	s14 =	simm.s32 $0x0;
	p1 =	sne.s32 s5, $0xFFFFFFFF;
	s8 =	smov.u32 s7  }
0x228: {  	s2 =	smov.u32 @p2 s0;
	p2 =	seq.s32 s7, $0xFFFFFFFF;
	s8 =	smov.u32 @p1 s5  }
0x229: {  	[sflag:s9] =	ssyncpa.u1 $0x0;
	s7 =	smov.u32 @p2 s2;
	s8 =	smov.u32 @p2 s5  }
.LBB3_53:
0x22a: {  	s14 =	sadd.s32 $0x1, s14  }
0x22b: {  	p1 =	sne.s32 s14, $0x20  }
.Ltmp35:
0x22c: {  	_ = 	snop;
	(pc) =	sbr.rel @!p1 .LBB3_54-.Ltmp35, $2  }
0x22d: {  	_ =	sdelay $0x2  }
0x22e: {  	s10 =	sadd.s32 $0x200, s10  }
.LBB3_38:
0x22f: {  	v0 =	vld.msk [tilespmem:s14+$0xC818], $0x1;
	_ =	sdelay $0x4  }
0x230: {  	(v2sf) =	vpush v0, $0x0;
	_ =	sdelay $0xe  }
0x231: {  	s0 =	spop (v2sf)  }
0x232: {  	p1 =	seq.s32 s0, $0xFFFFFFFF  }
.Ltmp36:
0x233: {  	_ = 	snop;
	(pc) =	sbr.rel @p1 .LBB3_53-.Ltmp36, $1  }
0x234: {  	_ =	sdelay $0x3  }
0x235: {  	p1 =	slt.s32 s6, $0x1  }
.Ltmp37:
0x236: {  	_ = 	snop;
	(pc) =	sbr.rel @p1 .LBB3_46-.Ltmp37, $1  }
0x237: {  	_ =	sdelay $0x3  }
0x238: {  	s2 =	simm.s32 $0xC818;
	p1 =	por $0x0, $0x0  }
0x239: {  	v1 =	vld.msk @!p1 [tilespmem:s2+$0x0], $0x1;
	_ =	sdelay $0x4  }
0x23a: {  	(v2sf) =	vpush @!p1 v1, $0x0;
	_ =	sdelay $0xd  }
0x23b: {  	p3 =	sne.s32 s6, $0x1  }
.Ltmp38:
0x23c: {  	s3 =	spop @!p1 (v2sf);
	(pc) =	sbr.rel @!p3 .LBB3_42-.Ltmp38, $4  }
0x23d: {  	p2 =	seq.s32 @!p1 s0, s3  }
0x23e: {  	s4 =	simm.s32 $0x0;
	p2 =	por !p2, p1  }
0x23f: {  	s3 =	simm.s32 $0xFFFFFFFF;
	s4 =	simm.s32 @p2 $0xFFFFFFFF  }
0x240: {  	s5 =	simm.s32 $0x1;
	s4 =	smov.u32 @p1 s3  }
.LBB3_41:
0x241: {  	s3 =	smov.u32 s4;
	p1 =	sne.s32 s4, $0xFFFFFFFF  }
0x242: {  	s2 =	sadd.s32 $0x1, s2;
	s4 =	smov.u32 s5;
	s5 =	sadd.s32 $0x1, s5  }
0x243: {  	p2 =	sne.s32 s6, s5;
	v1 =	vld.msk @!p1 [tilespmem:s2+$0x0], $0x1;
	_ =	sdelay $0x4  }
0x244: {  	(v2sf) =	vpush @!p1 v1, $0x0;
	_ =	sdelay $0xe  }
.Ltmp39:
0x245: {  	s15 =	spop @!p1 (v2sf);
	(pc) =	sbr.rel @p2 .LBB3_41-.Ltmp39, $4  }
0x246: {  	p3 =	seq.s32 @!p1 s0, s15  }
0x247: {  	p3 =	por !p3, p1  }
0x248: {  	s4 =	simm.s32 @p3 $0xFFFFFFFF  }
0x249: {  	s4 =	smov.u32 @p1 s3  }
.LBB3_42:
0x24a: {  	p1 =	seq.s32 s4, $0xFFFFFFFF  }
.Ltmp40:
0x24b: {  	_ = 	snop;
	(pc) =	sbr.rel @p1 .LBB3_46-.Ltmp40, $1  }
0x24c: {  	_ =	sdelay $0x3  }
0x24d: {  	s0 =	sshll.u32 s4, $0xB  }
0x24e: {  	s0 =	sshra.s32 s0, $0x2  }
0x24f: {  	s2 =	simm.s32 $0x0;
	v0 =	vld [tilespmem:s10+$0x0];
	s3 =	smov.u32 s10;
	s0 =	sadd.s32 $0xC838, s0  }
.LBB3_44:
0x250: {  	s2 =	sadd.s32 $0x10, s2  }
0x251: {  	p1 =	slt.u32 s2, $0x1F0  }
.Ltmp41:
0x252: {  	_ = 	snop;
	(pc) =	sbr.rel @p1 .LBB3_44-.Ltmp41, $3  }
0x253: {  	_ =	sdelay $0x1  }
0x254: {  	s3 =	sadd.s32 $0x10, s3;
	[tilespmem:s0+$0x0] =	vst.add.f32.msk $0xffff, v0;
	s0 =	sadd.s32 $0x10, s0  }
0x255: {  	v0 =	vld [tilespmem:s3+$0x0]  }
.Ltmp42:
0x256: {  	_ = 	snop;
	(pc) =	sbr.rel .LBB3_53-.Ltmp42, $2  }
0x257: {  	_ =	sdelay $0x2  }
0x258: {  	[tilespmem:s0+$0x0] =	vst.add.f32.msk $0xffff, v0  }
.LBB3_46:
0x259: {  	p1 =	sgt.u32 s0, $0x9FE70  }
0x25a: {  	p2 =	seq.s32 @!p1 s0, s8  }
0x25b: {  	p1 =	por p1, p2  }
0x25c: {  	p2 =	seq.s32 @!p1 s0, s7  }
0x25d: {  	p1 =	por p1, p2  }
.Ltmp43:
0x25e: {  	_ = 	snop;
	(pc) =	sbr.rel @p1 .LBB3_50-.Ltmp43, $1  }
0x25f: {  	_ =	sdelay $0x3  }
0x260: {  	s2 =	sand.u32 $0xFFFF8, s0;
	s4 =	sand.u32 $0x7, s0  }
0x261: {  	s29 =	sadd.s32 $0x80, s0;
	s3 =	sadd.s32 s1, s2;
	s2 =	simm.s32 $0xC608  }
0x262: {  	[tilespmem:s2], [sflag:$0x6] =	stream.linear.gather [hbm4b:s3+s4], $0x80, $0x38;
	[tilespmem:$0x1C938] =	vst v63  }
0x263: {  	s3 =	sand.u32 $0x1FFFF8, s29  }
0x264: {  	s30 =	sadd.s32 $0x100, s0;
	s3 =	sadd.s32 s1, s3  }
0x265: {  	[tilespmem:s11], [sflag:$0x6] =	stream.linear.gather [hbm4b:s3+s4], $0x80, $0x38;
	[tilespmem:$0x1C938] =	vst v63  }
0x266: {  	s31 =	sadd.s32 $0x180, s0;
	s3 =	sand.u32 $0x1FFFF8, s30  }
0x267: {  	s0 =	sand.u32 $0x1FFFF8, s31;
	s3 =	sadd.s32 s1, s3  }
0x268: {  	[tilespmem:s12], [sflag:$0x6] =	stream.linear.gather [hbm4b:s3+s4], $0x80, $0x38;
	[tilespmem:$0x1C938] =	vst v63  }
0x269: {  	s0 =	sadd.s32 s1, s0  }
0x26a: {  	[tilespmem:s13], [sflag:$0x6] =	stream.linear.gather [hbm4b:s0+s4], $0x80, $0x38;
	[tilespmem:$0x1C938] =	vst v63  }
0x26b: {  	_ =	swait.ge [sflag:s9], $0x200  }
0x26c: {  	[sflag:s9] =	ssyncset.done $0x0  }
0x26d: {  	[sflag:s9] =	ssyncadd.s32 $0xFFFFFE00  }
0x26e: {  	s3 =	smov.u32 s10;
	s0 =	simm.s32 $0x0;
	v1 =	vld [tilespmem:s2+$0x0]  }
.LBB3_48:
0x26f: {  	s0 =	sadd.s32 $0x10, s0  }
0x270: {  	p1 =	slt.u32 s0, $0x1F0  }
.Ltmp44:
0x271: {  	_ = 	snop;
	(pc) =	sbr.rel @p1 .LBB3_48-.Ltmp44, $3  }
0x272: {  	_ =	sdelay $0x1  }
0x273: {  	s2 =	sadd.s32 $0x10, s2;
	[tilespmem:s3+$0x0] =	vst.add.f32.msk $0xffff, v1;
	s3 =	sadd.s32 $0x10, s3  }
0x274: {  	v1 =	vld [tilespmem:s2+$0x0]  }
0x275: {  	_ =	sdelay $0x3  }
0x276: {  	[tilespmem:s3+$0x0] =	vst.add.f32.msk $0xffff, v1  }
.LBB3_50:
0x277: {  	s0 =	sshll.u32 s6, $0xB  }
0x278: {  	[tilespmem:s6+$0xC818] =	vst.msk $0x1, v0;
	s0 =	sshra.s32 s0, $0x2  }
0x279: {  	s2 =	simm.s32 $0x0;
	s3 =	smov.u32 s10;
	v0 =	vld [tilespmem:s10+$0x0];
	s0 =	sadd.s32 $0xC838, s0  }
.LBB3_51:
0x27a: {  	s2 =	sadd.s32 $0x10, s2  }
0x27b: {  	p1 =	slt.u32 s2, $0x1F0  }
.Ltmp45:
0x27c: {  	_ = 	snop;
	(pc) =	sbr.rel @p1 .LBB3_51-.Ltmp45, $3  }
0x27d: {  	_ =	sdelay $0x1  }
0x27e: {  	s3 =	sadd.s32 $0x10, s3;
	[tilespmem:s0+$0x0] =	vst v0;
	s0 =	sadd.s32 $0x10, s0  }
0x27f: {  	v0 =	vld [tilespmem:s3+$0x0]  }
.Ltmp46:
0x280: {  	_ = 	snop;
	(pc) =	sbr.rel .LBB3_53-.Ltmp46, $2  }
0x281: {  	_ =	sdelay $0x2  }
0x282: {  	s6 =	sadd.s32 $0x1, s6;
	[tilespmem:s0+$0x0] =	vst v0  }
.LBB3_54:
0x283: {  	s0 =	simm.s32 $0x6;
	p1 =	seq.s32 s6, $0x0  }
0x284: {  	[sflag:s0] =	ssyncpa.u1 $0x1;
	v0 =	vimm.s32 @p1 $0xFFFFFFFF  }
0x285: {  	s0 =	sadd.s32 $0xFFFFFFFF, s6;
	[tilespmem:$0x10838] =	vst @p1 v0  }
0x286: {  	v0 =	vld.msk @!p1 [tilespmem:s0+$0xC818], $0x1;
	_ =	sdelay $0x1  }
0x287: {  	v1 =	vld.msk @!p1 [tilespmem:$0xC818], $0x1;
	_ =	sdelay $0x2  }
0x288: {  	p2 =	seq.s32 @!p1 s0, $0x0;
	v0 =	vbroadcast @!p1 v0, $0x0  }
0x289: {  	vm0 =	vmmov @!p1 $0x1;
	p2 =	por !p2, p1  }
0x28a: {  	v1 =	vnsel @!p1 vm0, $0xFFFFFFFF, v1;
	vm0 =	vcmask @!p1 $0x308;
	v0 =	vpsel !p2, $0xFFFFFFFF, v0  }
0x28b: {  	p2 =	sne.s32 @!p1 s8, s7;
	v0 =	vsel @!p1 vm0, v1, v0  }
0x28c: {  	s2 =	simm.s32 @!p1 $0xC838;
	s3 =	simm.s32 @!p1 $0x0;
	p3 =	por !p2, p1;
	[tilespmem:$0x10838] =	vst @!p1 v0  }
0x28d: {  	[spmem:s3] =	stream.linear.scatter @!p1 [tilespmem:s2], [sflag:$0x1], $0x200, $0x38;
	[tilespmem:$0x1C938] =	vst v63  }
0x28e: {  	s2 =	sshll.u32 @!p3 s0, $0xB  }
0x28f: {  	s2 =	sshra.s32 @!p3 s2, $0x2  }
0x290: {  	s3 =	simm.s32 @!p3 $0x200;
	s2 =	sadd.s32 @!p3 $0xC838, s2  }
0x291: {  	[spmem:s3] =	stream.linear.scatter @!p3 [tilespmem:s2], [sflag:$0x1], $0x200, $0x38;
	[tilespmem:$0x1C938] =	vst v63  }
0x292: {  	s2 =	simm.s32 @!p3 $0x1  }
0x293: {  	_ =	swait.ge @!p3 [sflag:s2], $0x400  }
0x294: {  	p1 =	por p2, p1;
	[sflag:s2] =	ssyncset.done @!p3 $0x0  }
0x295: {  	[sflag:s2] =	ssyncadd.s32 @!p3 $0xFFFFFC00;
	s2 =	simm.s32 @!p1 $0x1  }
0x296: {  	_ =	swait.ge @!p1 [sflag:s2], $0x200  }
0x297: {  	s29 =	simm.s32 $0x10838;
	[sflag:s2] =	ssyncset.done @!p1 $0x0  }
0x298: {  	s30 =	simm.s32 $0x4000;
	s31 =	simm.s32 $0x1;
	[sflag:s2] =	ssyncadd.s32 @!p1 $0xFFFFFE00  }
0x299: {  	[spmem:s30] =	stream.linear.scatter [tilespmem:s29], [sflag:$0x1], $0x10, $0x38;
	[tilespmem:$0x1C938] =	vst v63  }
0x29a: {  	_ =	swait.ge [sflag:s31], $0x10  }
0x29b: {  	[sflag:s31] =	ssyncset.done $0x0  }
0x29c: {  	p1 =	seq.s32 s16, $0x0;
	s9 =	rddreg [dreg:$0x1];
	[sflag:s31] =	ssyncadd.s32 $0xFFFFFFF0  }
0x29d: {  	s3 =	sshll.u32 @p1 s9, $0xE;
	s8 =	rddreg [dreg:$0x2]  }
0x29e: {  	s2 =	sadd.s32 @p1 $0x15C3C, s3;
	s3 =	sshll.u32 @p1 s8, $0x11  }
0x29f: {  	_ =	sfence.stream.spmem;
	s2 =	sor.u32 @p1 s3, s2  }
0x2a0: {  	[sflag:s2] =	ssyncadd.remote.s32 @p1 $0x1;
	s2 =	simm.s32 @p1 $0x4  }
0x2a1: {  	s4 =	simm.s32 @!p1 $0x3C;
	s3 =	sand.u32 $0xFFFFFFFE, s9;
	_ =	swait.ge @p1 [sflag:s2], $0x82  }
0x2a2: {  	s5 =	simm.s32 @!p1 $0x0;
	s3 =	sadd.s32 @!p1 $0x4, s3;
	[sflag:s2] =	ssyncset.done @p1 $0x0  }
0x2a3: {  	s7 =	simm.s32 @!p1 $0x400;
	[sflag:s2] =	ssyncadd.s32 @p1 $0xFFFFFF7E;
	s2 =	sshll.u32 @!p1 s3, $0x1A  }
0x2a4: {  	s3 =	sshll.u32 @!p1 s3, $0xD;
	s2 =	sor.u32 @!p1 s2, s8;
	_ =	swait.eq @!p1 [sflag:s4], $0x1  }
0x2a5: {  	s3 =	sor.u32 @!p1 $0x1C04, s3;
	s4 =	simm.s32 @!p1 $0x1C03;
	s2 =	sor.u32 @!p1 $0x80004000, s2  }
0x2a6: {  	[spmem:s7], [sflag:s3] =	dma.general @!p1 [spmem:s5], [sflag:s4], length:$0x80, [dreg:$0x0], stride_count:$0x0, ici_dest:s2, dma_misc:DstOpCode:WRITE  }
0x2a7: {  	p2 =	slt.s32 s0, $0x2;
	s5 =	simm.s32 @!p1 $0x800;
	s7 =	simm.s32 @!p1 $0x802  }
0x2a8: {  	[spmem:s7], [sflag:s3] =	dma.general @!p1 [spmem:s5], [sflag:s4], length:$0x2, [dreg:$0x0], stride_count:$0x0, ici_dest:s2, dma_misc:DstOpCode:WRITE  }
.Ltmp47:
0x2a9: {  	s2 =	simm.s32 @!p1 $0x3;
	(pc) =	sbr.rel @p2 .LBB3_58-.Ltmp47, $4  }
0x2aa: {  	s3 =	sshll.u32 @!p1 s9, $0xE;
	_ =	swait.ge @!p1 [sflag:s2], $0x82  }
0x2ab: {  	s4 =	sshll.u32 @!p1 s8, $0x11;
	s3 =	sadd.s32 @!p1 $0x11C3C, s3;
	[sflag:s2] =	ssyncset.done @!p1 $0x0  }
0x2ac: {  	[sflag:s2] =	ssyncadd.s32 @!p1 $0xFFFFFF7E;
	s2 =	sor.u32 @!p1 s4, s3  }
0x2ad: {  	s0 =	simm.s32 $0x0;
	[sflag:s2] =	ssyncadd.remote.s32 @!p1 $0xFFFFFFFF  }
0x2ae: {  	s0 =	simm.s32 $0xC819  }
0x2af: {  	v0 =	vld.msk [tilespmem:s0+$0x0], $0x1;
	_ =	sdelay $0x4  }
0x2b0: {  	(v2sf) =	vpush v0, $0x0;
	_ =	sdelay $0xe  }
0x2b1: {  	s2 =	sadd.s32 $0xFFFFFFFE, s6;
	s3 =	spop (v2sf)  }
0x2b2: {  	s5 =	simm.s32 $0xCA38;
	s4 =	sadd.s32 $0xFFFFFFFF, s2;
	p1 =	sgt.u32 s3, $0x9FE70  }
0x2b3: {  	s0 =	simm.s32 $0x0;
	p2 =	sne.s32 s4, $0x0;
	s2 =	sand.u32 @!p1 $0xFFFF8, s3  }
0x2b4: {  	s6 =	sadd.s32 @!p1 $0x80, s3;
	s7 =	sadd.s32 @!p1 $0x100, s3;
	s8 =	sadd.s32 @!p1 s1, s2  }
0x2b5: {  	s2 =	sand.u32 @!p1 $0x7, s3;
	s6 =	sand.u32 @!p1 $0x1FFFF8, s6;
	s7 =	sand.u32 @!p1 $0x1FFFF8, s7  }
0x2b6: {  	[hbm4b:s8+s2] =	stream.linear.scatter @!p1 [tilespmem:s5], [sflag:$0x5], $0x80, $0x38;
	[tilespmem:$0x1C938] =	vst v63  }
0x2b7: {  	s5 =	simm.s32 @!p1 $0xCAB8;
	s6 =	sadd.s32 @!p1 s1, s6;
	s7 =	sadd.s32 @!p1 s1, s7  }
.Ltmp48:
0x2b8: {  	s8 =	sadd.s32 @!p1 $0x180, s3;
	s3 =	simm.s32 $0x0;
	(pc) =	sbr.rel @!p2 .LBB3_57-.Ltmp48, $4  }
0x2b9: {  	[hbm4b:s6+s2] =	stream.linear.scatter @!p1 [tilespmem:s5], [sflag:$0x5], $0x80, $0x38;
	[tilespmem:$0x1C938] =	vst v63  }
0x2ba: {  	s3 =	simm.s32 @!p1 $0x800;
	s8 =	sand.u32 @!p1 $0x1FFFF8, s8;
	s6 =	simm.s32 @!p1 $0xCB38  }
0x2bb: {  	[hbm4b:s7+s2] =	stream.linear.scatter @!p1 [tilespmem:s6], [sflag:$0x5], $0x80, $0x38;
	[tilespmem:$0x1C938] =	vst v63  }
0x2bc: {  	s5 =	simm.s32 $0xC81A;
	s6 =	simm.s32 $0xCC38;
	s7 =	simm.s32 @!p1 $0xCBB8  }
.LBB3_56:
0x2bd: {  	s4 =	sadd.s32 $0xFFFFFFFF, s4;
	s8 =	sadd.s32 @!p1 s1, s8;
	s0 =	sadd.s32 s0, s3  }
0x2be: {  	[hbm4b:s8+s2] =	stream.linear.scatter @!p1 [tilespmem:s7], [sflag:$0x5], $0x80, $0x38;
	[tilespmem:$0x1C938] =	vst v63  }
0x2bf: {  	p2 =	sne.s32 s4, $0x0;
	s7 =	smov.u32 s6;
	v0 =	vld.msk [tilespmem:s5+$0x0], $0x1;
	_ =	sdelay $0x4  }
0x2c0: {  	(v2sf) =	vpush v0, $0x0;
	_ =	sdelay $0xe  }
0x2c1: {  	s3 =	spop (v2sf)  }
0x2c2: {  	s6 =	sadd.s32 $0x200, s6;
	s5 =	sadd.s32 $0x1, s5;
	p1 =	sgt.u32 s3, $0x9FE70  }
0x2c3: {  	s2 =	sand.u32 @!p1 $0xFFFF8, s3;
	s8 =	sadd.s32 @!p1 $0x80, s3;
	s9 =	sadd.s32 @!p1 $0x100, s3  }
0x2c4: {  	s10 =	sadd.s32 @!p1 s1, s2;
	s2 =	sand.u32 @!p1 $0x7, s3;
	s8 =	sand.u32 @!p1 $0x1FFFF8, s8  }
0x2c5: {  	[hbm4b:s10+s2] =	stream.linear.scatter @!p1 [tilespmem:s7], [sflag:$0x5], $0x80, $0x38;
	[tilespmem:$0x1C938] =	vst v63  }
0x2c6: {  	s9 =	sand.u32 @!p1 $0x1FFFF8, s9;
	s10 =	sadd.s32 @!p1 $0x80, s7  }
.Ltmp49:
0x2c7: {  	s8 =	sadd.s32 @!p1 s1, s8;
	s9 =	sadd.s32 @!p1 s1, s9;
	(pc) =	sbr.rel @p2 .LBB3_56-.Ltmp49, $4  }
0x2c8: {  	[hbm4b:s8+s2] =	stream.linear.scatter @!p1 [tilespmem:s10], [sflag:$0x5], $0x80, $0x38;
	[tilespmem:$0x1C938] =	vst v63  }
0x2c9: {  	s8 =	sadd.s32 @!p1 $0x100, s7;
	s10 =	sadd.s32 @!p1 $0x180, s3;
	s3 =	simm.s32 $0x0  }
0x2ca: {  	[hbm4b:s9+s2] =	stream.linear.scatter @!p1 [tilespmem:s8], [sflag:$0x5], $0x80, $0x38;
	[tilespmem:$0x1C938] =	vst v63  }
0x2cb: {  	s7 =	sadd.s32 @!p1 $0x180, s7;
	s3 =	simm.s32 @!p1 $0x800;
	s8 =	sand.u32 @!p1 $0x1FFFF8, s10  }
.LBB3_57:
0x2cc: {  	s4 =	sadd.s32 @!p1 s1, s8;
	s0 =	sadd.s32 s0, s3  }
0x2cd: {  	[hbm4b:s4+s2] =	stream.linear.scatter @!p1 [tilespmem:s7], [sflag:$0x5], $0x80, $0x38;
	[tilespmem:$0x1C938] =	vst v63  }
0x2ce: {  	s0 =	sshrl.u32 s0, $0x2  }
.LBB3_58:
0x2cf: {  	s2 =	simm.s32 $0x5  }
0x2d0: {  	_ =	swait.ge [sflag:s2], s0  }
0x2d1: {  	s31 =	ssub.s32 $0x0, s0;
	[sflag:s2] =	ssyncset.done $0x0  }
0x2d2: {  	[sflag:s2] =	ssyncadd.s32 s31  }
0x2d3: {  	[sflag:s2] =	ssyncpa.u1 $0x1  }
.LBB3_59:
0x2d4: {  	s0 =	sor.u32 s16, s17  }
0x2d5: {  	p1 =	sne.s32 s0, $0x0  }
.Ltmp50:
0x2d6: {  	_ = 	snop;
	(pc) =	sbr.rel @p1 .LBB3_82-.Ltmp50, $3  }
0x2d7: {  	_ =	sdelay $0x1  }
0x2d8: {  	[bflag:$0x0] =	sbarrier.arrive $0xFFFF  }
0x2d9: {  	_ =	sfence  }
0x2da: {  	s0 =	simm.s32 $0x7  }
0x2db: {  	s2 =	simm.s32 $0x4000;
	s3 =	simm.s32 $0xC818;
	[sflag:s0] =	ssyncpa.u1 $0x0  }
0x2dc: {  	[tilespmem:s3], [sflag:$0x7] =	stream.linear.gather [spmem:s2], $0x20, $0x38;
	[tilespmem:$0x1C938] =	vst v63  }
0x2dd: {  	s2 =	simm.s32 $0x0;
	s3 =	simm.s32 $0xC838  }
0x2de: {  	[tilespmem:s3], [sflag:$0x7] =	stream.linear.gather [spmem:s2], $0x4000, $0x38;
	[tilespmem:$0x1C938] =	vst v63  }
.Ltmp51:
0x2df: {  	_ = 	snop;
	(pc) =	sbr.rel .LBB3_61-.Ltmp51, $4  }
0x2e0: {  	_ =	swait.ge [sflag:s0], $0x4020  }
0x2e1: {  	s4 =	simm.s32 $0x8;
	[sflag:s0] =	ssyncset.done $0x0  }
0x2e2: {  	s5 =	simm.s32 $0xC688;
	s6 =	simm.s32 $0xC708;
	[sflag:s0] =	ssyncadd.s32 $0xFFFFBFE0  }
0x2e3: {  	s7 =	simm.s32 $0xC788;
	s8 =	simm.s32 $0x0;
	[sflag:s4] =	ssyncpa.u1 $0x0  }
.LBB3_76:
0x2e4: {  	s8 =	sadd.s32 $0x1, s8  }
0x2e5: {  	p1 =	sne.s32 s8, $0x20  }
.Ltmp52:
0x2e6: {  	_ = 	snop;
	(pc) =	sbr.rel @!p1 .LBB3_77-.Ltmp52, $2  }
0x2e7: {  	_ =	sdelay $0x2  }
0x2e8: {  	s3 =	sadd.s32 $0x200, s3  }
.LBB3_61:
0x2e9: {  	v0 =	vld.msk [tilespmem:s8+$0xC818], $0x1;
	_ =	sdelay $0x4  }
0x2ea: {  	(v2sf) =	vpush v0, $0x0;
	_ =	sdelay $0xe  }
0x2eb: {  	s0 =	spop (v2sf)  }
0x2ec: {  	p1 =	seq.s32 s0, $0xFFFFFFFF  }
.Ltmp53:
0x2ed: {  	_ = 	snop;
	(pc) =	sbr.rel @p1 .LBB3_76-.Ltmp53, $1  }
0x2ee: {  	_ =	sdelay $0x3  }
0x2ef: {  	p1 =	slt.s32 s2, $0x1  }
.Ltmp54:
0x2f0: {  	_ = 	snop;
	(pc) =	sbr.rel @p1 .LBB3_69-.Ltmp54, $1  }
0x2f1: {  	_ =	sdelay $0x3  }
0x2f2: {  	s9 =	simm.s32 $0xC818;
	p1 =	por $0x0, $0x0  }
0x2f3: {  	v1 =	vld.msk @!p1 [tilespmem:s9+$0x0], $0x1;
	_ =	sdelay $0x4  }
0x2f4: {  	(v2sf) =	vpush @!p1 v1, $0x0;
	_ =	sdelay $0xd  }
0x2f5: {  	p3 =	sne.s32 s2, $0x1  }
.Ltmp55:
0x2f6: {  	s10 =	spop @!p1 (v2sf);
	(pc) =	sbr.rel @!p3 .LBB3_65-.Ltmp55, $4  }
0x2f7: {  	p2 =	seq.s32 @!p1 s0, s10  }
0x2f8: {  	s10 =	simm.s32 $0x0;
	p2 =	por !p2, p1  }
0x2f9: {  	s12 =	simm.s32 $0xFFFFFFFF;
	s10 =	simm.s32 @p2 $0xFFFFFFFF  }
0x2fa: {  	s11 =	simm.s32 $0x1;
	s10 =	smov.u32 @p1 s12  }
.LBB3_64:
0x2fb: {  	s12 =	smov.u32 s10;
	p1 =	sne.s32 s10, $0xFFFFFFFF  }
0x2fc: {  	s9 =	sadd.s32 $0x1, s9;
	s10 =	smov.u32 s11;
	s11 =	sadd.s32 $0x1, s11  }
0x2fd: {  	p2 =	sne.s32 s2, s11;
	v1 =	vld.msk @!p1 [tilespmem:s9+$0x0], $0x1;
	_ =	sdelay $0x4  }
0x2fe: {  	(v2sf) =	vpush @!p1 v1, $0x0;
	_ =	sdelay $0xe  }
.Ltmp56:
0x2ff: {  	s13 =	spop @!p1 (v2sf);
	(pc) =	sbr.rel @p2 .LBB3_64-.Ltmp56, $4  }
0x300: {  	p3 =	seq.s32 @!p1 s0, s13  }
0x301: {  	p3 =	por !p3, p1  }
0x302: {  	s10 =	simm.s32 @p3 $0xFFFFFFFF  }
0x303: {  	s10 =	smov.u32 @p1 s12  }
.LBB3_65:
0x304: {  	p1 =	seq.s32 s10, $0xFFFFFFFF  }
.Ltmp57:
0x305: {  	_ = 	snop;
	(pc) =	sbr.rel @p1 .LBB3_69-.Ltmp57, $1  }
0x306: {  	_ =	sdelay $0x3  }
0x307: {  	s0 =	sshll.u32 s10, $0xB  }
0x308: {  	s0 =	sshra.s32 s0, $0x2  }
0x309: {  	s9 =	simm.s32 $0x0;
	v0 =	vld [tilespmem:s3+$0x0];
	s10 =	smov.u32 s3;
	s0 =	sadd.s32 $0xC838, s0  }
.LBB3_67:
0x30a: {  	s9 =	sadd.s32 $0x10, s9  }
0x30b: {  	p1 =	slt.u32 s9, $0x1F0  }
.Ltmp58:
0x30c: {  	_ = 	snop;
	(pc) =	sbr.rel @p1 .LBB3_67-.Ltmp58, $3  }
0x30d: {  	_ =	sdelay $0x1  }
0x30e: {  	s10 =	sadd.s32 $0x10, s10;
	[tilespmem:s0+$0x0] =	vst.add.f32.msk $0xffff, v0;
	s0 =	sadd.s32 $0x10, s0  }
0x30f: {  	v0 =	vld [tilespmem:s10+$0x0]  }
.Ltmp59:
0x310: {  	_ = 	snop;
	(pc) =	sbr.rel .LBB3_76-.Ltmp59, $2  }
0x311: {  	_ =	sdelay $0x2  }
0x312: {  	[tilespmem:s0+$0x0] =	vst.add.f32.msk $0xffff, v0  }
.LBB3_69:
0x313: {  	p1 =	sgt.u32 s0, $0x9FE70  }
.Ltmp60:
0x314: {  	_ = 	snop;
	(pc) =	sbr.rel @p1 .LBB3_73-.Ltmp60, $1  }
0x315: {  	_ =	sdelay $0x3  }
0x316: {  	s9 =	sand.u32 $0xFFFF8, s0;
	s11 =	sand.u32 $0x7, s0  }
0x317: {  	s29 =	sadd.s32 $0x80, s0;
	s10 =	sadd.s32 s1, s9;
	s9 =	simm.s32 $0xC608  }
0x318: {  	[tilespmem:s9], [sflag:$0x8] =	stream.linear.gather [hbm4b:s10+s11], $0x80, $0x38;
	[tilespmem:$0x1C938] =	vst v63  }
0x319: {  	s10 =	sand.u32 $0x1FFFF8, s29  }
0x31a: {  	s30 =	sadd.s32 $0x100, s0;
	s10 =	sadd.s32 s1, s10  }
0x31b: {  	[tilespmem:s5], [sflag:$0x8] =	stream.linear.gather [hbm4b:s10+s11], $0x80, $0x38;
	[tilespmem:$0x1C938] =	vst v63  }
0x31c: {  	s31 =	sadd.s32 $0x180, s0;
	s10 =	sand.u32 $0x1FFFF8, s30  }
0x31d: {  	s0 =	sand.u32 $0x1FFFF8, s31;
	s10 =	sadd.s32 s1, s10  }
0x31e: {  	[tilespmem:s6], [sflag:$0x8] =	stream.linear.gather [hbm4b:s10+s11], $0x80, $0x38;
	[tilespmem:$0x1C938] =	vst v63  }
0x31f: {  	s0 =	sadd.s32 s1, s0  }
0x320: {  	[tilespmem:s7], [sflag:$0x8] =	stream.linear.gather [hbm4b:s0+s11], $0x80, $0x38;
	[tilespmem:$0x1C938] =	vst v63  }
0x321: {  	_ =	swait.ge [sflag:s4], $0x200  }
0x322: {  	[sflag:s4] =	ssyncset.done $0x0  }
0x323: {  	[sflag:s4] =	ssyncadd.s32 $0xFFFFFE00  }
0x324: {  	s10 =	smov.u32 s3;
	s0 =	simm.s32 $0x0;
	v1 =	vld [tilespmem:s9+$0x0]  }
.LBB3_71:
0x325: {  	s0 =	sadd.s32 $0x10, s0  }
0x326: {  	p1 =	slt.u32 s0, $0x1F0  }
.Ltmp61:
0x327: {  	_ = 	snop;
	(pc) =	sbr.rel @p1 .LBB3_71-.Ltmp61, $3  }
0x328: {  	_ =	sdelay $0x1  }
0x329: {  	s9 =	sadd.s32 $0x10, s9;
	[tilespmem:s10+$0x0] =	vst.add.f32.msk $0xffff, v1;
	s10 =	sadd.s32 $0x10, s10  }
0x32a: {  	v1 =	vld [tilespmem:s9+$0x0]  }
0x32b: {  	_ =	sdelay $0x3  }
0x32c: {  	[tilespmem:s10+$0x0] =	vst.add.f32.msk $0xffff, v1  }
.LBB3_73:
0x32d: {  	s0 =	sshll.u32 s2, $0xB  }
0x32e: {  	[tilespmem:s2+$0xC818] =	vst.msk $0x1, v0;
	s0 =	sshra.s32 s0, $0x2  }
0x32f: {  	s9 =	simm.s32 $0x0;
	s10 =	smov.u32 s3;
	v0 =	vld [tilespmem:s3+$0x0];
	s0 =	sadd.s32 $0xC838, s0  }
.LBB3_74:
0x330: {  	s9 =	sadd.s32 $0x10, s9  }
0x331: {  	p1 =	slt.u32 s9, $0x1F0  }
.Ltmp62:
0x332: {  	_ = 	snop;
	(pc) =	sbr.rel @p1 .LBB3_74-.Ltmp62, $3  }
0x333: {  	_ =	sdelay $0x1  }
0x334: {  	s10 =	sadd.s32 $0x10, s10;
	[tilespmem:s0+$0x0] =	vst v0;
	s0 =	sadd.s32 $0x10, s0  }
0x335: {  	v0 =	vld [tilespmem:s10+$0x0]  }
.Ltmp63:
0x336: {  	_ = 	snop;
	(pc) =	sbr.rel .LBB3_76-.Ltmp63, $2  }
0x337: {  	_ =	sdelay $0x2  }
0x338: {  	s2 =	sadd.s32 $0x1, s2;
	[tilespmem:s0+$0x0] =	vst v0  }
.LBB3_77:
0x339: {  	p1 =	slt.s32 s2, $0x1  }
.Ltmp64:
0x33a: {  	_ = 	snop;
	(pc) =	sbr.rel @p1 .LBB3_81-.Ltmp64, $3  }
0x33b: {  	_ =	sdelay $0x1  }
0x33c: {  	s0 =	simm.s32 $0x8  }
0x33d: {  	[sflag:s0] =	ssyncpa.u1 $0x1;
	s0 =	simm.s32 $0x0  }
0x33e: {  	s3 =	simm.s32 $0xC818  }
0x33f: {  	v0 =	vld.msk [tilespmem:s3+$0x0], $0x1;
	_ =	sdelay $0x4  }
0x340: {  	(v2sf) =	vpush v0, $0x0;
	_ =	sdelay $0xe  }
0x341: {  	s7 =	spop (v2sf)  }
0x342: {  	s2 =	sadd.s32 $0xFFFFFFFF, s2;
	p1 =	sgt.u32 s7, $0x9FE70  }
0x343: {  	s3 =	simm.s32 $0xC838;
	s4 =	sand.u32 @!p1 $0xFFFF8, s7;
	s8 =	sadd.s32 @!p1 $0x80, s7  }
0x344: {  	s5 =	sand.u32 @!p1 $0x7, s7;
	s4 =	sadd.s32 @!p1 s1, s4;
	s8 =	sand.u32 @!p1 $0x1FFFF8, s8  }
0x345: {  	[hbm4b:s4+s5] =	stream.linear.scatter @!p1 [tilespmem:s3], [sflag:$0x7], $0x80, $0x38;
	[tilespmem:$0x1C938] =	vst v63  }
0x346: {  	p2 =	sne.s32 s2, $0x0;
	s3 =	simm.s32 @!p1 $0xC8B8;
	s4 =	sadd.s32 @!p1 s1, s8  }
0x347: {  	[hbm4b:s4+s5] =	stream.linear.scatter @!p1 [tilespmem:s3], [sflag:$0x7], $0x80, $0x38;
	[tilespmem:$0x1C938] =	vst v63  }
.Ltmp65:
0x348: {  	s6 =	simm.s32 $0x0;
	s9 =	sadd.s32 @!p1 $0x100, s7;
	(pc) =	sbr.rel @!p2 .LBB3_80-.Ltmp65, $4  }
0x349: {  	s6 =	simm.s32 @!p1 $0x800;
	s8 =	sand.u32 @!p1 $0x1FFFF8, s9;
	s3 =	simm.s32 @!p1 $0xC938  }
0x34a: {  	s4 =	sadd.s32 @!p1 s1, s8;
	s8 =	sadd.s32 @!p1 $0x180, s7;
	s7 =	simm.s32 @!p1 $0xC9B8  }
0x34b: {  	[hbm4b:s4+s5] =	stream.linear.scatter @!p1 [tilespmem:s3], [sflag:$0x7], $0x80, $0x38;
	[tilespmem:$0x1C938] =	vst v63  }
0x34c: {  	s8 =	sand.u32 @!p1 $0x1FFFF8, s8;
	s3 =	simm.s32 $0xC819;
	s4 =	simm.s32 $0xCA38  }
.LBB3_79:
0x34d: {  	s2 =	sadd.s32 $0xFFFFFFFF, s2;
	s8 =	sadd.s32 @!p1 s1, s8;
	s0 =	sadd.s32 s0, s6  }
0x34e: {  	[hbm4b:s8+s5] =	stream.linear.scatter @!p1 [tilespmem:s7], [sflag:$0x7], $0x80, $0x38;
	[tilespmem:$0x1C938] =	vst v63  }
0x34f: {  	p2 =	sne.s32 s2, $0x0;
	s7 =	smov.u32 s4;
	v0 =	vld.msk [tilespmem:s3+$0x0], $0x1;
	_ =	sdelay $0x4  }
0x350: {  	(v2sf) =	vpush v0, $0x0;
	_ =	sdelay $0xe  }
0x351: {  	s6 =	spop (v2sf)  }
0x352: {  	s4 =	sadd.s32 $0x200, s4;
	s3 =	sadd.s32 $0x1, s3;
	p1 =	sgt.u32 s6, $0x9FE70  }
0x353: {  	s5 =	sand.u32 @!p1 $0xFFFF8, s6;
	s8 =	sadd.s32 @!p1 $0x80, s6;
	s9 =	sadd.s32 @!p1 $0x100, s6  }
0x354: {  	s10 =	sadd.s32 @!p1 s1, s5;
	s5 =	sand.u32 @!p1 $0x7, s6;
	s8 =	sand.u32 @!p1 $0x1FFFF8, s8  }
0x355: {  	[hbm4b:s10+s5] =	stream.linear.scatter @!p1 [tilespmem:s7], [sflag:$0x7], $0x80, $0x38;
	[tilespmem:$0x1C938] =	vst v63  }
0x356: {  	s9 =	sand.u32 @!p1 $0x1FFFF8, s9;
	s10 =	sadd.s32 @!p1 $0x80, s7  }
.Ltmp66:
0x357: {  	s8 =	sadd.s32 @!p1 s1, s8;
	s9 =	sadd.s32 @!p1 s1, s9;
	(pc) =	sbr.rel @p2 .LBB3_79-.Ltmp66, $4  }
0x358: {  	[hbm4b:s8+s5] =	stream.linear.scatter @!p1 [tilespmem:s10], [sflag:$0x7], $0x80, $0x38;
	[tilespmem:$0x1C938] =	vst v63  }
0x359: {  	s8 =	sadd.s32 @!p1 $0x100, s7;
	s10 =	sadd.s32 @!p1 $0x180, s6;
	s6 =	simm.s32 $0x0  }
0x35a: {  	[hbm4b:s9+s5] =	stream.linear.scatter @!p1 [tilespmem:s8], [sflag:$0x7], $0x80, $0x38;
	[tilespmem:$0x1C938] =	vst v63  }
0x35b: {  	s7 =	sadd.s32 @!p1 $0x180, s7;
	s6 =	simm.s32 @!p1 $0x800;
	s8 =	sand.u32 @!p1 $0x1FFFF8, s10  }
.LBB3_80:
0x35c: {  	s1 =	sadd.s32 @!p1 s1, s8;
	s0 =	sadd.s32 s0, s6  }
0x35d: {  	[hbm4b:s1+s5] =	stream.linear.scatter @!p1 [tilespmem:s7], [sflag:$0x7], $0x80, $0x38;
	[tilespmem:$0x1C938] =	vst v63  }
0x35e: {  	s0 =	sshrl.u32 s0, $0x2  }
.LBB3_81:
0x35f: {  	s1 =	simm.s32 $0x7  }
0x360: {  	_ =	swait.ge [sflag:s1], s0  }
0x361: {  	s31 =	ssub.s32 $0x0, s0;
	[sflag:s1] =	ssyncset.done $0x0  }
0x362: {  	[sflag:s1] =	ssyncadd.s32 s31  }
0x363: {  	[sflag:s1] =	ssyncpa.u1 $0x1  }
.LBB3_82:
0x364: {  	_ =	sfence;
	s0 =	simm.s32 $0x1  }
0x365: {  	[sflag:s0] =	ssyncpa.u1 $0x1  }
0x366: {  	_ =	strace $0x9000004A  }
0x367: {  	[bflag:$0x2] =	sbarrier.arrive $0xFFFF  }
0x368: {  	s0 =	rddreg [dreg:$0x3]  }
0x369: {  	s0 =	sadd.s32 @!p0 $0x100000, s0  }
0x36a: {  	[sflag:s0] =	ssyncadd.tile.s32 @!p0 $0x1;
	_ =	shalt  }
.Lfunc_end3:
_tile_overlayer_lowered:
.L_overlay_start_3:
0x36b: {  	(tag) =	ssettag $0x3  }
0x36c: {  	s0 =	rddreg [dreg:$0x0];
	s2 =	stileid.u32  }
0x36d: {  	s1 =	rddreg [dreg:$0x1];
	p0 =	sne.s32 s2, $0x0  }
0x36e: {  	s3 =	rddreg [dreg:$0x2];
	[bflag:$0x3] =	sbarrier.arrive $0xFFFF;
	s2 =	simm.s32 @!p0 $0x1C01  }
0x36f: {  	[timem:s3], [sflag:s2] =	dma.local @!p0 [hbm:s0], s1  }
0x370: {  	s0 =	simm.s32 @!p0 $0x1  }
0x371: {  	_ =	swait.ge @!p0 [sflag:s0], s1  }
0x372: {  	s1 =	ssub.s32 @!p0 $0x0, s1;
	[sflag:s0] =	ssyncset.done @!p0 $0x0  }
0x373: {  	[sflag:s0] =	ssyncadd.s32 @!p0 s1  }
0x374: {  	[bflag:$0x3] =	sbarrier.arrive $0xFFFF  }
0x375: {  	_ =	shalt  }

</sc_bundles>
